<compile_context>
chip_gen: v7x
topology: tpu7x:2x2x1
jax: 0.10.2.dev20260603
libtpu: 0.0.44.dev20260713+nightly
codegen_flags: <defaults>
</compile_context>

<pallas_src>
import functools

import jax
import jax.numpy as jnp
from jax import lax
from jax.experimental import pallas as pl
from jax.experimental.pallas import tpu as pltpu
from jax.experimental.pallas import tpu_sc as plsc

NBINS = 256
L = 16
NC = 2
NS = 16
NW = NC * NS
UNROLL = 2
NBUF = 4
BR = 8
BC = 1024


def _make_sc_bucketize(n_rows: int, n_cols: int):
    cpr = n_cols // BC
    nchunk_total = (n_rows // BR) * cpr
    assert nchunk_total % (NW * NBUF) == 0
    nchunk = nchunk_total // NW
    rounds = nchunk // NBUF

    mesh = plsc.VectorSubcoreMesh(core_axis_name="c", subcore_axis_name="s")

    @functools.partial(
        pl.kernel,
        mesh=mesh,
        out_type=jax.ShapeDtypeStruct((n_rows, n_cols), jnp.int32),
        scratch_types=(
            [pltpu.VMEM((BR, BC), jnp.float32) for _ in range(NBUF)]
            + [pltpu.VMEM((BR, BC), jnp.int32) for _ in range(NBUF)]
            + [pltpu.VMEM((2 * L,), jnp.float32)]
            + [pltpu.SemaphoreType.DMA for _ in range(2 * NBUF)]
        ),
    )
    def sc_bucketize(x_hbm, consts_hbm, y_hbm, *bufs):
        inb = bufs[:NBUF]
        outb = bufs[NBUF:2 * NBUF]
        cv = bufs[2 * NBUF]
        isem = bufs[2 * NBUF + 1:2 * NBUF + 1 + NBUF]
        osem = bufs[2 * NBUF + 1 + NBUF:]

        wid = lax.axis_index("s") * NC + lax.axis_index("c")
        base = wid * nchunk

        pltpu.sync_copy(consts_hbm, cv)
        scale = cv[pl.ds(0, L)]
        beta = cv[pl.ds(L, L)]
        top = jnp.full((L,), NBINS, jnp.int32)

        def compute(src, dst):
            @plsc.parallel_loop(0, BC, step=L, unroll=UNROLL)
            def _(o):
                for r in range(BR):
                    v = src[r, pl.ds(o, L)]
                    t = v * scale + beta
                    k = t.astype(jnp.int32)
                    k = jnp.minimum(k, top)
                    dst[r, pl.ds(o, L)] = k

        def block_off(c):
            cc = base + c
            rr = pl.multiple_of((cc // cpr) * BR, 8)
            co = pl.multiple_of((cc % cpr) * BC, 128)
            return rr, co

        def start_in(c, b):
            rr, co = block_off(c)
            pltpu.async_copy(
                x_hbm.at[pl.ds(rr, BR), pl.ds(co, BC)], inb[b], isem[b])

        def wait_in(b):
            pltpu.make_async_copy(
                x_hbm.at[pl.ds(0, BR), pl.ds(0, BC)], inb[b], isem[b]).wait()

        def start_out(b, c):
            rr, co = block_off(c)
            pltpu.async_copy(
                outb[b], y_hbm.at[pl.ds(rr, BR), pl.ds(co, BC)], osem[b])

        def wait_out(b):
            pltpu.make_async_copy(
                outb[b], y_hbm.at[pl.ds(0, BR), pl.ds(0, BC)], osem[b]).wait()

        for b in range(NBUF):
            start_in(b, b)

        def round_body(q, carry):
            for b in range(NBUF):
                c = q * NBUF + b
                wait_in(b)

                @pl.when(q > 0)
                def _():
                    wait_out(b)

                compute(inb[b], outb[b])
                start_out(b, c)

                @pl.when(q < rounds - 1)
                def _():
                    start_in(c + NBUF, b)
            return carry

        lax.fori_loop(0, rounds, round_body, 0)
        for b in range(NBUF):
            wait_out(b)

    return sc_bucketize


def kernel(x, fMin, fMax):
    b0, b1, b2 = x.shape
    xt = jnp.transpose(x, (0, 2, 1)).reshape(b0 * b2, b1)
    scale = jnp.float32(NBINS - 1) / (fMax - fMin)
    beta = jnp.float32(1.0) - fMin * scale
    consts = jnp.concatenate([
        jnp.full((L,), scale, jnp.float32),
        jnp.full((L,), beta, jnp.float32),
    ])
    y = _make_sc_bucketize(b0 * b2, b1)(xt, consts)
    return y.reshape(b0, b2, b1).transpose(0, 2, 1).astype(jnp.int64)

# --- scband reference (transcript-rebuilt; emitter-appended) ---
"""Pipeline reference for scband-tokenize-distribution-83416854823437 (READ-ONLY COPY).

The authoritative reference and input builder live on the scoring server;
editing this copy changes nothing except your own understanding.
"""

import jax, jax.numpy as jnp
import numpy as np

NUM_BINS = 256

def setup_inputs(seed: int = 0) -> dict:
    key = jax.random.key(seed)
    x = jax.random.uniform(key, (64, 4096, 64), dtype=jnp.float32)
    fMin = jnp.zeros((), dtype=jnp.float32)
    fMax = jnp.ones((), dtype=jnp.float32)
    return {"x": x, "fMin": fMin, "fMax": fMax}

def reference(x, fMin, fMax):
    # bin_boundaries = tf.linspace(fMin, fMax, num_bins)
    boundaries = jnp.linspace(fMin, fMax, NUM_BINS)
    # tf.keras.layers.Discretization(bin_boundaries=...) == tf.raw_ops.Bucketize:
    # output[i] = number of boundaries <= x[i]  -> searchsorted side='right'
    y = jnp.searchsorted(boundaries, x, side='right')
    return y.astype(jnp.int64)

if __name__ == "__main__":
    import jax
    _d = setup_inputs()
    print(jax.jit(kernel)(*tuple(_d.values())))

</pallas_src>

<mosaic_0001>
#map = affine_map<(d0, d1) -> (0, 0)>
#map1 = affine_map<(d0, d1) -> (0)>
module attributes {stable_mosaic.version = 14 : i64} {
  func.func @sc_bucketize(%arg0: i32, %arg1: i32, %arg2: memref<4096x4096xf32, #tpu.memory_space<hbm>>, %arg3: memref<32xf32, #tpu.memory_space<hbm>>, %arg4: memref<4096x4096xi32, #tpu.memory_space<hbm>>, %arg5: memref<8x1024xf32, #tpu.memory_space<vmem>>, %arg6: memref<8x1024xf32, #tpu.memory_space<vmem>>, %arg7: memref<8x1024xf32, #tpu.memory_space<vmem>>, %arg8: memref<8x1024xf32, #tpu.memory_space<vmem>>, %arg9: memref<8x1024xi32, #tpu.memory_space<vmem>>, %arg10: memref<8x1024xi32, #tpu.memory_space<vmem>>, %arg11: memref<8x1024xi32, #tpu.memory_space<vmem>>, %arg12: memref<8x1024xi32, #tpu.memory_space<vmem>>, %arg13: memref<32xf32, #tpu.memory_space<vmem>>, %arg14: memref<!tpu.dma_semaphore, #tpu.memory_space<semaphore_mem>>, %arg15: memref<!tpu.dma_semaphore, #tpu.memory_space<semaphore_mem>>, %arg16: memref<!tpu.dma_semaphore, #tpu.memory_space<semaphore_mem>>, %arg17: memref<!tpu.dma_semaphore, #tpu.memory_space<semaphore_mem>>, %arg18: memref<!tpu.dma_semaphore, #tpu.memory_space<semaphore_mem>>, %arg19: memref<!tpu.dma_semaphore, #tpu.memory_space<semaphore_mem>>, %arg20: memref<!tpu.dma_semaphore, #tpu.memory_space<semaphore_mem>>, %arg21: memref<!tpu.dma_semaphore, #tpu.memory_space<semaphore_mem>>) attributes {dimension_semantics = [#tpu.dimension_semantics<core_parallel>, #tpu.dimension_semantics<subcore_parallel>], iteration_bounds = array<i64: 2, 16>, scalar_prefetch = 0 : i64, scratch_operands = 17 : i64, tpu.core_type = #tpu.core_type<sc_vector_subcore>, window_params = [{transform_indices = #map}, {transform_indices = #map1}, {transform_indices = #map}]} {
    %mul3A = arith.constant 2 : i32
    %mul3A_0 = arith.muli %arg1, %mul3A : i32
    %add3A = arith.addi %mul3A_0, %arg0 : i32
    %mul3A_1 = arith.constant 64 : i32
    %mul3A_2 = arith.muli %add3A, %mul3A_1 : i32
    "tpu.region"() ({
      %run_scoped3A = tpu.sem_alloc : memref<!tpu.dma_semaphore, #tpu.memory_space<semaphore_mem>>
      tpu.enqueue_dma source(%arg3 : memref<32xf32, #tpu.memory_space<hbm>>) target(%arg13 : memref<32xf32, #tpu.memory_space<vmem>>) target_semaphore(%run_scoped3A : memref<!tpu.dma_semaphore, #tpu.memory_space<semaphore_mem>>)
      tpu.wait_dma2 semaphore(%run_scoped3A : memref<!tpu.dma_semaphore, #tpu.memory_space<semaphore_mem>>) src(%arg3 : memref<32xf32, #tpu.memory_space<hbm>>) dst(%arg13 : memref<32xf32, #tpu.memory_space<vmem>>)
      tpu.yield
    }) : () -> ()
    %get3A = arith.constant 0 : index
    %get3A_3 = tpu.vector_load %arg13[%get3A] {strides = array<i32>} : memref<32xf32, #tpu.memory_space<vmem>>, vector<16xf32>,
    %get3A_4 = vector.shape_cast %get3A_3 : vector<16xf32> to vector<16xf32>
    %get3A_5 = arith.constant 16 : index
    %get3A_6 = tpu.vector_load %arg13[%get3A_5] {strides = array<i32>} : memref<32xf32, #tpu.memory_space<vmem>>, vector<16xf32>,
    %get3A_7 = vector.shape_cast %get3A_6 : vector<16xf32> to vector<16xf32>
    %broadcast_in_dim3A = arith.constant 256 : i32
    %broadcast_in_dim3A_8 = vector.broadcast %broadcast_in_dim3A : i32 to vector<16xi32>
    %add3A_9 = arith.constant 0 : i32
    %add3A_10 = arith.addi %mul3A_2, %add3A_9 : i32
    %jit3A = arith.constant 4 : i32
    %div3A = arith.divsi %add3A_10, %jit3A : i32
    %sign3A = arith.constant 0 : i32
    %sign3A_11 = arith.cmpi sgt, %add3A_10, %sign3A : i32
    %sign3A_12 = arith.extui %sign3A_11 : i1 to i32
    %sign3A_13 = arith.constant 0 : i32
    %sign3A_14 = arith.cmpi slt, %add3A_10, %sign3A_13 : i32
    %sign3A_15 = arith.extui %sign3A_14 : i1 to i32
    %sign3A_16 = arith.subi %sign3A_12, %sign3A_15 : i32
    %sign3A_17 = arith.constant 0 : i32
    %sign3A_18 = arith.cmpi sgt, %jit3A, %sign3A_17 : i32
    %sign3A_19 = arith.extui %sign3A_18 : i1 to i32
    %sign3A_20 = arith.constant 0 : i32
    %sign3A_21 = arith.cmpi slt, %jit3A, %sign3A_20 : i32
    %sign3A_22 = arith.extui %sign3A_21 : i1 to i32
    %sign3A_23 = arith.subi %sign3A_19, %sign3A_22 : i32
    %ne3A = arith.cmpi ne, %sign3A_16, %sign3A_23 : i32
    %rem3A = arith.remsi %add3A_10, %jit3A : i32
    %ne3A_24 = arith.constant 0 : i32
    %ne3A_25 = arith.cmpi ne, %rem3A, %ne3A_24 : i32
    %and3A = arith.andi %ne3A, %ne3A_25 : i1
    %sub3A = arith.constant 1 : i32
    %sub3A_26 = arith.subi %div3A, %sub3A : i32
    %select_n3A = arith.select %and3A, %sub3A_26, %div3A : i32
    %mul3A_27 = arith.constant 8 : i32
    %mul3A_28 = arith.muli %select_n3A, %mul3A_27 : i32
    %multiple_of3A = tpu.assume_multiple %mul3A_28, 8 : i32
    %jit3A_29 = arith.constant 4 : i32
    %eq3A = arith.constant 0 : i32
    %eq3A_30 = arith.cmpi eq, %jit3A_29, %eq3A : i32
    %jit3A_31 = arith.constant 1 : i32
    %select_n3A_32 = arith.select %eq3A_30, %jit3A_31, %jit3A_29 : i32
    %rem3A_33 = arith.remsi %add3A_10, %select_n3A_32 : i32
    %ne3A_34 = arith.constant 0 : i32
    %ne3A_35 = arith.cmpi ne, %rem3A_33, %ne3A_34 : i32
    %lt3A = arith.constant 0 : i32
    %lt3A_36 = arith.cmpi slt, %rem3A_33, %lt3A : i32
    %lt3A_37 = arith.constant 0 : i32
    %lt3A_38 = arith.cmpi slt, %select_n3A_32, %lt3A_37 : i32
    %ne3A_39 = arith.xori %lt3A_36, %lt3A_38 : i1
    %and3A_40 = arith.andi %ne3A_39, %ne3A_35 : i1
    %add3A_41 = arith.addi %rem3A_33, %select_n3A_32 : i32
    %select_n3A_42 = arith.select %and3A_40, %add3A_41, %rem3A_33 : i32
    %mul3A_43 = arith.constant 1024 : i32
    %mul3A_44 = arith.muli %select_n3A_42, %mul3A_43 : i32
    %multiple_of3A_45 = tpu.assume_multiple %mul3A_44, 128 : i32
    %dma_start3A = tpu.memref_slice %arg2[%multiple_of3A, %multiple_of3A_45] : memref<4096x4096xf32, #tpu.memory_space<hbm>> -> memref<8x1024xf32, #tpu.memory_space<hbm>>
    %dma_start3A_46 = tpu.memref_slice %arg2[%multiple_of3A, %multiple_of3A_45] : memref<4096x4096xf32, #tpu.memory_space<hbm>> -> memref<8x1024xf32, #tpu.memory_space<hbm>>
    tpu.enqueue_dma source(%dma_start3A_46 : memref<8x1024xf32, #tpu.memory_space<hbm>>) target(%arg5 : memref<8x1024xf32, #tpu.memory_space<vmem>>) target_semaphore(%arg14 : memref<!tpu.dma_semaphore, #tpu.memory_space<semaphore_mem>>)
    %add3A_47 = arith.constant 1 : i32
    %add3A_48 = arith.addi %mul3A_2, %add3A_47 : i32
    %jit3A_49 = arith.constant 4 : i32
    %div3A_50 = arith.divsi %add3A_48, %jit3A_49 : i32
    %sign3A_51 = arith.constant 0 : i32
    %sign3A_52 = arith.cmpi sgt, %add3A_48, %sign3A_51 : i32
    %sign3A_53 = arith.extui %sign3A_52 : i1 to i32
    %sign3A_54 = arith.constant 0 : i32
    %sign3A_55 = arith.cmpi slt, %add3A_48, %sign3A_54 : i32
    %sign3A_56 = arith.extui %sign3A_55 : i1 to i32
    %sign3A_57 = arith.subi %sign3A_53, %sign3A_56 : i32
    %sign3A_58 = arith.constant 0 : i32
    %sign3A_59 = arith.cmpi sgt, %jit3A_49, %sign3A_58 : i32
    %sign3A_60 = arith.extui %sign3A_59 : i1 to i32
    %sign3A_61 = arith.constant 0 : i32
    %sign3A_62 = arith.cmpi slt, %jit3A_49, %sign3A_61 : i32
    %sign3A_63 = arith.extui %sign3A_62 : i1 to i32
    %sign3A_64 = arith.subi %sign3A_60, %sign3A_63 : i32
    %ne3A_65 = arith.cmpi ne, %sign3A_57, %sign3A_64 : i32
    %rem3A_66 = arith.remsi %add3A_48, %jit3A_49 : i32
    %ne3A_67 = arith.constant 0 : i32
    %ne3A_68 = arith.cmpi ne, %rem3A_66, %ne3A_67 : i32
    %and3A_69 = arith.andi %ne3A_65, %ne3A_68 : i1
    %sub3A_70 = arith.constant 1 : i32
    %sub3A_71 = arith.subi %div3A_50, %sub3A_70 : i32
    %select_n3A_72 = arith.select %and3A_69, %sub3A_71, %div3A_50 : i32
    %mul3A_73 = arith.constant 8 : i32
    %mul3A_74 = arith.muli %select_n3A_72, %mul3A_73 : i32
    %multiple_of3A_75 = tpu.assume_multiple %mul3A_74, 8 : i32
    %jit3A_76 = arith.constant 4 : i32
    %eq3A_77 = arith.constant 0 : i32
    %eq3A_78 = arith.cmpi eq, %jit3A_76, %eq3A_77 : i32
    %jit3A_79 = arith.constant 1 : i32
    %select_n3A_80 = arith.select %eq3A_78, %jit3A_79, %jit3A_76 : i32
    %rem3A_81 = arith.remsi %add3A_48, %select_n3A_80 : i32
    %ne3A_82 = arith.constant 0 : i32
    %ne3A_83 = arith.cmpi ne, %rem3A_81, %ne3A_82 : i32
    %lt3A_84 = arith.constant 0 : i32
    %lt3A_85 = arith.cmpi slt, %rem3A_81, %lt3A_84 : i32
    %lt3A_86 = arith.constant 0 : i32
    %lt3A_87 = arith.cmpi slt, %select_n3A_80, %lt3A_86 : i32
    %ne3A_88 = arith.xori %lt3A_85, %lt3A_87 : i1
    %and3A_89 = arith.andi %ne3A_88, %ne3A_83 : i1
    %add3A_90 = arith.addi %rem3A_81, %select_n3A_80 : i32
    %select_n3A_91 = arith.select %and3A_89, %add3A_90, %rem3A_81 : i32
    %mul3A_92 = arith.constant 1024 : i32
    %mul3A_93 = arith.muli %select_n3A_91, %mul3A_92 : i32
    %multiple_of3A_94 = tpu.assume_multiple %mul3A_93, 128 : i32
    %dma_start3A_95 = tpu.memref_slice %arg2[%multiple_of3A_75, %multiple_of3A_94] : memref<4096x4096xf32, #tpu.memory_space<hbm>> -> memref<8x1024xf32, #tpu.memory_space<hbm>>
    %dma_start3A_96 = tpu.memref_slice %arg2[%multiple_of3A_75, %multiple_of3A_94] : memref<4096x4096xf32, #tpu.memory_space<hbm>> -> memref<8x1024xf32, #tpu.memory_space<hbm>>
    tpu.enqueue_dma source(%dma_start3A_96 : memref<8x1024xf32, #tpu.memory_space<hbm>>) target(%arg6 : memref<8x1024xf32, #tpu.memory_space<vmem>>) target_semaphore(%arg15 : memref<!tpu.dma_semaphore, #tpu.memory_space<semaphore_mem>>)
    %add3A_97 = arith.constant 2 : i32
    %add3A_98 = arith.addi %mul3A_2, %add3A_97 : i32
    %jit3A_99 = arith.constant 4 : i32
    %div3A_100 = arith.divsi %add3A_98, %jit3A_99 : i32
    %sign3A_101 = arith.constant 0 : i32
    %sign3A_102 = arith.cmpi sgt, %add3A_98, %sign3A_101 : i32
    %sign3A_103 = arith.extui %sign3A_102 : i1 to i32
    %sign3A_104 = arith.constant 0 : i32
    %sign3A_105 = arith.cmpi slt, %add3A_98, %sign3A_104 : i32
    %sign3A_106 = arith.extui %sign3A_105 : i1 to i32
    %sign3A_107 = arith.subi %sign3A_103, %sign3A_106 : i32
    %sign3A_108 = arith.constant 0 : i32
    %sign3A_109 = arith.cmpi sgt, %jit3A_99, %sign3A_108 : i32
    %sign3A_110 = arith.extui %sign3A_109 : i1 to i32
    %sign3A_111 = arith.constant 0 : i32
    %sign3A_112 = arith.cmpi slt, %jit3A_99, %sign3A_111 : i32
    %sign3A_113 = arith.extui %sign3A_112 : i1 to i32
    %sign3A_114 = arith.subi %sign3A_110, %sign3A_113 : i32
    %ne3A_115 = arith.cmpi ne, %sign3A_107, %sign3A_114 : i32
    %rem3A_116 = arith.remsi %add3A_98, %jit3A_99 : i32
    %ne3A_117 = arith.constant 0 : i32
    %ne3A_118 = arith.cmpi ne, %rem3A_116, %ne3A_117 : i32
    %and3A_119 = arith.andi %ne3A_115, %ne3A_118 : i1
    %sub3A_120 = arith.constant 1 : i32
    %sub3A_121 = arith.subi %div3A_100, %sub3A_120 : i32
    %select_n3A_122 = arith.select %and3A_119, %sub3A_121, %div3A_100 : i32
    %mul3A_123 = arith.constant 8 : i32
    %mul3A_124 = arith.muli %select_n3A_122, %mul3A_123 : i32
    %multiple_of3A_125 = tpu.assume_multiple %mul3A_124, 8 : i32
    %jit3A_126 = arith.constant 4 : i32
    %eq3A_127 = arith.constant 0 : i32
    %eq3A_128 = arith.cmpi eq, %jit3A_126, %eq3A_127 : i32
    %jit3A_129 = arith.constant 1 : i32
    %select_n3A_130 = arith.select %eq3A_128, %jit3A_129, %jit3A_126 : i32
    %rem3A_131 = arith.remsi %add3A_98, %select_n3A_130 : i32
    %ne3A_132 = arith.constant 0 : i32
    %ne3A_133 = arith.cmpi ne, %rem3A_131, %ne3A_132 : i32
    %lt3A_134 = arith.constant 0 : i32
    %lt3A_135 = arith.cmpi slt, %rem3A_131, %lt3A_134 : i32
    %lt3A_136 = arith.constant 0 : i32
    %lt3A_137 = arith.cmpi slt, %select_n3A_130, %lt3A_136 : i32
    %ne3A_138 = arith.xori %lt3A_135, %lt3A_137 : i1
    %and3A_139 = arith.andi %ne3A_138, %ne3A_133 : i1
    %add3A_140 = arith.addi %rem3A_131, %select_n3A_130 : i32
    %select_n3A_141 = arith.select %and3A_139, %add3A_140, %rem3A_131 : i32
    %mul3A_142 = arith.constant 1024 : i32
    %mul3A_143 = arith.muli %select_n3A_141, %mul3A_142 : i32
    %multiple_of3A_144 = tpu.assume_multiple %mul3A_143, 128 : i32
    %dma_start3A_145 = tpu.memref_slice %arg2[%multiple_of3A_125, %multiple_of3A_144] : memref<4096x4096xf32, #tpu.memory_space<hbm>> -> memref<8x1024xf32, #tpu.memory_space<hbm>>
    %dma_start3A_146 = tpu.memref_slice %arg2[%multiple_of3A_125, %multiple_of3A_144] : memref<4096x4096xf32, #tpu.memory_space<hbm>> -> memref<8x1024xf32, #tpu.memory_space<hbm>>
    tpu.enqueue_dma source(%dma_start3A_146 : memref<8x1024xf32, #tpu.memory_space<hbm>>) target(%arg7 : memref<8x1024xf32, #tpu.memory_space<vmem>>) target_semaphore(%arg16 : memref<!tpu.dma_semaphore, #tpu.memory_space<semaphore_mem>>)
    %add3A_147 = arith.constant 3 : i32
    %add3A_148 = arith.addi %mul3A_2, %add3A_147 : i32
    %jit3A_149 = arith.constant 4 : i32
    %div3A_150 = arith.divsi %add3A_148, %jit3A_149 : i32
    %sign3A_151 = arith.constant 0 : i32
    %sign3A_152 = arith.cmpi sgt, %add3A_148, %sign3A_151 : i32
    %sign3A_153 = arith.extui %sign3A_152 : i1 to i32
    %sign3A_154 = arith.constant 0 : i32
    %sign3A_155 = arith.cmpi slt, %add3A_148, %sign3A_154 : i32
    %sign3A_156 = arith.extui %sign3A_155 : i1 to i32
    %sign3A_157 = arith.subi %sign3A_153, %sign3A_156 : i32
    %sign3A_158 = arith.constant 0 : i32
    %sign3A_159 = arith.cmpi sgt, %jit3A_149, %sign3A_158 : i32
    %sign3A_160 = arith.extui %sign3A_159 : i1 to i32
    %sign3A_161 = arith.constant 0 : i32
    %sign3A_162 = arith.cmpi slt, %jit3A_149, %sign3A_161 : i32
    %sign3A_163 = arith.extui %sign3A_162 : i1 to i32
    %sign3A_164 = arith.subi %sign3A_160, %sign3A_163 : i32
    %ne3A_165 = arith.cmpi ne, %sign3A_157, %sign3A_164 : i32
    %rem3A_166 = arith.remsi %add3A_148, %jit3A_149 : i32
    %ne3A_167 = arith.constant 0 : i32
    %ne3A_168 = arith.cmpi ne, %rem3A_166, %ne3A_167 : i32
    %and3A_169 = arith.andi %ne3A_165, %ne3A_168 : i1
    %sub3A_170 = arith.constant 1 : i32
    %sub3A_171 = arith.subi %div3A_150, %sub3A_170 : i32
    %select_n3A_172 = arith.select %and3A_169, %sub3A_171, %div3A_150 : i32
    %mul3A_173 = arith.constant 8 : i32
    %mul3A_174 = arith.muli %select_n3A_172, %mul3A_173 : i32
    %multiple_of3A_175 = tpu.assume_multiple %mul3A_174, 8 : i32
    %jit3A_176 = arith.constant 4 : i32
    %eq3A_177 = arith.constant 0 : i32
    %eq3A_178 = arith.cmpi eq, %jit3A_176, %eq3A_177 : i32
    %jit3A_179 = arith.constant 1 : i32
    %select_n3A_180 = arith.select %eq3A_178, %jit3A_179, %jit3A_176 : i32
    %rem3A_181 = arith.remsi %add3A_148, %select_n3A_180 : i32
    %ne3A_182 = arith.constant 0 : i32
    %ne3A_183 = arith.cmpi ne, %rem3A_181, %ne3A_182 : i32
    %lt3A_184 = arith.constant 0 : i32
    %lt3A_185 = arith.cmpi slt, %rem3A_181, %lt3A_184 : i32
    %lt3A_186 = arith.constant 0 : i32
    %lt3A_187 = arith.cmpi slt, %select_n3A_180, %lt3A_186 : i32
    %ne3A_188 = arith.xori %lt3A_185, %lt3A_187 : i1
    %and3A_189 = arith.andi %ne3A_188, %ne3A_183 : i1
    %add3A_190 = arith.addi %rem3A_181, %select_n3A_180 : i32
    %select_n3A_191 = arith.select %and3A_189, %add3A_190, %rem3A_181 : i32
    %mul3A_192 = arith.constant 1024 : i32
    %mul3A_193 = arith.muli %select_n3A_191, %mul3A_192 : i32
    %multiple_of3A_194 = tpu.assume_multiple %mul3A_193, 128 : i32
    %dma_start3A_195 = tpu.memref_slice %arg2[%multiple_of3A_175, %multiple_of3A_194] : memref<4096x4096xf32, #tpu.memory_space<hbm>> -> memref<8x1024xf32, #tpu.memory_space<hbm>>
    %dma_start3A_196 = tpu.memref_slice %arg2[%multiple_of3A_175, %multiple_of3A_194] : memref<4096x4096xf32, #tpu.memory_space<hbm>> -> memref<8x1024xf32, #tpu.memory_space<hbm>>
    tpu.enqueue_dma source(%dma_start3A_196 : memref<8x1024xf32, #tpu.memory_space<hbm>>) target(%arg8 : memref<8x1024xf32, #tpu.memory_space<vmem>>) target_semaphore(%arg17 : memref<!tpu.dma_semaphore, #tpu.memory_space<semaphore_mem>>)
    %scan3A = arith.constant 0 : i32
    %scan3A_197 = arith.constant 0 : i32
    %scan3A_198 = arith.constant 16 : i32
    %scan3A_199 = arith.addi %scan3A_197, %scan3A_198 : i32
    %scan3A_200 = arith.constant 1 : i32
    scf.for %scan3A_225 = %scan3A_197 to %scan3A_199 step %scan3A_200  : i32 {
      %mul3A_226 = arith.constant 4 : i32
      %mul3A_227 = arith.muli %scan3A_225, %mul3A_226 : i32
      %add3A_228 = arith.constant 0 : i32
      %add3A_229 = arith.addi %mul3A_227, %add3A_228 : i32
      %dma_wait3A_230 = arith.constant 0 : i32
      %dma_wait3A_231 = arith.constant 0 : i32
      %dma_wait3A_232 = tpu.memref_slice %arg2[%dma_wait3A_230, %dma_wait3A_231] : memref<4096x4096xf32, #tpu.memory_space<hbm>> -> memref<8x1024xf32, #tpu.memory_space<hbm>>
      %dma_wait3A_233 = arith.constant 0 : i32
      %dma_wait3A_234 = arith.constant 0 : i32
      %dma_wait3A_235 = tpu.memref_slice %arg2[%dma_wait3A_233, %dma_wait3A_234] : memref<4096x4096xf32, #tpu.memory_space<hbm>> -> memref<8x1024xf32, #tpu.memory_space<hbm>>
      tpu.wait_dma2 semaphore(%arg14 : memref<!tpu.dma_semaphore, #tpu.memory_space<semaphore_mem>>) src(%dma_wait3A_235 : memref<8x1024xf32, #tpu.memory_space<hbm>>) dst(%arg5 : memref<8x1024xf32, #tpu.memory_space<vmem>>)
      %gt3A = arith.constant 0 : i32
      %gt3A_236 = arith.cmpi sgt, %scan3A_225, %gt3A : i32
      %convert_element_type3A = arith.extui %gt3A_236 : i1 to i32
      %cond3A = arith.constant 0 : i32
      %cond3A_237 = arith.cmpi ne, %convert_element_type3A, %cond3A : i32
      scf.if %cond3A_237 {
        %dma_wait3A_510 = arith.constant 0 : i32
        %dma_wait3A_511 = arith.constant 0 : i32
        %dma_wait3A_512 = tpu.memref_slice %arg4[%dma_wait3A_510, %dma_wait3A_511] : memref<4096x4096xi32, #tpu.memory_space<hbm>> -> memref<8x1024xi32, #tpu.memory_space<hbm>>
        %dma_wait3A_513 = arith.constant 0 : i32
        %dma_wait3A_514 = arith.constant 0 : i32
        %dma_wait3A_515 = tpu.memref_slice %arg4[%dma_wait3A_513, %dma_wait3A_514] : memref<4096x4096xi32, #tpu.memory_space<hbm>> -> memref<8x1024xi32, #tpu.memory_space<hbm>>
        tpu.wait_dma2 semaphore(%arg18 : memref<!tpu.dma_semaphore, #tpu.memory_space<semaphore_mem>>) src(%arg9 : memref<8x1024xi32, #tpu.memory_space<vmem>>) dst(%dma_wait3A_515 : memref<8x1024xi32, #tpu.memory_space<hbm>>)
      } else {
      }
      %parallel_loop3A = arith.constant 0 : i32
      %parallel_loop3A_238 = arith.constant 1024 : i32
      %parallel_loop3A_239 = arith.constant 16 : i32
      scf.for %parallel_loop3A_510 = %parallel_loop3A to %parallel_loop3A_238 step %parallel_loop3A_239  : i32 {
        %parallel_loop3A_511 = arith.constant 0 : i32
        %parallel_loop3A_512 = arith.index_cast %parallel_loop3A_511 : i32 to index
        %parallel_loop3A_513 = arith.index_cast %parallel_loop3A_510 : i32 to index
        %parallel_loop3A_514 = tpu.vector_load %arg5[%parallel_loop3A_512, %parallel_loop3A_513] {strides = array<i32>} : memref<8x1024xf32, #tpu.memory_space<vmem>>, vector<1x16xf32>,
        %parallel_loop3A_515 = vector.shape_cast %parallel_loop3A_514 : vector<1x16xf32> to vector<16xf32>
        %parallel_loop3A_516 = arith.mulf %parallel_loop3A_515, %get3A_4 : vector<16xf32>
        %parallel_loop3A_517 = arith.addf %parallel_loop3A_516, %get3A_7 : vector<16xf32>
        %parallel_loop3A_518 = arith.fptosi %parallel_loop3A_517 : vector<16xf32> to vector<16xi32>
        %parallel_loop3A_519 = arith.minsi %parallel_loop3A_518, %broadcast_in_dim3A_8 : vector<16xi32>
        %parallel_loop3A_520 = arith.constant 0 : i32
        %parallel_loop3A_521 = arith.index_cast %parallel_loop3A_520 : i32 to index
        %parallel_loop3A_522 = arith.index_cast %parallel_loop3A_510 : i32 to index
        %parallel_loop3A_523 = tpu.vector_load %arg9[%parallel_loop3A_521, %parallel_loop3A_522] {strides = array<i32>} : memref<8x1024xi32, #tpu.memory_space<vmem>>, vector<1x16xi32>,
        %parallel_loop3A_524 = vector.shape_cast %parallel_loop3A_523 : vector<1x16xi32> to vector<16xi32>
        %parallel_loop3A_525 = vector.shape_cast %parallel_loop3A_519 : vector<16xi32> to vector<1x16xi32>
        tpu.vector_store %arg9[%parallel_loop3A_521, %parallel_loop3A_522], %parallel_loop3A_525 {strides = array<i32>} : memref<8x1024xi32, #tpu.memory_space<vmem>>, vector<1x16xi32>,
        %parallel_loop3A_526 = arith.constant 1 : i32
        %parallel_loop3A_527 = arith.index_cast %parallel_loop3A_526 : i32 to index
        %parallel_loop3A_528 = arith.index_cast %parallel_loop3A_510 : i32 to index
        %parallel_loop3A_529 = tpu.vector_load %arg5[%parallel_loop3A_527, %parallel_loop3A_528] {strides = array<i32>} : memref<8x1024xf32, #tpu.memory_space<vmem>>, vector<1x16xf32>,
        %parallel_loop3A_530 = vector.shape_cast %parallel_loop3A_529 : vector<1x16xf32> to vector<16xf32>
        %parallel_loop3A_531 = arith.mulf %parallel_loop3A_530, %get3A_4 : vector<16xf32>
        %parallel_loop3A_532 = arith.addf %parallel_loop3A_531, %get3A_7 : vector<16xf32>
        %parallel_loop3A_533 = arith.fptosi %parallel_loop3A_532 : vector<16xf32> to vector<16xi32>
        %parallel_loop3A_534 = arith.minsi %parallel_loop3A_533, %broadcast_in_dim3A_8 : vector<16xi32>
        %parallel_loop3A_535 = arith.constant 1 : i32
        %parallel_loop3A_536 = arith.index_cast %parallel_loop3A_535 : i32 to index
        %parallel_loop3A_537 = arith.index_cast %parallel_loop3A_510 : i32 to index
        %parallel_loop3A_538 = tpu.vector_load %arg9[%parallel_loop3A_536, %parallel_loop3A_537] {strides = array<i32>} : memref<8x1024xi32, #tpu.memory_space<vmem>>, vector<1x16xi32>,
        %parallel_loop3A_539 = vector.shape_cast %parallel_loop3A_538 : vector<1x16xi32> to vector<16xi32>
        %parallel_loop3A_540 = vector.shape_cast %parallel_loop3A_534 : vector<16xi32> to vector<1x16xi32>
        tpu.vector_store %arg9[%parallel_loop3A_536, %parallel_loop3A_537], %parallel_loop3A_540 {strides = array<i32>} : memref<8x1024xi32, #tpu.memory_space<vmem>>, vector<1x16xi32>,
        %parallel_loop3A_541 = arith.constant 2 : i32
        %parallel_loop3A_542 = arith.index_cast %parallel_loop3A_541 : i32 to index
        %parallel_loop3A_543 = arith.index_cast %parallel_loop3A_510 : i32 to index
        %parallel_loop3A_544 = tpu.vector_load %arg5[%parallel_loop3A_542, %parallel_loop3A_543] {strides = array<i32>} : memref<8x1024xf32, #tpu.memory_space<vmem>>, vector<1x16xf32>,
        %parallel_loop3A_545 = vector.shape_cast %parallel_loop3A_544 : vector<1x16xf32> to vector<16xf32>
        %parallel_loop3A_546 = arith.mulf %parallel_loop3A_545, %get3A_4 : vector<16xf32>
        %parallel_loop3A_547 = arith.addf %parallel_loop3A_546, %get3A_7 : vector<16xf32>
        %parallel_loop3A_548 = arith.fptosi %parallel_loop3A_547 : vector<16xf32> to vector<16xi32>
        %parallel_loop3A_549 = arith.minsi %parallel_loop3A_548, %broadcast_in_dim3A_8 : vector<16xi32>
        %parallel_loop3A_550 = arith.constant 2 : i32
        %parallel_loop3A_551 = arith.index_cast %parallel_loop3A_550 : i32 to index
        %parallel_loop3A_552 = arith.index_cast %parallel_loop3A_510 : i32 to index
        %parallel_loop3A_553 = tpu.vector_load %arg9[%parallel_loop3A_551, %parallel_loop3A_552] {strides = array<i32>} : memref<8x1024xi32, #tpu.memory_space<vmem>>, vector<1x16xi32>,
        %parallel_loop3A_554 = vector.shape_cast %parallel_loop3A_553 : vector<1x16xi32> to vector<16xi32>
        %parallel_loop3A_555 = vector.shape_cast %parallel_loop3A_549 : vector<16xi32> to vector<1x16xi32>
        tpu.vector_store %arg9[%parallel_loop3A_551, %parallel_loop3A_552], %parallel_loop3A_555 {strides = array<i32>} : memref<8x1024xi32, #tpu.memory_space<vmem>>, vector<1x16xi32>,
        %parallel_loop3A_556 = arith.constant 3 : i32
        %parallel_loop3A_557 = arith.index_cast %parallel_loop3A_556 : i32 to index
        %parallel_loop3A_558 = arith.index_cast %parallel_loop3A_510 : i32 to index
        %parallel_loop3A_559 = tpu.vector_load %arg5[%parallel_loop3A_557, %parallel_loop3A_558] {strides = array<i32>} : memref<8x1024xf32, #tpu.memory_space<vmem>>, vector<1x16xf32>,
        %parallel_loop3A_560 = vector.shape_cast %parallel_loop3A_559 : vector<1x16xf32> to vector<16xf32>
        %parallel_loop3A_561 = arith.mulf %parallel_loop3A_560, %get3A_4 : vector<16xf32>
        %parallel_loop3A_562 = arith.addf %parallel_loop3A_561, %get3A_7 : vector<16xf32>
        %parallel_loop3A_563 = arith.fptosi %parallel_loop3A_562 : vector<16xf32> to vector<16xi32>
        %parallel_loop3A_564 = arith.minsi %parallel_loop3A_563, %broadcast_in_dim3A_8 : vector<16xi32>
        %parallel_loop3A_565 = arith.constant 3 : i32
        %parallel_loop3A_566 = arith.index_cast %parallel_loop3A_565 : i32 to index
        %parallel_loop3A_567 = arith.index_cast %parallel_loop3A_510 : i32 to index
        %parallel_loop3A_568 = tpu.vector_load %arg9[%parallel_loop3A_566, %parallel_loop3A_567] {strides = array<i32>} : memref<8x1024xi32, #tpu.memory_space<vmem>>, vector<1x16xi32>,
        %parallel_loop3A_569 = vector.shape_cast %parallel_loop3A_568 : vector<1x16xi32> to vector<16xi32>
        %parallel_loop3A_570 = vector.shape_cast %parallel_loop3A_564 : vector<16xi32> to vector<1x16xi32>
        tpu.vector_store %arg9[%parallel_loop3A_566, %parallel_loop3A_567], %parallel_loop3A_570 {strides = array<i32>} : memref<8x1024xi32, #tpu.memory_space<vmem>>, vector<1x16xi32>,
        %parallel_loop3A_571 = arith.constant 4 : i32
        %parallel_loop3A_572 = arith.index_cast %parallel_loop3A_571 : i32 to index
        %parallel_loop3A_573 = arith.index_cast %parallel_loop3A_510 : i32 to index
        %parallel_loop3A_574 = tpu.vector_load %arg5[%parallel_loop3A_572, %parallel_loop3A_573] {strides = array<i32>} : memref<8x1024xf32, #tpu.memory_space<vmem>>, vector<1x16xf32>,
        %parallel_loop3A_575 = vector.shape_cast %parallel_loop3A_574 : vector<1x16xf32> to vector<16xf32>
        %parallel_loop3A_576 = arith.mulf %parallel_loop3A_575, %get3A_4 : vector<16xf32>
        %parallel_loop3A_577 = arith.addf %parallel_loop3A_576, %get3A_7 : vector<16xf32>
        %parallel_loop3A_578 = arith.fptosi %parallel_loop3A_577 : vector<16xf32> to vector<16xi32>
        %parallel_loop3A_579 = arith.minsi %parallel_loop3A_578, %broadcast_in_dim3A_8 : vector<16xi32>
        %parallel_loop3A_580 = arith.constant 4 : i32
        %parallel_loop3A_581 = arith.index_cast %parallel_loop3A_580 : i32 to index
        %parallel_loop3A_582 = arith.index_cast %parallel_loop3A_510 : i32 to index
        %parallel_loop3A_583 = tpu.vector_load %arg9[%parallel_loop3A_581, %parallel_loop3A_582] {strides = array<i32>} : memref<8x1024xi32, #tpu.memory_space<vmem>>, vector<1x16xi32>,
        %parallel_loop3A_584 = vector.shape_cast %parallel_loop3A_583 : vector<1x16xi32> to vector<16xi32>
        %parallel_loop3A_585 = vector.shape_cast %parallel_loop3A_579 : vector<16xi32> to vector<1x16xi32>
        tpu.vector_store %arg9[%parallel_loop3A_581, %parallel_loop3A_582], %parallel_loop3A_585 {strides = array<i32>} : memref<8x1024xi32, #tpu.memory_space<vmem>>, vector<1x16xi32>,
        %parallel_loop3A_586 = arith.constant 5 : i32
        %parallel_loop3A_587 = arith.index_cast %parallel_loop3A_586 : i32 to index
        %parallel_loop3A_588 = arith.index_cast %parallel_loop3A_510 : i32 to index
        %parallel_loop3A_589 = tpu.vector_load %arg5[%parallel_loop3A_587, %parallel_loop3A_588] {strides = array<i32>} : memref<8x1024xf32, #tpu.memory_space<vmem>>, vector<1x16xf32>,
        %parallel_loop3A_590 = vector.shape_cast %parallel_loop3A_589 : vector<1x16xf32> to vector<16xf32>
        %parallel_loop3A_591 = arith.mulf %parallel_loop3A_590, %get3A_4 : vector<16xf32>
        %parallel_loop3A_592 = arith.addf %parallel_loop3A_591, %get3A_7 : vector<16xf32>
        %parallel_loop3A_593 = arith.fptosi %parallel_loop3A_592 : vector<16xf32> to vector<16xi32>
        %parallel_loop3A_594 = arith.minsi %parallel_loop3A_593, %broadcast_in_dim3A_8 : vector<16xi32>
        %parallel_loop3A_595 = arith.constant 5 : i32
        %parallel_loop3A_596 = arith.index_cast %parallel_loop3A_595 : i32 to index
        %parallel_loop3A_597 = arith.index_cast %parallel_loop3A_510 : i32 to index
        %parallel_loop3A_598 = tpu.vector_load %arg9[%parallel_loop3A_596, %parallel_loop3A_597] {strides = array<i32>} : memref<8x1024xi32, #tpu.memory_space<vmem>>, vector<1x16xi32>,
        %parallel_loop3A_599 = vector.shape_cast %parallel_loop3A_598 : vector<1x16xi32> to vector<16xi32>
        %parallel_loop3A_600 = vector.shape_cast %parallel_loop3A_594 : vector<16xi32> to vector<1x16xi32>
        tpu.vector_store %arg9[%parallel_loop3A_596, %parallel_loop3A_597], %parallel_loop3A_600 {strides = array<i32>} : memref<8x1024xi32, #tpu.memory_space<vmem>>, vector<1x16xi32>,
        %parallel_loop3A_601 = arith.constant 6 : i32
        %parallel_loop3A_602 = arith.index_cast %parallel_loop3A_601 : i32 to index
        %parallel_loop3A_603 = arith.index_cast %parallel_loop3A_510 : i32 to index
        %parallel_loop3A_604 = tpu.vector_load %arg5[%parallel_loop3A_602, %parallel_loop3A_603] {strides = array<i32>} : memref<8x1024xf32, #tpu.memory_space<vmem>>, vector<1x16xf32>,
        %parallel_loop3A_605 = vector.shape_cast %parallel_loop3A_604 : vector<1x16xf32> to vector<16xf32>
        %parallel_loop3A_606 = arith.mulf %parallel_loop3A_605, %get3A_4 : vector<16xf32>
        %parallel_loop3A_607 = arith.addf %parallel_loop3A_606, %get3A_7 : vector<16xf32>
        %parallel_loop3A_608 = arith.fptosi %parallel_loop3A_607 : vector<16xf32> to vector<16xi32>
        %parallel_loop3A_609 = arith.minsi %parallel_loop3A_608, %broadcast_in_dim3A_8 : vector<16xi32>
        %parallel_loop3A_610 = arith.constant 6 : i32
        %parallel_loop3A_611 = arith.index_cast %parallel_loop3A_610 : i32 to index
        %parallel_loop3A_612 = arith.index_cast %parallel_loop3A_510 : i32 to index
        %parallel_loop3A_613 = tpu.vector_load %arg9[%parallel_loop3A_611, %parallel_loop3A_612] {strides = array<i32>} : memref<8x1024xi32, #tpu.memory_space<vmem>>, vector<1x16xi32>,
        %parallel_loop3A_614 = vector.shape_cast %parallel_loop3A_613 : vector<1x16xi32> to vector<16xi32>
        %parallel_loop3A_615 = vector.shape_cast %parallel_loop3A_609 : vector<16xi32> to vector<1x16xi32>
        tpu.vector_store %arg9[%parallel_loop3A_611, %parallel_loop3A_612], %parallel_loop3A_615 {strides = array<i32>} : memref<8x1024xi32, #tpu.memory_space<vmem>>, vector<1x16xi32>,
        %parallel_loop3A_616 = arith.constant 7 : i32
        %parallel_loop3A_617 = arith.index_cast %parallel_loop3A_616 : i32 to index
        %parallel_loop3A_618 = arith.index_cast %parallel_loop3A_510 : i32 to index
        %parallel_loop3A_619 = tpu.vector_load %arg5[%parallel_loop3A_617, %parallel_loop3A_618] {strides = array<i32>} : memref<8x1024xf32, #tpu.memory_space<vmem>>, vector<1x16xf32>,
        %parallel_loop3A_620 = vector.shape_cast %parallel_loop3A_619 : vector<1x16xf32> to vector<16xf32>
        %parallel_loop3A_621 = arith.mulf %parallel_loop3A_620, %get3A_4 : vector<16xf32>
        %parallel_loop3A_622 = arith.addf %parallel_loop3A_621, %get3A_7 : vector<16xf32>
        %parallel_loop3A_623 = arith.fptosi %parallel_loop3A_622 : vector<16xf32> to vector<16xi32>
        %parallel_loop3A_624 = arith.minsi %parallel_loop3A_623, %broadcast_in_dim3A_8 : vector<16xi32>
        %parallel_loop3A_625 = arith.constant 7 : i32
        %parallel_loop3A_626 = arith.index_cast %parallel_loop3A_625 : i32 to index
        %parallel_loop3A_627 = arith.index_cast %parallel_loop3A_510 : i32 to index
        %parallel_loop3A_628 = tpu.vector_load %arg9[%parallel_loop3A_626, %parallel_loop3A_627] {strides = array<i32>} : memref<8x1024xi32, #tpu.memory_space<vmem>>, vector<1x16xi32>,
        %parallel_loop3A_629 = vector.shape_cast %parallel_loop3A_628 : vector<1x16xi32> to vector<16xi32>
        %parallel_loop3A_630 = vector.shape_cast %parallel_loop3A_624 : vector<16xi32> to vector<1x16xi32>
        tpu.vector_store %arg9[%parallel_loop3A_626, %parallel_loop3A_627], %parallel_loop3A_630 {strides = array<i32>} : memref<8x1024xi32, #tpu.memory_space<vmem>>, vector<1x16xi32>,
      } {sc.loop_unroll_factor = 2 : i64, sc.parallel_access}
      %add3A_240 = arith.addi %mul3A_2, %add3A_229 : i32
      %jit3A_241 = arith.constant 4 : i32
      %div3A_242 = arith.divsi %add3A_240, %jit3A_241 : i32
      %sign3A_243 = arith.constant 0 : i32
      %sign3A_244 = arith.cmpi sgt, %add3A_240, %sign3A_243 : i32
      %sign3A_245 = arith.extui %sign3A_244 : i1 to i32
      %sign3A_246 = arith.constant 0 : i32
      %sign3A_247 = arith.cmpi slt, %add3A_240, %sign3A_246 : i32
      %sign3A_248 = arith.extui %sign3A_247 : i1 to i32
      %sign3A_249 = arith.subi %sign3A_245, %sign3A_248 : i32
      %sign3A_250 = arith.constant 0 : i32
      %sign3A_251 = arith.cmpi sgt, %jit3A_241, %sign3A_250 : i32
      %sign3A_252 = arith.extui %sign3A_251 : i1 to i32
      %sign3A_253 = arith.constant 0 : i32
      %sign3A_254 = arith.cmpi slt, %jit3A_241, %sign3A_253 : i32
      %sign3A_255 = arith.extui %sign3A_254 : i1 to i32
      %sign3A_256 = arith.subi %sign3A_252, %sign3A_255 : i32
      %ne3A_257 = arith.cmpi ne, %sign3A_249, %sign3A_256 : i32
      %rem3A_258 = arith.remsi %add3A_240, %jit3A_241 : i32
      %ne3A_259 = arith.constant 0 : i32
      %ne3A_260 = arith.cmpi ne, %rem3A_258, %ne3A_259 : i32
      %and3A_261 = arith.andi %ne3A_257, %ne3A_260 : i1
      %sub3A_262 = arith.constant 1 : i32
      %sub3A_263 = arith.subi %div3A_242, %sub3A_262 : i32
      %select_n3A_264 = arith.select %and3A_261, %sub3A_263, %div3A_242 : i32
      %mul3A_265 = arith.constant 8 : i32
      %mul3A_266 = arith.muli %select_n3A_264, %mul3A_265 : i32
      %multiple_of3A_267 = tpu.assume_multiple %mul3A_266, 8 : i32
      %jit3A_268 = arith.constant 4 : i32
      %eq3A_269 = arith.constant 0 : i32
      %eq3A_270 = arith.cmpi eq, %jit3A_268, %eq3A_269 : i32
      %jit3A_271 = arith.constant 1 : i32
      %select_n3A_272 = arith.select %eq3A_270, %jit3A_271, %jit3A_268 : i32
      %rem3A_273 = arith.remsi %add3A_240, %select_n3A_272 : i32
      %ne3A_274 = arith.constant 0 : i32
      %ne3A_275 = arith.cmpi ne, %rem3A_273, %ne3A_274 : i32
      %lt3A_276 = arith.constant 0 : i32
      %lt3A_277 = arith.cmpi slt, %rem3A_273, %lt3A_276 : i32
      %lt3A_278 = arith.constant 0 : i32
      %lt3A_279 = arith.cmpi slt, %select_n3A_272, %lt3A_278 : i32
      %ne3A_280 = arith.xori %lt3A_277, %lt3A_279 : i1
      %and3A_281 = arith.andi %ne3A_280, %ne3A_275 : i1
      %add3A_282 = arith.addi %rem3A_273, %select_n3A_272 : i32
      %select_n3A_283 = arith.select %and3A_281, %add3A_282, %rem3A_273 : i32
      %mul3A_284 = arith.constant 1024 : i32
      %mul3A_285 = arith.muli %select_n3A_283, %mul3A_284 : i32
      %multiple_of3A_286 = tpu.assume_multiple %mul3A_285, 128 : i32
      %dma_start3A_287 = tpu.memref_slice %arg4[%multiple_of3A_267, %multiple_of3A_286] : memref<4096x4096xi32, #tpu.memory_space<hbm>> -> memref<8x1024xi32, #tpu.memory_space<hbm>>
      %dma_start3A_288 = tpu.memref_slice %arg4[%multiple_of3A_267, %multiple_of3A_286] : memref<4096x4096xi32, #tpu.memory_space<hbm>> -> memref<8x1024xi32, #tpu.memory_space<hbm>>
      tpu.enqueue_dma source(%arg9 : memref<8x1024xi32, #tpu.memory_space<vmem>>) target(%dma_start3A_288 : memref<8x1024xi32, #tpu.memory_space<hbm>>) target_semaphore(%arg18 : memref<!tpu.dma_semaphore, #tpu.memory_space<semaphore_mem>>)
      %lt3A_289 = arith.constant 15 : i32
      %lt3A_290 = arith.cmpi slt, %scan3A_225, %lt3A_289 : i32
      %convert_element_type3A_291 = arith.extui %lt3A_290 : i1 to i32
      %cond3A_292 = arith.constant 0 : i32
      %cond3A_293 = arith.cmpi ne, %convert_element_type3A_291, %cond3A_292 : i32
      scf.if %cond3A_293 {
        %add3A_510 = arith.constant 4 : i32
        %add3A_511 = arith.addi %add3A_229, %add3A_510 : i32
        %add3A_512 = arith.addi %mul3A_2, %add3A_511 : i32
        %jit3A_513 = arith.constant 4 : i32
        %div3A_514 = arith.divsi %add3A_512, %jit3A_513 : i32
        %sign3A_515 = arith.constant 0 : i32
        %sign3A_516 = arith.cmpi sgt, %add3A_512, %sign3A_515 : i32
        %sign3A_517 = arith.extui %sign3A_516 : i1 to i32
        %sign3A_518 = arith.constant 0 : i32
        %sign3A_519 = arith.cmpi slt, %add3A_512, %sign3A_518 : i32
        %sign3A_520 = arith.extui %sign3A_519 : i1 to i32
        %sign3A_521 = arith.subi %sign3A_517, %sign3A_520 : i32
        %sign3A_522 = arith.constant 0 : i32
        %sign3A_523 = arith.cmpi sgt, %jit3A_513, %sign3A_522 : i32
        %sign3A_524 = arith.extui %sign3A_523 : i1 to i32
        %sign3A_525 = arith.constant 0 : i32
        %sign3A_526 = arith.cmpi slt, %jit3A_513, %sign3A_525 : i32
        %sign3A_527 = arith.extui %sign3A_526 : i1 to i32
        %sign3A_528 = arith.subi %sign3A_524, %sign3A_527 : i32
        %ne3A_529 = arith.cmpi ne, %sign3A_521, %sign3A_528 : i32
        %rem3A_530 = arith.remsi %add3A_512, %jit3A_513 : i32
        %ne3A_531 = arith.constant 0 : i32
        %ne3A_532 = arith.cmpi ne, %rem3A_530, %ne3A_531 : i32
        %and3A_533 = arith.andi %ne3A_529, %ne3A_532 : i1
        %sub3A_534 = arith.constant 1 : i32
        %sub3A_535 = arith.subi %div3A_514, %sub3A_534 : i32
        %select_n3A_536 = arith.select %and3A_533, %sub3A_535, %div3A_514 : i32
        %mul3A_537 = arith.constant 8 : i32
        %mul3A_538 = arith.muli %select_n3A_536, %mul3A_537 : i32
        %multiple_of3A_539 = tpu.assume_multiple %mul3A_538, 8 : i32
        %jit3A_540 = arith.constant 4 : i32
        %eq3A_541 = arith.constant 0 : i32
        %eq3A_542 = arith.cmpi eq, %jit3A_540, %eq3A_541 : i32
        %jit3A_543 = arith.constant 1 : i32
        %select_n3A_544 = arith.select %eq3A_542, %jit3A_543, %jit3A_540 : i32
        %rem3A_545 = arith.remsi %add3A_512, %select_n3A_544 : i32
        %ne3A_546 = arith.constant 0 : i32
        %ne3A_547 = arith.cmpi ne, %rem3A_545, %ne3A_546 : i32
        %lt3A_548 = arith.constant 0 : i32
        %lt3A_549 = arith.cmpi slt, %rem3A_545, %lt3A_548 : i32
        %lt3A_550 = arith.constant 0 : i32
        %lt3A_551 = arith.cmpi slt, %select_n3A_544, %lt3A_550 : i32
        %ne3A_552 = arith.xori %lt3A_549, %lt3A_551 : i1
        %and3A_553 = arith.andi %ne3A_552, %ne3A_547 : i1
        %add3A_554 = arith.addi %rem3A_545, %select_n3A_544 : i32
        %select_n3A_555 = arith.select %and3A_553, %add3A_554, %rem3A_545 : i32
        %mul3A_556 = arith.constant 1024 : i32
        %mul3A_557 = arith.muli %select_n3A_555, %mul3A_556 : i32
        %multiple_of3A_558 = tpu.assume_multiple %mul3A_557, 128 : i32
        %dma_start3A_559 = tpu.memref_slice %arg2[%multiple_of3A_539, %multiple_of3A_558] : memref<4096x4096xf32, #tpu.memory_space<hbm>> -> memref<8x1024xf32, #tpu.memory_space<hbm>>
        %dma_start3A_560 = tpu.memref_slice %arg2[%multiple_of3A_539, %multiple_of3A_558] : memref<4096x4096xf32, #tpu.memory_space<hbm>> -> memref<8x1024xf32, #tpu.memory_space<hbm>>
        tpu.enqueue_dma source(%dma_start3A_560 : memref<8x1024xf32, #tpu.memory_space<hbm>>) target(%arg5 : memref<8x1024xf32, #tpu.memory_space<vmem>>) target_semaphore(%arg14 : memref<!tpu.dma_semaphore, #tpu.memory_space<semaphore_mem>>)
      } else {
      }
      %mul3A_294 = arith.constant 4 : i32
      %mul3A_295 = arith.muli %scan3A_225, %mul3A_294 : i32
      %add3A_296 = arith.constant 1 : i32
      %add3A_297 = arith.addi %mul3A_295, %add3A_296 : i32
      %dma_wait3A_298 = arith.constant 0 : i32
      %dma_wait3A_299 = arith.constant 0 : i32
      %dma_wait3A_300 = tpu.memref_slice %arg2[%dma_wait3A_298, %dma_wait3A_299] : memref<4096x4096xf32, #tpu.memory_space<hbm>> -> memref<8x1024xf32, #tpu.memory_space<hbm>>
      %dma_wait3A_301 = arith.constant 0 : i32
      %dma_wait3A_302 = arith.constant 0 : i32
      %dma_wait3A_303 = tpu.memref_slice %arg2[%dma_wait3A_301, %dma_wait3A_302] : memref<4096x4096xf32, #tpu.memory_space<hbm>> -> memref<8x1024xf32, #tpu.memory_space<hbm>>
      tpu.wait_dma2 semaphore(%arg15 : memref<!tpu.dma_semaphore, #tpu.memory_space<semaphore_mem>>) src(%dma_wait3A_303 : memref<8x1024xf32, #tpu.memory_space<hbm>>) dst(%arg6 : memref<8x1024xf32, #tpu.memory_space<vmem>>)
      %gt3A_304 = arith.constant 0 : i32
      %gt3A_305 = arith.cmpi sgt, %scan3A_225, %gt3A_304 : i32
      %convert_element_type3A_306 = arith.extui %gt3A_305 : i1 to i32
      %cond3A_307 = arith.constant 0 : i32
      %cond3A_308 = arith.cmpi ne, %convert_element_type3A_306, %cond3A_307 : i32
      scf.if %cond3A_308 {
        %dma_wait3A_510 = arith.constant 0 : i32
        %dma_wait3A_511 = arith.constant 0 : i32
        %dma_wait3A_512 = tpu.memref_slice %arg4[%dma_wait3A_510, %dma_wait3A_511] : memref<4096x4096xi32, #tpu.memory_space<hbm>> -> memref<8x1024xi32, #tpu.memory_space<hbm>>
        %dma_wait3A_513 = arith.constant 0 : i32
        %dma_wait3A_514 = arith.constant 0 : i32
        %dma_wait3A_515 = tpu.memref_slice %arg4[%dma_wait3A_513, %dma_wait3A_514] : memref<4096x4096xi32, #tpu.memory_space<hbm>> -> memref<8x1024xi32, #tpu.memory_space<hbm>>
        tpu.wait_dma2 semaphore(%arg19 : memref<!tpu.dma_semaphore, #tpu.memory_space<semaphore_mem>>) src(%arg10 : memref<8x1024xi32, #tpu.memory_space<vmem>>) dst(%dma_wait3A_515 : memref<8x1024xi32, #tpu.memory_space<hbm>>)
      } else {
      }
      %parallel_loop3A_309 = arith.constant 0 : i32
      %parallel_loop3A_310 = arith.constant 1024 : i32
      %parallel_loop3A_311 = arith.constant 16 : i32
      scf.for %parallel_loop3A_510 = %parallel_loop3A_309 to %parallel_loop3A_310 step %parallel_loop3A_311  : i32 {
        %parallel_loop3A_511 = arith.constant 0 : i32
        %parallel_loop3A_512 = arith.index_cast %parallel_loop3A_511 : i32 to index
        %parallel_loop3A_513 = arith.index_cast %parallel_loop3A_510 : i32 to index
        %parallel_loop3A_514 = tpu.vector_load %arg6[%parallel_loop3A_512, %parallel_loop3A_513] {strides = array<i32>} : memref<8x1024xf32, #tpu.memory_space<vmem>>, vector<1x16xf32>,
        %parallel_loop3A_515 = vector.shape_cast %parallel_loop3A_514 : vector<1x16xf32> to vector<16xf32>
        %parallel_loop3A_516 = arith.mulf %parallel_loop3A_515, %get3A_4 : vector<16xf32>
        %parallel_loop3A_517 = arith.addf %parallel_loop3A_516, %get3A_7 : vector<16xf32>
        %parallel_loop3A_518 = arith.fptosi %parallel_loop3A_517 : vector<16xf32> to vector<16xi32>
        %parallel_loop3A_519 = arith.minsi %parallel_loop3A_518, %broadcast_in_dim3A_8 : vector<16xi32>
        %parallel_loop3A_520 = arith.constant 0 : i32
        %parallel_loop3A_521 = arith.index_cast %parallel_loop3A_520 : i32 to index
        %parallel_loop3A_522 = arith.index_cast %parallel_loop3A_510 : i32 to index
        %parallel_loop3A_523 = tpu.vector_load %arg10[%parallel_loop3A_521, %parallel_loop3A_522] {strides = array<i32>} : memref<8x1024xi32, #tpu.memory_space<vmem>>, vector<1x16xi32>,
        %parallel_loop3A_524 = vector.shape_cast %parallel_loop3A_523 : vector<1x16xi32> to vector<16xi32>
        %parallel_loop3A_525 = vector.shape_cast %parallel_loop3A_519 : vector<16xi32> to vector<1x16xi32>
        tpu.vector_store %arg10[%parallel_loop3A_521, %parallel_loop3A_522], %parallel_loop3A_525 {strides = array<i32>} : memref<8x1024xi32, #tpu.memory_space<vmem>>, vector<1x16xi32>,
        %parallel_loop3A_526 = arith.constant 1 : i32
        %parallel_loop3A_527 = arith.index_cast %parallel_loop3A_526 : i32 to index
        %parallel_loop3A_528 = arith.index_cast %parallel_loop3A_510 : i32 to index
        %parallel_loop3A_529 = tpu.vector_load %arg6[%parallel_loop3A_527, %parallel_loop3A_528] {strides = array<i32>} : memref<8x1024xf32, #tpu.memory_space<vmem>>, vector<1x16xf32>,
        %parallel_loop3A_530 = vector.shape_cast %parallel_loop3A_529 : vector<1x16xf32> to vector<16xf32>
        %parallel_loop3A_531 = arith.mulf %parallel_loop3A_530, %get3A_4 : vector<16xf32>
        %parallel_loop3A_532 = arith.addf %parallel_loop3A_531, %get3A_7 : vector<16xf32>
        %parallel_loop3A_533 = arith.fptosi %parallel_loop3A_532 : vector<16xf32> to vector<16xi32>
        %parallel_loop3A_534 = arith.minsi %parallel_loop3A_533, %broadcast_in_dim3A_8 : vector<16xi32>
        %parallel_loop3A_535 = arith.constant 1 : i32
        %parallel_loop3A_536 = arith.index_cast %parallel_loop3A_535 : i32 to index
        %parallel_loop3A_537 = arith.index_cast %parallel_loop3A_510 : i32 to index
        %parallel_loop3A_538 = tpu.vector_load %arg10[%parallel_loop3A_536, %parallel_loop3A_537] {strides = array<i32>} : memref<8x1024xi32, #tpu.memory_space<vmem>>, vector<1x16xi32>,
        %parallel_loop3A_539 = vector.shape_cast %parallel_loop3A_538 : vector<1x16xi32> to vector<16xi32>
        %parallel_loop3A_540 = vector.shape_cast %parallel_loop3A_534 : vector<16xi32> to vector<1x16xi32>
        tpu.vector_store %arg10[%parallel_loop3A_536, %parallel_loop3A_537], %parallel_loop3A_540 {strides = array<i32>} : memref<8x1024xi32, #tpu.memory_space<vmem>>, vector<1x16xi32>,
        %parallel_loop3A_541 = arith.constant 2 : i32
        %parallel_loop3A_542 = arith.index_cast %parallel_loop3A_541 : i32 to index
        %parallel_loop3A_543 = arith.index_cast %parallel_loop3A_510 : i32 to index
        %parallel_loop3A_544 = tpu.vector_load %arg6[%parallel_loop3A_542, %parallel_loop3A_543] {strides = array<i32>} : memref<8x1024xf32, #tpu.memory_space<vmem>>, vector<1x16xf32>,
        %parallel_loop3A_545 = vector.shape_cast %parallel_loop3A_544 : vector<1x16xf32> to vector<16xf32>
        %parallel_loop3A_546 = arith.mulf %parallel_loop3A_545, %get3A_4 : vector<16xf32>
        %parallel_loop3A_547 = arith.addf %parallel_loop3A_546, %get3A_7 : vector<16xf32>
        %parallel_loop3A_548 = arith.fptosi %parallel_loop3A_547 : vector<16xf32> to vector<16xi32>
        %parallel_loop3A_549 = arith.minsi %parallel_loop3A_548, %broadcast_in_dim3A_8 : vector<16xi32>
        %parallel_loop3A_550 = arith.constant 2 : i32
        %parallel_loop3A_551 = arith.index_cast %parallel_loop3A_550 : i32 to index
        %parallel_loop3A_552 = arith.index_cast %parallel_loop3A_510 : i32 to index
        %parallel_loop3A_553 = tpu.vector_load %arg10[%parallel_loop3A_551, %parallel_loop3A_552] {strides = array<i32>} : memref<8x1024xi32, #tpu.memory_space<vmem>>, vector<1x16xi32>,
        %parallel_loop3A_554 = vector.shape_cast %parallel_loop3A_553 : vector<1x16xi32> to vector<16xi32>
        %parallel_loop3A_555 = vector.shape_cast %parallel_loop3A_549 : vector<16xi32> to vector<1x16xi32>
        tpu.vector_store %arg10[%parallel_loop3A_551, %parallel_loop3A_552], %parallel_loop3A_555 {strides = array<i32>} : memref<8x1024xi32, #tpu.memory_space<vmem>>, vector<1x16xi32>,
        %parallel_loop3A_556 = arith.constant 3 : i32
        %parallel_loop3A_557 = arith.index_cast %parallel_loop3A_556 : i32 to index
        %parallel_loop3A_558 = arith.index_cast %parallel_loop3A_510 : i32 to index
        %parallel_loop3A_559 = tpu.vector_load %arg6[%parallel_loop3A_557, %parallel_loop3A_558] {strides = array<i32>} : memref<8x1024xf32, #tpu.memory_space<vmem>>, vector<1x16xf32>,
        %parallel_loop3A_560 = vector.shape_cast %parallel_loop3A_559 : vector<1x16xf32> to vector<16xf32>
        %parallel_loop3A_561 = arith.mulf %parallel_loop3A_560, %get3A_4 : vector<16xf32>
        %parallel_loop3A_562 = arith.addf %parallel_loop3A_561, %get3A_7 : vector<16xf32>
        %parallel_loop3A_563 = arith.fptosi %parallel_loop3A_562 : vector<16xf32> to vector<16xi32>
        %parallel_loop3A_564 = arith.minsi %parallel_loop3A_563, %broadcast_in_dim3A_8 : vector<16xi32>
        %parallel_loop3A_565 = arith.constant 3 : i32
        %parallel_loop3A_566 = arith.index_cast %parallel_loop3A_565 : i32 to index
        %parallel_loop3A_567 = arith.index_cast %parallel_loop3A_510 : i32 to index
        %parallel_loop3A_568 = tpu.vector_load %arg10[%parallel_loop3A_566, %parallel_loop3A_567] {strides = array<i32>} : memref<8x1024xi32, #tpu.memory_space<vmem>>, vector<1x16xi32>,
        %parallel_loop3A_569 = vector.shape_cast %parallel_loop3A_568 : vector<1x16xi32> to vector<16xi32>
        %parallel_loop3A_570 = vector.shape_cast %parallel_loop3A_564 : vector<16xi32> to vector<1x16xi32>
        tpu.vector_store %arg10[%parallel_loop3A_566, %parallel_loop3A_567], %parallel_loop3A_570 {strides = array<i32>} : memref<8x1024xi32, #tpu.memory_space<vmem>>, vector<1x16xi32>,
        %parallel_loop3A_571 = arith.constant 4 : i32
        %parallel_loop3A_572 = arith.index_cast %parallel_loop3A_571 : i32 to index
        %parallel_loop3A_573 = arith.index_cast %parallel_loop3A_510 : i32 to index
        %parallel_loop3A_574 = tpu.vector_load %arg6[%parallel_loop3A_572, %parallel_loop3A_573] {strides = array<i32>} : memref<8x1024xf32, #tpu.memory_space<vmem>>, vector<1x16xf32>,
        %parallel_loop3A_575 = vector.shape_cast %parallel_loop3A_574 : vector<1x16xf32> to vector<16xf32>
        %parallel_loop3A_576 = arith.mulf %parallel_loop3A_575, %get3A_4 : vector<16xf32>
        %parallel_loop3A_577 = arith.addf %parallel_loop3A_576, %get3A_7 : vector<16xf32>
        %parallel_loop3A_578 = arith.fptosi %parallel_loop3A_577 : vector<16xf32> to vector<16xi32>
        %parallel_loop3A_579 = arith.minsi %parallel_loop3A_578, %broadcast_in_dim3A_8 : vector<16xi32>
        %parallel_loop3A_580 = arith.constant 4 : i32
        %parallel_loop3A_581 = arith.index_cast %parallel_loop3A_580 : i32 to index
        %parallel_loop3A_582 = arith.index_cast %parallel_loop3A_510 : i32 to index
        %parallel_loop3A_583 = tpu.vector_load %arg10[%parallel_loop3A_581, %parallel_loop3A_582] {strides = array<i32>} : memref<8x1024xi32, #tpu.memory_space<vmem>>, vector<1x16xi32>,
        %parallel_loop3A_584 = vector.shape_cast %parallel_loop3A_583 : vector<1x16xi32> to vector<16xi32>
        %parallel_loop3A_585 = vector.shape_cast %parallel_loop3A_579 : vector<16xi32> to vector<1x16xi32>
        tpu.vector_store %arg10[%parallel_loop3A_581, %parallel_loop3A_582], %parallel_loop3A_585 {strides = array<i32>} : memref<8x1024xi32, #tpu.memory_space<vmem>>, vector<1x16xi32>,
        %parallel_loop3A_586 = arith.constant 5 : i32
        %parallel_loop3A_587 = arith.index_cast %parallel_loop3A_586 : i32 to index
        %parallel_loop3A_588 = arith.index_cast %parallel_loop3A_510 : i32 to index
        %parallel_loop3A_589 = tpu.vector_load %arg6[%parallel_loop3A_587, %parallel_loop3A_588] {strides = array<i32>} : memref<8x1024xf32, #tpu.memory_space<vmem>>, vector<1x16xf32>,
        %parallel_loop3A_590 = vector.shape_cast %parallel_loop3A_589 : vector<1x16xf32> to vector<16xf32>
        %parallel_loop3A_591 = arith.mulf %parallel_loop3A_590, %get3A_4 : vector<16xf32>
        %parallel_loop3A_592 = arith.addf %parallel_loop3A_591, %get3A_7 : vector<16xf32>
        %parallel_loop3A_593 = arith.fptosi %parallel_loop3A_592 : vector<16xf32> to vector<16xi32>
        %parallel_loop3A_594 = arith.minsi %parallel_loop3A_593, %broadcast_in_dim3A_8 : vector<16xi32>
        %parallel_loop3A_595 = arith.constant 5 : i32
        %parallel_loop3A_596 = arith.index_cast %parallel_loop3A_595 : i32 to index
        %parallel_loop3A_597 = arith.index_cast %parallel_loop3A_510 : i32 to index
        %parallel_loop3A_598 = tpu.vector_load %arg10[%parallel_loop3A_596, %parallel_loop3A_597] {strides = array<i32>} : memref<8x1024xi32, #tpu.memory_space<vmem>>, vector<1x16xi32>,
        %parallel_loop3A_599 = vector.shape_cast %parallel_loop3A_598 : vector<1x16xi32> to vector<16xi32>
        %parallel_loop3A_600 = vector.shape_cast %parallel_loop3A_594 : vector<16xi32> to vector<1x16xi32>
        tpu.vector_store %arg10[%parallel_loop3A_596, %parallel_loop3A_597], %parallel_loop3A_600 {strides = array<i32>} : memref<8x1024xi32, #tpu.memory_space<vmem>>, vector<1x16xi32>,
        %parallel_loop3A_601 = arith.constant 6 : i32
        %parallel_loop3A_602 = arith.index_cast %parallel_loop3A_601 : i32 to index
        %parallel_loop3A_603 = arith.index_cast %parallel_loop3A_510 : i32 to index
        %parallel_loop3A_604 = tpu.vector_load %arg6[%parallel_loop3A_602, %parallel_loop3A_603] {strides = array<i32>} : memref<8x1024xf32, #tpu.memory_space<vmem>>, vector<1x16xf32>,
        %parallel_loop3A_605 = vector.shape_cast %parallel_loop3A_604 : vector<1x16xf32> to vector<16xf32>
        %parallel_loop3A_606 = arith.mulf %parallel_loop3A_605, %get3A_4 : vector<16xf32>
        %parallel_loop3A_607 = arith.addf %parallel_loop3A_606, %get3A_7 : vector<16xf32>
        %parallel_loop3A_608 = arith.fptosi %parallel_loop3A_607 : vector<16xf32> to vector<16xi32>
        %parallel_loop3A_609 = arith.minsi %parallel_loop3A_608, %broadcast_in_dim3A_8 : vector<16xi32>
        %parallel_loop3A_610 = arith.constant 6 : i32
        %parallel_loop3A_611 = arith.index_cast %parallel_loop3A_610 : i32 to index
        %parallel_loop3A_612 = arith.index_cast %parallel_loop3A_510 : i32 to index
        %parallel_loop3A_613 = tpu.vector_load %arg10[%parallel_loop3A_611, %parallel_loop3A_612] {strides = array<i32>} : memref<8x1024xi32, #tpu.memory_space<vmem>>, vector<1x16xi32>,
        %parallel_loop3A_614 = vector.shape_cast %parallel_loop3A_613 : vector<1x16xi32> to vector<16xi32>
        %parallel_loop3A_615 = vector.shape_cast %parallel_loop3A_609 : vector<16xi32> to vector<1x16xi32>
        tpu.vector_store %arg10[%parallel_loop3A_611, %parallel_loop3A_612], %parallel_loop3A_615 {strides = array<i32>} : memref<8x1024xi32, #tpu.memory_space<vmem>>, vector<1x16xi32>,
        %parallel_loop3A_616 = arith.constant 7 : i32
        %parallel_loop3A_617 = arith.index_cast %parallel_loop3A_616 : i32 to index
        %parallel_loop3A_618 = arith.index_cast %parallel_loop3A_510 : i32 to index
        %parallel_loop3A_619 = tpu.vector_load %arg6[%parallel_loop3A_617, %parallel_loop3A_618] {strides = array<i32>} : memref<8x1024xf32, #tpu.memory_space<vmem>>, vector<1x16xf32>,
        %parallel_loop3A_620 = vector.shape_cast %parallel_loop3A_619 : vector<1x16xf32> to vector<16xf32>
        %parallel_loop3A_621 = arith.mulf %parallel_loop3A_620, %get3A_4 : vector<16xf32>
        %parallel_loop3A_622 = arith.addf %parallel_loop3A_621, %get3A_7 : vector<16xf32>
        %parallel_loop3A_623 = arith.fptosi %parallel_loop3A_622 : vector<16xf32> to vector<16xi32>
        %parallel_loop3A_624 = arith.minsi %parallel_loop3A_623, %broadcast_in_dim3A_8 : vector<16xi32>
        %parallel_loop3A_625 = arith.constant 7 : i32
        %parallel_loop3A_626 = arith.index_cast %parallel_loop3A_625 : i32 to index
        %parallel_loop3A_627 = arith.index_cast %parallel_loop3A_510 : i32 to index
        %parallel_loop3A_628 = tpu.vector_load %arg10[%parallel_loop3A_626, %parallel_loop3A_627] {strides = array<i32>} : memref<8x1024xi32, #tpu.memory_space<vmem>>, vector<1x16xi32>,
        %parallel_loop3A_629 = vector.shape_cast %parallel_loop3A_628 : vector<1x16xi32> to vector<16xi32>
        %parallel_loop3A_630 = vector.shape_cast %parallel_loop3A_624 : vector<16xi32> to vector<1x16xi32>
        tpu.vector_store %arg10[%parallel_loop3A_626, %parallel_loop3A_627], %parallel_loop3A_630 {strides = array<i32>} : memref<8x1024xi32, #tpu.memory_space<vmem>>, vector<1x16xi32>,
      } {sc.loop_unroll_factor = 2 : i64, sc.parallel_access}
      %add3A_312 = arith.addi %mul3A_2, %add3A_297 : i32
      %jit3A_313 = arith.constant 4 : i32
      %div3A_314 = arith.divsi %add3A_312, %jit3A_313 : i32
      %sign3A_315 = arith.constant 0 : i32
      %sign3A_316 = arith.cmpi sgt, %add3A_312, %sign3A_315 : i32
      %sign3A_317 = arith.extui %sign3A_316 : i1 to i32
      %sign3A_318 = arith.constant 0 : i32
      %sign3A_319 = arith.cmpi slt, %add3A_312, %sign3A_318 : i32
      %sign3A_320 = arith.extui %sign3A_319 : i1 to i32
      %sign3A_321 = arith.subi %sign3A_317, %sign3A_320 : i32
      %sign3A_322 = arith.constant 0 : i32
      %sign3A_323 = arith.cmpi sgt, %jit3A_313, %sign3A_322 : i32
      %sign3A_324 = arith.extui %sign3A_323 : i1 to i32
      %sign3A_325 = arith.constant 0 : i32
      %sign3A_326 = arith.cmpi slt, %jit3A_313, %sign3A_325 : i32
      %sign3A_327 = arith.extui %sign3A_326 : i1 to i32
      %sign3A_328 = arith.subi %sign3A_324, %sign3A_327 : i32
      %ne3A_329 = arith.cmpi ne, %sign3A_321, %sign3A_328 : i32
      %rem3A_330 = arith.remsi %add3A_312, %jit3A_313 : i32
      %ne3A_331 = arith.constant 0 : i32
      %ne3A_332 = arith.cmpi ne, %rem3A_330, %ne3A_331 : i32
      %and3A_333 = arith.andi %ne3A_329, %ne3A_332 : i1
      %sub3A_334 = arith.constant 1 : i32
      %sub3A_335 = arith.subi %div3A_314, %sub3A_334 : i32
      %select_n3A_336 = arith.select %and3A_333, %sub3A_335, %div3A_314 : i32
      %mul3A_337 = arith.constant 8 : i32
      %mul3A_338 = arith.muli %select_n3A_336, %mul3A_337 : i32
      %multiple_of3A_339 = tpu.assume_multiple %mul3A_338, 8 : i32
      %jit3A_340 = arith.constant 4 : i32
      %eq3A_341 = arith.constant 0 : i32
      %eq3A_342 = arith.cmpi eq, %jit3A_340, %eq3A_341 : i32
      %jit3A_343 = arith.constant 1 : i32
      %select_n3A_344 = arith.select %eq3A_342, %jit3A_343, %jit3A_340 : i32
      %rem3A_345 = arith.remsi %add3A_312, %select_n3A_344 : i32
      %ne3A_346 = arith.constant 0 : i32
      %ne3A_347 = arith.cmpi ne, %rem3A_345, %ne3A_346 : i32
      %lt3A_348 = arith.constant 0 : i32
      %lt3A_349 = arith.cmpi slt, %rem3A_345, %lt3A_348 : i32
      %lt3A_350 = arith.constant 0 : i32
      %lt3A_351 = arith.cmpi slt, %select_n3A_344, %lt3A_350 : i32
      %ne3A_352 = arith.xori %lt3A_349, %lt3A_351 : i1
      %and3A_353 = arith.andi %ne3A_352, %ne3A_347 : i1
      %add3A_354 = arith.addi %rem3A_345, %select_n3A_344 : i32
      %select_n3A_355 = arith.select %and3A_353, %add3A_354, %rem3A_345 : i32
      %mul3A_356 = arith.constant 1024 : i32
      %mul3A_357 = arith.muli %select_n3A_355, %mul3A_356 : i32
      %multiple_of3A_358 = tpu.assume_multiple %mul3A_357, 128 : i32
      %dma_start3A_359 = tpu.memref_slice %arg4[%multiple_of3A_339, %multiple_of3A_358] : memref<4096x4096xi32, #tpu.memory_space<hbm>> -> memref<8x1024xi32, #tpu.memory_space<hbm>>
      %dma_start3A_360 = tpu.memref_slice %arg4[%multiple_of3A_339, %multiple_of3A_358] : memref<4096x4096xi32, #tpu.memory_space<hbm>> -> memref<8x1024xi32, #tpu.memory_space<hbm>>
      tpu.enqueue_dma source(%arg10 : memref<8x1024xi32, #tpu.memory_space<vmem>>) target(%dma_start3A_360 : memref<8x1024xi32, #tpu.memory_space<hbm>>) target_semaphore(%arg19 : memref<!tpu.dma_semaphore, #tpu.memory_space<semaphore_mem>>)
      %lt3A_361 = arith.constant 15 : i32
      %lt3A_362 = arith.cmpi slt, %scan3A_225, %lt3A_361 : i32
      %convert_element_type3A_363 = arith.extui %lt3A_362 : i1 to i32
      %cond3A_364 = arith.constant 0 : i32
      %cond3A_365 = arith.cmpi ne, %convert_element_type3A_363, %cond3A_364 : i32
      scf.if %cond3A_365 {
        %add3A_510 = arith.constant 4 : i32
        %add3A_511 = arith.addi %add3A_297, %add3A_510 : i32
        %add3A_512 = arith.addi %mul3A_2, %add3A_511 : i32
        %jit3A_513 = arith.constant 4 : i32
        %div3A_514 = arith.divsi %add3A_512, %jit3A_513 : i32
        %sign3A_515 = arith.constant 0 : i32
        %sign3A_516 = arith.cmpi sgt, %add3A_512, %sign3A_515 : i32
        %sign3A_517 = arith.extui %sign3A_516 : i1 to i32
        %sign3A_518 = arith.constant 0 : i32
        %sign3A_519 = arith.cmpi slt, %add3A_512, %sign3A_518 : i32
        %sign3A_520 = arith.extui %sign3A_519 : i1 to i32
        %sign3A_521 = arith.subi %sign3A_517, %sign3A_520 : i32
        %sign3A_522 = arith.constant 0 : i32
        %sign3A_523 = arith.cmpi sgt, %jit3A_513, %sign3A_522 : i32
        %sign3A_524 = arith.extui %sign3A_523 : i1 to i32
        %sign3A_525 = arith.constant 0 : i32
        %sign3A_526 = arith.cmpi slt, %jit3A_513, %sign3A_525 : i32
        %sign3A_527 = arith.extui %sign3A_526 : i1 to i32
        %sign3A_528 = arith.subi %sign3A_524, %sign3A_527 : i32
        %ne3A_529 = arith.cmpi ne, %sign3A_521, %sign3A_528 : i32
        %rem3A_530 = arith.remsi %add3A_512, %jit3A_513 : i32
        %ne3A_531 = arith.constant 0 : i32
        %ne3A_532 = arith.cmpi ne, %rem3A_530, %ne3A_531 : i32
        %and3A_533 = arith.andi %ne3A_529, %ne3A_532 : i1
        %sub3A_534 = arith.constant 1 : i32
        %sub3A_535 = arith.subi %div3A_514, %sub3A_534 : i32
        %select_n3A_536 = arith.select %and3A_533, %sub3A_535, %div3A_514 : i32
        %mul3A_537 = arith.constant 8 : i32
        %mul3A_538 = arith.muli %select_n3A_536, %mul3A_537 : i32
        %multiple_of3A_539 = tpu.assume_multiple %mul3A_538, 8 : i32
        %jit3A_540 = arith.constant 4 : i32
        %eq3A_541 = arith.constant 0 : i32
        %eq3A_542 = arith.cmpi eq, %jit3A_540, %eq3A_541 : i32
        %jit3A_543 = arith.constant 1 : i32
        %select_n3A_544 = arith.select %eq3A_542, %jit3A_543, %jit3A_540 : i32
        %rem3A_545 = arith.remsi %add3A_512, %select_n3A_544 : i32
        %ne3A_546 = arith.constant 0 : i32
        %ne3A_547 = arith.cmpi ne, %rem3A_545, %ne3A_546 : i32
        %lt3A_548 = arith.constant 0 : i32
        %lt3A_549 = arith.cmpi slt, %rem3A_545, %lt3A_548 : i32
        %lt3A_550 = arith.constant 0 : i32
        %lt3A_551 = arith.cmpi slt, %select_n3A_544, %lt3A_550 : i32
        %ne3A_552 = arith.xori %lt3A_549, %lt3A_551 : i1
        %and3A_553 = arith.andi %ne3A_552, %ne3A_547 : i1
        %add3A_554 = arith.addi %rem3A_545, %select_n3A_544 : i32
        %select_n3A_555 = arith.select %and3A_553, %add3A_554, %rem3A_545 : i32
        %mul3A_556 = arith.constant 1024 : i32
        %mul3A_557 = arith.muli %select_n3A_555, %mul3A_556 : i32
        %multiple_of3A_558 = tpu.assume_multiple %mul3A_557, 128 : i32
        %dma_start3A_559 = tpu.memref_slice %arg2[%multiple_of3A_539, %multiple_of3A_558] : memref<4096x4096xf32, #tpu.memory_space<hbm>> -> memref<8x1024xf32, #tpu.memory_space<hbm>>
        %dma_start3A_560 = tpu.memref_slice %arg2[%multiple_of3A_539, %multiple_of3A_558] : memref<4096x4096xf32, #tpu.memory_space<hbm>> -> memref<8x1024xf32, #tpu.memory_space<hbm>>
        tpu.enqueue_dma source(%dma_start3A_560 : memref<8x1024xf32, #tpu.memory_space<hbm>>) target(%arg6 : memref<8x1024xf32, #tpu.memory_space<vmem>>) target_semaphore(%arg15 : memref<!tpu.dma_semaphore, #tpu.memory_space<semaphore_mem>>)
      } else {
      }
      %mul3A_366 = arith.constant 4 : i32
      %mul3A_367 = arith.muli %scan3A_225, %mul3A_366 : i32
      %add3A_368 = arith.constant 2 : i32
      %add3A_369 = arith.addi %mul3A_367, %add3A_368 : i32
      %dma_wait3A_370 = arith.constant 0 : i32
      %dma_wait3A_371 = arith.constant 0 : i32
      %dma_wait3A_372 = tpu.memref_slice %arg2[%dma_wait3A_370, %dma_wait3A_371] : memref<4096x4096xf32, #tpu.memory_space<hbm>> -> memref<8x1024xf32, #tpu.memory_space<hbm>>
      %dma_wait3A_373 = arith.constant 0 : i32
      %dma_wait3A_374 = arith.constant 0 : i32
      %dma_wait3A_375 = tpu.memref_slice %arg2[%dma_wait3A_373, %dma_wait3A_374] : memref<4096x4096xf32, #tpu.memory_space<hbm>> -> memref<8x1024xf32, #tpu.memory_space<hbm>>
      tpu.wait_dma2 semaphore(%arg16 : memref<!tpu.dma_semaphore, #tpu.memory_space<semaphore_mem>>) src(%dma_wait3A_375 : memref<8x1024xf32, #tpu.memory_space<hbm>>) dst(%arg7 : memref<8x1024xf32, #tpu.memory_space<vmem>>)
      %gt3A_376 = arith.constant 0 : i32
      %gt3A_377 = arith.cmpi sgt, %scan3A_225, %gt3A_376 : i32
      %convert_element_type3A_378 = arith.extui %gt3A_377 : i1 to i32
      %cond3A_379 = arith.constant 0 : i32
      %cond3A_380 = arith.cmpi ne, %convert_element_type3A_378, %cond3A_379 : i32
      scf.if %cond3A_380 {
        %dma_wait3A_510 = arith.constant 0 : i32
        %dma_wait3A_511 = arith.constant 0 : i32
        %dma_wait3A_512 = tpu.memref_slice %arg4[%dma_wait3A_510, %dma_wait3A_511] : memref<4096x4096xi32, #tpu.memory_space<hbm>> -> memref<8x1024xi32, #tpu.memory_space<hbm>>
        %dma_wait3A_513 = arith.constant 0 : i32
        %dma_wait3A_514 = arith.constant 0 : i32
        %dma_wait3A_515 = tpu.memref_slice %arg4[%dma_wait3A_513, %dma_wait3A_514] : memref<4096x4096xi32, #tpu.memory_space<hbm>> -> memref<8x1024xi32, #tpu.memory_space<hbm>>
        tpu.wait_dma2 semaphore(%arg20 : memref<!tpu.dma_semaphore, #tpu.memory_space<semaphore_mem>>) src(%arg11 : memref<8x1024xi32, #tpu.memory_space<vmem>>) dst(%dma_wait3A_515 : memref<8x1024xi32, #tpu.memory_space<hbm>>)
      } else {
      }
      %parallel_loop3A_381 = arith.constant 0 : i32
      %parallel_loop3A_382 = arith.constant 1024 : i32
      %parallel_loop3A_383 = arith.constant 16 : i32
      scf.for %parallel_loop3A_510 = %parallel_loop3A_381 to %parallel_loop3A_382 step %parallel_loop3A_383  : i32 {
        %parallel_loop3A_511 = arith.constant 0 : i32
        %parallel_loop3A_512 = arith.index_cast %parallel_loop3A_511 : i32 to index
        %parallel_loop3A_513 = arith.index_cast %parallel_loop3A_510 : i32 to index
        %parallel_loop3A_514 = tpu.vector_load %arg7[%parallel_loop3A_512, %parallel_loop3A_513] {strides = array<i32>} : memref<8x1024xf32, #tpu.memory_space<vmem>>, vector<1x16xf32>,
        %parallel_loop3A_515 = vector.shape_cast %parallel_loop3A_514 : vector<1x16xf32> to vector<16xf32>
        %parallel_loop3A_516 = arith.mulf %parallel_loop3A_515, %get3A_4 : vector<16xf32>
        %parallel_loop3A_517 = arith.addf %parallel_loop3A_516, %get3A_7 : vector<16xf32>
        %parallel_loop3A_518 = arith.fptosi %parallel_loop3A_517 : vector<16xf32> to vector<16xi32>
        %parallel_loop3A_519 = arith.minsi %parallel_loop3A_518, %broadcast_in_dim3A_8 : vector<16xi32>
        %parallel_loop3A_520 = arith.constant 0 : i32
        %parallel_loop3A_521 = arith.index_cast %parallel_loop3A_520 : i32 to index
        %parallel_loop3A_522 = arith.index_cast %parallel_loop3A_510 : i32 to index
        %parallel_loop3A_523 = tpu.vector_load %arg11[%parallel_loop3A_521, %parallel_loop3A_522] {strides = array<i32>} : memref<8x1024xi32, #tpu.memory_space<vmem>>, vector<1x16xi32>,
        %parallel_loop3A_524 = vector.shape_cast %parallel_loop3A_523 : vector<1x16xi32> to vector<16xi32>
        %parallel_loop3A_525 = vector.shape_cast %parallel_loop3A_519 : vector<16xi32> to vector<1x16xi32>
        tpu.vector_store %arg11[%parallel_loop3A_521, %parallel_loop3A_522], %parallel_loop3A_525 {strides = array<i32>} : memref<8x1024xi32, #tpu.memory_space<vmem>>, vector<1x16xi32>,
        %parallel_loop3A_526 = arith.constant 1 : i32
        %parallel_loop3A_527 = arith.index_cast %parallel_loop3A_526 : i32 to index
        %parallel_loop3A_528 = arith.index_cast %parallel_loop3A_510 : i32 to index
        %parallel_loop3A_529 = tpu.vector_load %arg7[%parallel_loop3A_527, %parallel_loop3A_528] {strides = array<i32>} : memref<8x1024xf32, #tpu.memory_space<vmem>>, vector<1x16xf32>,
        %parallel_loop3A_530 = vector.shape_cast %parallel_loop3A_529 : vector<1x16xf32> to vector<16xf32>
        %parallel_loop3A_531 = arith.mulf %parallel_loop3A_530, %get3A_4 : vector<16xf32>
        %parallel_loop3A_532 = arith.addf %parallel_loop3A_531, %get3A_7 : vector<16xf32>
        %parallel_loop3A_533 = arith.fptosi %parallel_loop3A_532 : vector<16xf32> to vector<16xi32>
        %parallel_loop3A_534 = arith.minsi %parallel_loop3A_533, %broadcast_in_dim3A_8 : vector<16xi32>
        %parallel_loop3A_535 = arith.constant 1 : i32
        %parallel_loop3A_536 = arith.index_cast %parallel_loop3A_535 : i32 to index
        %parallel_loop3A_537 = arith.index_cast %parallel_loop3A_510 : i32 to index
        %parallel_loop3A_538 = tpu.vector_load %arg11[%parallel_loop3A_536, %parallel_loop3A_537] {strides = array<i32>} : memref<8x1024xi32, #tpu.memory_space<vmem>>, vector<1x16xi32>,
        %parallel_loop3A_539 = vector.shape_cast %parallel_loop3A_538 : vector<1x16xi32> to vector<16xi32>
        %parallel_loop3A_540 = vector.shape_cast %parallel_loop3A_534 : vector<16xi32> to vector<1x16xi32>
        tpu.vector_store %arg11[%parallel_loop3A_536, %parallel_loop3A_537], %parallel_loop3A_540 {strides = array<i32>} : memref<8x1024xi32, #tpu.memory_space<vmem>>, vector<1x16xi32>,
        %parallel_loop3A_541 = arith.constant 2 : i32
        %parallel_loop3A_542 = arith.index_cast %parallel_loop3A_541 : i32 to index
        %parallel_loop3A_543 = arith.index_cast %parallel_loop3A_510 : i32 to index
        %parallel_loop3A_544 = tpu.vector_load %arg7[%parallel_loop3A_542, %parallel_loop3A_543] {strides = array<i32>} : memref<8x1024xf32, #tpu.memory_space<vmem>>, vector<1x16xf32>,
        %parallel_loop3A_545 = vector.shape_cast %parallel_loop3A_544 : vector<1x16xf32> to vector<16xf32>
        %parallel_loop3A_546 = arith.mulf %parallel_loop3A_545, %get3A_4 : vector<16xf32>
        %parallel_loop3A_547 = arith.addf %parallel_loop3A_546, %get3A_7 : vector<16xf32>
        %parallel_loop3A_548 = arith.fptosi %parallel_loop3A_547 : vector<16xf32> to vector<16xi32>
        %parallel_loop3A_549 = arith.minsi %parallel_loop3A_548, %broadcast_in_dim3A_8 : vector<16xi32>
        %parallel_loop3A_550 = arith.constant 2 : i32
        %parallel_loop3A_551 = arith.index_cast %parallel_loop3A_550 : i32 to index
        %parallel_loop3A_552 = arith.index_cast %parallel_loop3A_510 : i32 to index
        %parallel_loop3A_553 = tpu.vector_load %arg11[%parallel_loop3A_551, %parallel_loop3A_552] {strides = array<i32>} : memref<8x1024xi32, #tpu.memory_space<vmem>>, vector<1x16xi32>,
        %parallel_loop3A_554 = vector.shape_cast %parallel_loop3A_553 : vector<1x16xi32> to vector<16xi32>
        %parallel_loop3A_555 = vector.shape_cast %parallel_loop3A_549 : vector<16xi32> to vector<1x16xi32>
        tpu.vector_store %arg11[%parallel_loop3A_551, %parallel_loop3A_552], %parallel_loop3A_555 {strides = array<i32>} : memref<8x1024xi32, #tpu.memory_space<vmem>>, vector<1x16xi32>,
        %parallel_loop3A_556 = arith.constant 3 : i32
        %parallel_loop3A_557 = arith.index_cast %parallel_loop3A_556 : i32 to index
        %parallel_loop3A_558 = arith.index_cast %parallel_loop3A_510 : i32 to index
        %parallel_loop3A_559 = tpu.vector_load %arg7[%parallel_loop3A_557, %parallel_loop3A_558] {strides = array<i32>} : memref<8x1024xf32, #tpu.memory_space<vmem>>, vector<1x16xf32>,
        %parallel_loop3A_560 = vector.shape_cast %parallel_loop3A_559 : vector<1x16xf32> to vector<16xf32>
        %parallel_loop3A_561 = arith.mulf %parallel_loop3A_560, %get3A_4 : vector<16xf32>
        %parallel_loop3A_562 = arith.addf %parallel_loop3A_561, %get3A_7 : vector<16xf32>
        %parallel_loop3A_563 = arith.fptosi %parallel_loop3A_562 : vector<16xf32> to vector<16xi32>
        %parallel_loop3A_564 = arith.minsi %parallel_loop3A_563, %broadcast_in_dim3A_8 : vector<16xi32>
        %parallel_loop3A_565 = arith.constant 3 : i32
        %parallel_loop3A_566 = arith.index_cast %parallel_loop3A_565 : i32 to index
        %parallel_loop3A_567 = arith.index_cast %parallel_loop3A_510 : i32 to index
        %parallel_loop3A_568 = tpu.vector_load %arg11[%parallel_loop3A_566, %parallel_loop3A_567] {strides = array<i32>} : memref<8x1024xi32, #tpu.memory_space<vmem>>, vector<1x16xi32>,
        %parallel_loop3A_569 = vector.shape_cast %parallel_loop3A_568 : vector<1x16xi32> to vector<16xi32>
        %parallel_loop3A_570 = vector.shape_cast %parallel_loop3A_564 : vector<16xi32> to vector<1x16xi32>
        tpu.vector_store %arg11[%parallel_loop3A_566, %parallel_loop3A_567], %parallel_loop3A_570 {strides = array<i32>} : memref<8x1024xi32, #tpu.memory_space<vmem>>, vector<1x16xi32>,
        %parallel_loop3A_571 = arith.constant 4 : i32
        %parallel_loop3A_572 = arith.index_cast %parallel_loop3A_571 : i32 to index
        %parallel_loop3A_573 = arith.index_cast %parallel_loop3A_510 : i32 to index
        %parallel_loop3A_574 = tpu.vector_load %arg7[%parallel_loop3A_572, %parallel_loop3A_573] {strides = array<i32>} : memref<8x1024xf32, #tpu.memory_space<vmem>>, vector<1x16xf32>,
        %parallel_loop3A_575 = vector.shape_cast %parallel_loop3A_574 : vector<1x16xf32> to vector<16xf32>
        %parallel_loop3A_576 = arith.mulf %parallel_loop3A_575, %get3A_4 : vector<16xf32>
        %parallel_loop3A_577 = arith.addf %parallel_loop3A_576, %get3A_7 : vector<16xf32>
        %parallel_loop3A_578 = arith.fptosi %parallel_loop3A_577 : vector<16xf32> to vector<16xi32>
        %parallel_loop3A_579 = arith.minsi %parallel_loop3A_578, %broadcast_in_dim3A_8 : vector<16xi32>
        %parallel_loop3A_580 = arith.constant 4 : i32
        %parallel_loop3A_581 = arith.index_cast %parallel_loop3A_580 : i32 to index
        %parallel_loop3A_582 = arith.index_cast %parallel_loop3A_510 : i32 to index
        %parallel_loop3A_583 = tpu.vector_load %arg11[%parallel_loop3A_581, %parallel_loop3A_582] {strides = array<i32>} : memref<8x1024xi32, #tpu.memory_space<vmem>>, vector<1x16xi32>,
        %parallel_loop3A_584 = vector.shape_cast %parallel_loop3A_583 : vector<1x16xi32> to vector<16xi32>
        %parallel_loop3A_585 = vector.shape_cast %parallel_loop3A_579 : vector<16xi32> to vector<1x16xi32>
        tpu.vector_store %arg11[%parallel_loop3A_581, %parallel_loop3A_582], %parallel_loop3A_585 {strides = array<i32>} : memref<8x1024xi32, #tpu.memory_space<vmem>>, vector<1x16xi32>,
        %parallel_loop3A_586 = arith.constant 5 : i32
        %parallel_loop3A_587 = arith.index_cast %parallel_loop3A_586 : i32 to index
        %parallel_loop3A_588 = arith.index_cast %parallel_loop3A_510 : i32 to index
        %parallel_loop3A_589 = tpu.vector_load %arg7[%parallel_loop3A_587, %parallel_loop3A_588] {strides = array<i32>} : memref<8x1024xf32, #tpu.memory_space<vmem>>, vector<1x16xf32>,
        %parallel_loop3A_590 = vector.shape_cast %parallel_loop3A_589 : vector<1x16xf32> to vector<16xf32>
        %parallel_loop3A_591 = arith.mulf %parallel_loop3A_590, %get3A_4 : vector<16xf32>
        %parallel_loop3A_592 = arith.addf %parallel_loop3A_591, %get3A_7 : vector<16xf32>
        %parallel_loop3A_593 = arith.fptosi %parallel_loop3A_592 : vector<16xf32> to vector<16xi32>
        %parallel_loop3A_594 = arith.minsi %parallel_loop3A_593, %broadcast_in_dim3A_8 : vector<16xi32>
        %parallel_loop3A_595 = arith.constant 5 : i32
        %parallel_loop3A_596 = arith.index_cast %parallel_loop3A_595 : i32 to index
        %parallel_loop3A_597 = arith.index_cast %parallel_loop3A_510 : i32 to index
        %parallel_loop3A_598 = tpu.vector_load %arg11[%parallel_loop3A_596, %parallel_loop3A_597] {strides = array<i32>} : memref<8x1024xi32, #tpu.memory_space<vmem>>, vector<1x16xi32>,
        %parallel_loop3A_599 = vector.shape_cast %parallel_loop3A_598 : vector<1x16xi32> to vector<16xi32>
        %parallel_loop3A_600 = vector.shape_cast %parallel_loop3A_594 : vector<16xi32> to vector<1x16xi32>
        tpu.vector_store %arg11[%parallel_loop3A_596, %parallel_loop3A_597], %parallel_loop3A_600 {strides = array<i32>} : memref<8x1024xi32, #tpu.memory_space<vmem>>, vector<1x16xi32>,
        %parallel_loop3A_601 = arith.constant 6 : i32
        %parallel_loop3A_602 = arith.index_cast %parallel_loop3A_601 : i32 to index
        %parallel_loop3A_603 = arith.index_cast %parallel_loop3A_510 : i32 to index
        %parallel_loop3A_604 = tpu.vector_load %arg7[%parallel_loop3A_602, %parallel_loop3A_603] {strides = array<i32>} : memref<8x1024xf32, #tpu.memory_space<vmem>>, vector<1x16xf32>,
        %parallel_loop3A_605 = vector.shape_cast %parallel_loop3A_604 : vector<1x16xf32> to vector<16xf32>
        %parallel_loop3A_606 = arith.mulf %parallel_loop3A_605, %get3A_4 : vector<16xf32>
        %parallel_loop3A_607 = arith.addf %parallel_loop3A_606, %get3A_7 : vector<16xf32>
        %parallel_loop3A_608 = arith.fptosi %parallel_loop3A_607 : vector<16xf32> to vector<16xi32>
        %parallel_loop3A_609 = arith.minsi %parallel_loop3A_608, %broadcast_in_dim3A_8 : vector<16xi32>
        %parallel_loop3A_610 = arith.constant 6 : i32
        %parallel_loop3A_611 = arith.index_cast %parallel_loop3A_610 : i32 to index
        %parallel_loop3A_612 = arith.index_cast %parallel_loop3A_510 : i32 to index
        %parallel_loop3A_613 = tpu.vector_load %arg11[%parallel_loop3A_611, %parallel_loop3A_612] {strides = array<i32>} : memref<8x1024xi32, #tpu.memory_space<vmem>>, vector<1x16xi32>,
        %parallel_loop3A_614 = vector.shape_cast %parallel_loop3A_613 : vector<1x16xi32> to vector<16xi32>
        %parallel_loop3A_615 = vector.shape_cast %parallel_loop3A_609 : vector<16xi32> to vector<1x16xi32>
        tpu.vector_store %arg11[%parallel_loop3A_611, %parallel_loop3A_612], %parallel_loop3A_615 {strides = array<i32>} : memref<8x1024xi32, #tpu.memory_space<vmem>>, vector<1x16xi32>,
        %parallel_loop3A_616 = arith.constant 7 : i32
        %parallel_loop3A_617 = arith.index_cast %parallel_loop3A_616 : i32 to index
        %parallel_loop3A_618 = arith.index_cast %parallel_loop3A_510 : i32 to index
        %parallel_loop3A_619 = tpu.vector_load %arg7[%parallel_loop3A_617, %parallel_loop3A_618] {strides = array<i32>} : memref<8x1024xf32, #tpu.memory_space<vmem>>, vector<1x16xf32>,
        %parallel_loop3A_620 = vector.shape_cast %parallel_loop3A_619 : vector<1x16xf32> to vector<16xf32>
        %parallel_loop3A_621 = arith.mulf %parallel_loop3A_620, %get3A_4 : vector<16xf32>
        %parallel_loop3A_622 = arith.addf %parallel_loop3A_621, %get3A_7 : vector<16xf32>
        %parallel_loop3A_623 = arith.fptosi %parallel_loop3A_622 : vector<16xf32> to vector<16xi32>
        %parallel_loop3A_624 = arith.minsi %parallel_loop3A_623, %broadcast_in_dim3A_8 : vector<16xi32>
        %parallel_loop3A_625 = arith.constant 7 : i32
        %parallel_loop3A_626 = arith.index_cast %parallel_loop3A_625 : i32 to index
        %parallel_loop3A_627 = arith.index_cast %parallel_loop3A_510 : i32 to index
        %parallel_loop3A_628 = tpu.vector_load %arg11[%parallel_loop3A_626, %parallel_loop3A_627] {strides = array<i32>} : memref<8x1024xi32, #tpu.memory_space<vmem>>, vector<1x16xi32>,
        %parallel_loop3A_629 = vector.shape_cast %parallel_loop3A_628 : vector<1x16xi32> to vector<16xi32>
        %parallel_loop3A_630 = vector.shape_cast %parallel_loop3A_624 : vector<16xi32> to vector<1x16xi32>
        tpu.vector_store %arg11[%parallel_loop3A_626, %parallel_loop3A_627], %parallel_loop3A_630 {strides = array<i32>} : memref<8x1024xi32, #tpu.memory_space<vmem>>, vector<1x16xi32>,
      } {sc.loop_unroll_factor = 2 : i64, sc.parallel_access}
      %add3A_384 = arith.addi %mul3A_2, %add3A_369 : i32
      %jit3A_385 = arith.constant 4 : i32
      %div3A_386 = arith.divsi %add3A_384, %jit3A_385 : i32
      %sign3A_387 = arith.constant 0 : i32
      %sign3A_388 = arith.cmpi sgt, %add3A_384, %sign3A_387 : i32
      %sign3A_389 = arith.extui %sign3A_388 : i1 to i32
      %sign3A_390 = arith.constant 0 : i32
      %sign3A_391 = arith.cmpi slt, %add3A_384, %sign3A_390 : i32
      %sign3A_392 = arith.extui %sign3A_391 : i1 to i32
      %sign3A_393 = arith.subi %sign3A_389, %sign3A_392 : i32
      %sign3A_394 = arith.constant 0 : i32
      %sign3A_395 = arith.cmpi sgt, %jit3A_385, %sign3A_394 : i32
      %sign3A_396 = arith.extui %sign3A_395 : i1 to i32
      %sign3A_397 = arith.constant 0 : i32
      %sign3A_398 = arith.cmpi slt, %jit3A_385, %sign3A_397 : i32
      %sign3A_399 = arith.extui %sign3A_398 : i1 to i32
      %sign3A_400 = arith.subi %sign3A_396, %sign3A_399 : i32
      %ne3A_401 = arith.cmpi ne, %sign3A_393, %sign3A_400 : i32
      %rem3A_402 = arith.remsi %add3A_384, %jit3A_385 : i32
      %ne3A_403 = arith.constant 0 : i32
      %ne3A_404 = arith.cmpi ne, %rem3A_402, %ne3A_403 : i32
      %and3A_405 = arith.andi %ne3A_401, %ne3A_404 : i1
      %sub3A_406 = arith.constant 1 : i32
      %sub3A_407 = arith.subi %div3A_386, %sub3A_406 : i32
      %select_n3A_408 = arith.select %and3A_405, %sub3A_407, %div3A_386 : i32
      %mul3A_409 = arith.constant 8 : i32
      %mul3A_410 = arith.muli %select_n3A_408, %mul3A_409 : i32
      %multiple_of3A_411 = tpu.assume_multiple %mul3A_410, 8 : i32
      %jit3A_412 = arith.constant 4 : i32
      %eq3A_413 = arith.constant 0 : i32
      %eq3A_414 = arith.cmpi eq, %jit3A_412, %eq3A_413 : i32
      %jit3A_415 = arith.constant 1 : i32
      %select_n3A_416 = arith.select %eq3A_414, %jit3A_415, %jit3A_412 : i32
      %rem3A_417 = arith.remsi %add3A_384, %select_n3A_416 : i32
      %ne3A_418 = arith.constant 0 : i32
      %ne3A_419 = arith.cmpi ne, %rem3A_417, %ne3A_418 : i32
      %lt3A_420 = arith.constant 0 : i32
      %lt3A_421 = arith.cmpi slt, %rem3A_417, %lt3A_420 : i32
      %lt3A_422 = arith.constant 0 : i32
      %lt3A_423 = arith.cmpi slt, %select_n3A_416, %lt3A_422 : i32
      %ne3A_424 = arith.xori %lt3A_421, %lt3A_423 : i1
      %and3A_425 = arith.andi %ne3A_424, %ne3A_419 : i1
      %add3A_426 = arith.addi %rem3A_417, %select_n3A_416 : i32
      %select_n3A_427 = arith.select %and3A_425, %add3A_426, %rem3A_417 : i32
      %mul3A_428 = arith.constant 1024 : i32
      %mul3A_429 = arith.muli %select_n3A_427, %mul3A_428 : i32
      %multiple_of3A_430 = tpu.assume_multiple %mul3A_429, 128 : i32
      %dma_start3A_431 = tpu.memref_slice %arg4[%multiple_of3A_411, %multiple_of3A_430] : memref<4096x4096xi32, #tpu.memory_space<hbm>> -> memref<8x1024xi32, #tpu.memory_space<hbm>>
      %dma_start3A_432 = tpu.memref_slice %arg4[%multiple_of3A_411, %multiple_of3A_430] : memref<4096x4096xi32, #tpu.memory_space<hbm>> -> memref<8x1024xi32, #tpu.memory_space<hbm>>
      tpu.enqueue_dma source(%arg11 : memref<8x1024xi32, #tpu.memory_space<vmem>>) target(%dma_start3A_432 : memref<8x1024xi32, #tpu.memory_space<hbm>>) target_semaphore(%arg20 : memref<!tpu.dma_semaphore, #tpu.memory_space<semaphore_mem>>)
      %lt3A_433 = arith.constant 15 : i32
      %lt3A_434 = arith.cmpi slt, %scan3A_225, %lt3A_433 : i32
      %convert_element_type3A_435 = arith.extui %lt3A_434 : i1 to i32
      %cond3A_436 = arith.constant 0 : i32
      %cond3A_437 = arith.cmpi ne, %convert_element_type3A_435, %cond3A_436 : i32
      scf.if %cond3A_437 {
        %add3A_510 = arith.constant 4 : i32
        %add3A_511 = arith.addi %add3A_369, %add3A_510 : i32
        %add3A_512 = arith.addi %mul3A_2, %add3A_511 : i32
        %jit3A_513 = arith.constant 4 : i32
        %div3A_514 = arith.divsi %add3A_512, %jit3A_513 : i32
        %sign3A_515 = arith.constant 0 : i32
        %sign3A_516 = arith.cmpi sgt, %add3A_512, %sign3A_515 : i32
        %sign3A_517 = arith.extui %sign3A_516 : i1 to i32
        %sign3A_518 = arith.constant 0 : i32
        %sign3A_519 = arith.cmpi slt, %add3A_512, %sign3A_518 : i32
        %sign3A_520 = arith.extui %sign3A_519 : i1 to i32
        %sign3A_521 = arith.subi %sign3A_517, %sign3A_520 : i32
        %sign3A_522 = arith.constant 0 : i32
        %sign3A_523 = arith.cmpi sgt, %jit3A_513, %sign3A_522 : i32
        %sign3A_524 = arith.extui %sign3A_523 : i1 to i32
        %sign3A_525 = arith.constant 0 : i32
        %sign3A_526 = arith.cmpi slt, %jit3A_513, %sign3A_525 : i32
        %sign3A_527 = arith.extui %sign3A_526 : i1 to i32
        %sign3A_528 = arith.subi %sign3A_524, %sign3A_527 : i32
        %ne3A_529 = arith.cmpi ne, %sign3A_521, %sign3A_528 : i32
        %rem3A_530 = arith.remsi %add3A_512, %jit3A_513 : i32
        %ne3A_531 = arith.constant 0 : i32
        %ne3A_532 = arith.cmpi ne, %rem3A_530, %ne3A_531 : i32
        %and3A_533 = arith.andi %ne3A_529, %ne3A_532 : i1
        %sub3A_534 = arith.constant 1 : i32
        %sub3A_535 = arith.subi %div3A_514, %sub3A_534 : i32
        %select_n3A_536 = arith.select %and3A_533, %sub3A_535, %div3A_514 : i32
        %mul3A_537 = arith.constant 8 : i32
        %mul3A_538 = arith.muli %select_n3A_536, %mul3A_537 : i32
        %multiple_of3A_539 = tpu.assume_multiple %mul3A_538, 8 : i32
        %jit3A_540 = arith.constant 4 : i32
        %eq3A_541 = arith.constant 0 : i32
        %eq3A_542 = arith.cmpi eq, %jit3A_540, %eq3A_541 : i32
        %jit3A_543 = arith.constant 1 : i32
        %select_n3A_544 = arith.select %eq3A_542, %jit3A_543, %jit3A_540 : i32
        %rem3A_545 = arith.remsi %add3A_512, %select_n3A_544 : i32
        %ne3A_546 = arith.constant 0 : i32
        %ne3A_547 = arith.cmpi ne, %rem3A_545, %ne3A_546 : i32
        %lt3A_548 = arith.constant 0 : i32
        %lt3A_549 = arith.cmpi slt, %rem3A_545, %lt3A_548 : i32
        %lt3A_550 = arith.constant 0 : i32
        %lt3A_551 = arith.cmpi slt, %select_n3A_544, %lt3A_550 : i32
        %ne3A_552 = arith.xori %lt3A_549, %lt3A_551 : i1
        %and3A_553 = arith.andi %ne3A_552, %ne3A_547 : i1
        %add3A_554 = arith.addi %rem3A_545, %select_n3A_544 : i32
        %select_n3A_555 = arith.select %and3A_553, %add3A_554, %rem3A_545 : i32
        %mul3A_556 = arith.constant 1024 : i32
        %mul3A_557 = arith.muli %select_n3A_555, %mul3A_556 : i32
        %multiple_of3A_558 = tpu.assume_multiple %mul3A_557, 128 : i32
        %dma_start3A_559 = tpu.memref_slice %arg2[%multiple_of3A_539, %multiple_of3A_558] : memref<4096x4096xf32, #tpu.memory_space<hbm>> -> memref<8x1024xf32, #tpu.memory_space<hbm>>
        %dma_start3A_560 = tpu.memref_slice %arg2[%multiple_of3A_539, %multiple_of3A_558] : memref<4096x4096xf32, #tpu.memory_space<hbm>> -> memref<8x1024xf32, #tpu.memory_space<hbm>>
        tpu.enqueue_dma source(%dma_start3A_560 : memref<8x1024xf32, #tpu.memory_space<hbm>>) target(%arg7 : memref<8x1024xf32, #tpu.memory_space<vmem>>) target_semaphore(%arg16 : memref<!tpu.dma_semaphore, #tpu.memory_space<semaphore_mem>>)
      } else {
      }
      %mul3A_438 = arith.constant 4 : i32
      %mul3A_439 = arith.muli %scan3A_225, %mul3A_438 : i32
      %add3A_440 = arith.constant 3 : i32
      %add3A_441 = arith.addi %mul3A_439, %add3A_440 : i32
      %dma_wait3A_442 = arith.constant 0 : i32
      %dma_wait3A_443 = arith.constant 0 : i32
      %dma_wait3A_444 = tpu.memref_slice %arg2[%dma_wait3A_442, %dma_wait3A_443] : memref<4096x4096xf32, #tpu.memory_space<hbm>> -> memref<8x1024xf32, #tpu.memory_space<hbm>>
      %dma_wait3A_445 = arith.constant 0 : i32
      %dma_wait3A_446 = arith.constant 0 : i32
      %dma_wait3A_447 = tpu.memref_slice %arg2[%dma_wait3A_445, %dma_wait3A_446] : memref<4096x4096xf32, #tpu.memory_space<hbm>> -> memref<8x1024xf32, #tpu.memory_space<hbm>>
      tpu.wait_dma2 semaphore(%arg17 : memref<!tpu.dma_semaphore, #tpu.memory_space<semaphore_mem>>) src(%dma_wait3A_447 : memref<8x1024xf32, #tpu.memory_space<hbm>>) dst(%arg8 : memref<8x1024xf32, #tpu.memory_space<vmem>>)
      %gt3A_448 = arith.constant 0 : i32
      %gt3A_449 = arith.cmpi sgt, %scan3A_225, %gt3A_448 : i32
      %convert_element_type3A_450 = arith.extui %gt3A_449 : i1 to i32
      %cond3A_451 = arith.constant 0 : i32
      %cond3A_452 = arith.cmpi ne, %convert_element_type3A_450, %cond3A_451 : i32
      scf.if %cond3A_452 {
        %dma_wait3A_510 = arith.constant 0 : i32
        %dma_wait3A_511 = arith.constant 0 : i32
        %dma_wait3A_512 = tpu.memref_slice %arg4[%dma_wait3A_510, %dma_wait3A_511] : memref<4096x4096xi32, #tpu.memory_space<hbm>> -> memref<8x1024xi32, #tpu.memory_space<hbm>>
        %dma_wait3A_513 = arith.constant 0 : i32
        %dma_wait3A_514 = arith.constant 0 : i32
        %dma_wait3A_515 = tpu.memref_slice %arg4[%dma_wait3A_513, %dma_wait3A_514] : memref<4096x4096xi32, #tpu.memory_space<hbm>> -> memref<8x1024xi32, #tpu.memory_space<hbm>>
        tpu.wait_dma2 semaphore(%arg21 : memref<!tpu.dma_semaphore, #tpu.memory_space<semaphore_mem>>) src(%arg12 : memref<8x1024xi32, #tpu.memory_space<vmem>>) dst(%dma_wait3A_515 : memref<8x1024xi32, #tpu.memory_space<hbm>>)
      } else {
      }
      %parallel_loop3A_453 = arith.constant 0 : i32
      %parallel_loop3A_454 = arith.constant 1024 : i32
      %parallel_loop3A_455 = arith.constant 16 : i32
      scf.for %parallel_loop3A_510 = %parallel_loop3A_453 to %parallel_loop3A_454 step %parallel_loop3A_455  : i32 {
        %parallel_loop3A_511 = arith.constant 0 : i32
        %parallel_loop3A_512 = arith.index_cast %parallel_loop3A_511 : i32 to index
        %parallel_loop3A_513 = arith.index_cast %parallel_loop3A_510 : i32 to index
        %parallel_loop3A_514 = tpu.vector_load %arg8[%parallel_loop3A_512, %parallel_loop3A_513] {strides = array<i32>} : memref<8x1024xf32, #tpu.memory_space<vmem>>, vector<1x16xf32>,
        %parallel_loop3A_515 = vector.shape_cast %parallel_loop3A_514 : vector<1x16xf32> to vector<16xf32>
        %parallel_loop3A_516 = arith.mulf %parallel_loop3A_515, %get3A_4 : vector<16xf32>
        %parallel_loop3A_517 = arith.addf %parallel_loop3A_516, %get3A_7 : vector<16xf32>
        %parallel_loop3A_518 = arith.fptosi %parallel_loop3A_517 : vector<16xf32> to vector<16xi32>
        %parallel_loop3A_519 = arith.minsi %parallel_loop3A_518, %broadcast_in_dim3A_8 : vector<16xi32>
        %parallel_loop3A_520 = arith.constant 0 : i32
        %parallel_loop3A_521 = arith.index_cast %parallel_loop3A_520 : i32 to index
        %parallel_loop3A_522 = arith.index_cast %parallel_loop3A_510 : i32 to index
        %parallel_loop3A_523 = tpu.vector_load %arg12[%parallel_loop3A_521, %parallel_loop3A_522] {strides = array<i32>} : memref<8x1024xi32, #tpu.memory_space<vmem>>, vector<1x16xi32>,
        %parallel_loop3A_524 = vector.shape_cast %parallel_loop3A_523 : vector<1x16xi32> to vector<16xi32>
        %parallel_loop3A_525 = vector.shape_cast %parallel_loop3A_519 : vector<16xi32> to vector<1x16xi32>
        tpu.vector_store %arg12[%parallel_loop3A_521, %parallel_loop3A_522], %parallel_loop3A_525 {strides = array<i32>} : memref<8x1024xi32, #tpu.memory_space<vmem>>, vector<1x16xi32>,
        %parallel_loop3A_526 = arith.constant 1 : i32
        %parallel_loop3A_527 = arith.index_cast %parallel_loop3A_526 : i32 to index
        %parallel_loop3A_528 = arith.index_cast %parallel_loop3A_510 : i32 to index
        %parallel_loop3A_529 = tpu.vector_load %arg8[%parallel_loop3A_527, %parallel_loop3A_528] {strides = array<i32>} : memref<8x1024xf32, #tpu.memory_space<vmem>>, vector<1x16xf32>,
        %parallel_loop3A_530 = vector.shape_cast %parallel_loop3A_529 : vector<1x16xf32> to vector<16xf32>
        %parallel_loop3A_531 = arith.mulf %parallel_loop3A_530, %get3A_4 : vector<16xf32>
        %parallel_loop3A_532 = arith.addf %parallel_loop3A_531, %get3A_7 : vector<16xf32>
        %parallel_loop3A_533 = arith.fptosi %parallel_loop3A_532 : vector<16xf32> to vector<16xi32>
        %parallel_loop3A_534 = arith.minsi %parallel_loop3A_533, %broadcast_in_dim3A_8 : vector<16xi32>
        %parallel_loop3A_535 = arith.constant 1 : i32
        %parallel_loop3A_536 = arith.index_cast %parallel_loop3A_535 : i32 to index
        %parallel_loop3A_537 = arith.index_cast %parallel_loop3A_510 : i32 to index
        %parallel_loop3A_538 = tpu.vector_load %arg12[%parallel_loop3A_536, %parallel_loop3A_537] {strides = array<i32>} : memref<8x1024xi32, #tpu.memory_space<vmem>>, vector<1x16xi32>,
        %parallel_loop3A_539 = vector.shape_cast %parallel_loop3A_538 : vector<1x16xi32> to vector<16xi32>
        %parallel_loop3A_540 = vector.shape_cast %parallel_loop3A_534 : vector<16xi32> to vector<1x16xi32>
        tpu.vector_store %arg12[%parallel_loop3A_536, %parallel_loop3A_537], %parallel_loop3A_540 {strides = array<i32>} : memref<8x1024xi32, #tpu.memory_space<vmem>>, vector<1x16xi32>,
        %parallel_loop3A_541 = arith.constant 2 : i32
        %parallel_loop3A_542 = arith.index_cast %parallel_loop3A_541 : i32 to index
        %parallel_loop3A_543 = arith.index_cast %parallel_loop3A_510 : i32 to index
        %parallel_loop3A_544 = tpu.vector_load %arg8[%parallel_loop3A_542, %parallel_loop3A_543] {strides = array<i32>} : memref<8x1024xf32, #tpu.memory_space<vmem>>, vector<1x16xf32>,
        %parallel_loop3A_545 = vector.shape_cast %parallel_loop3A_544 : vector<1x16xf32> to vector<16xf32>
        %parallel_loop3A_546 = arith.mulf %parallel_loop3A_545, %get3A_4 : vector<16xf32>
        %parallel_loop3A_547 = arith.addf %parallel_loop3A_546, %get3A_7 : vector<16xf32>
        %parallel_loop3A_548 = arith.fptosi %parallel_loop3A_547 : vector<16xf32> to vector<16xi32>
        %parallel_loop3A_549 = arith.minsi %parallel_loop3A_548, %broadcast_in_dim3A_8 : vector<16xi32>
        %parallel_loop3A_550 = arith.constant 2 : i32
        %parallel_loop3A_551 = arith.index_cast %parallel_loop3A_550 : i32 to index
        %parallel_loop3A_552 = arith.index_cast %parallel_loop3A_510 : i32 to index
        %parallel_loop3A_553 = tpu.vector_load %arg12[%parallel_loop3A_551, %parallel_loop3A_552] {strides = array<i32>} : memref<8x1024xi32, #tpu.memory_space<vmem>>, vector<1x16xi32>,
        %parallel_loop3A_554 = vector.shape_cast %parallel_loop3A_553 : vector<1x16xi32> to vector<16xi32>
        %parallel_loop3A_555 = vector.shape_cast %parallel_loop3A_549 : vector<16xi32> to vector<1x16xi32>
        tpu.vector_store %arg12[%parallel_loop3A_551, %parallel_loop3A_552], %parallel_loop3A_555 {strides = array<i32>} : memref<8x1024xi32, #tpu.memory_space<vmem>>, vector<1x16xi32>,
        %parallel_loop3A_556 = arith.constant 3 : i32
        %parallel_loop3A_557 = arith.index_cast %parallel_loop3A_556 : i32 to index
        %parallel_loop3A_558 = arith.index_cast %parallel_loop3A_510 : i32 to index
        %parallel_loop3A_559 = tpu.vector_load %arg8[%parallel_loop3A_557, %parallel_loop3A_558] {strides = array<i32>} : memref<8x1024xf32, #tpu.memory_space<vmem>>, vector<1x16xf32>,
        %parallel_loop3A_560 = vector.shape_cast %parallel_loop3A_559 : vector<1x16xf32> to vector<16xf32>
        %parallel_loop3A_561 = arith.mulf %parallel_loop3A_560, %get3A_4 : vector<16xf32>
        %parallel_loop3A_562 = arith.addf %parallel_loop3A_561, %get3A_7 : vector<16xf32>
        %parallel_loop3A_563 = arith.fptosi %parallel_loop3A_562 : vector<16xf32> to vector<16xi32>
        %parallel_loop3A_564 = arith.minsi %parallel_loop3A_563, %broadcast_in_dim3A_8 : vector<16xi32>
        %parallel_loop3A_565 = arith.constant 3 : i32
        %parallel_loop3A_566 = arith.index_cast %parallel_loop3A_565 : i32 to index
        %parallel_loop3A_567 = arith.index_cast %parallel_loop3A_510 : i32 to index
        %parallel_loop3A_568 = tpu.vector_load %arg12[%parallel_loop3A_566, %parallel_loop3A_567] {strides = array<i32>} : memref<8x1024xi32, #tpu.memory_space<vmem>>, vector<1x16xi32>,
        %parallel_loop3A_569 = vector.shape_cast %parallel_loop3A_568 : vector<1x16xi32> to vector<16xi32>
        %parallel_loop3A_570 = vector.shape_cast %parallel_loop3A_564 : vector<16xi32> to vector<1x16xi32>
        tpu.vector_store %arg12[%parallel_loop3A_566, %parallel_loop3A_567], %parallel_loop3A_570 {strides = array<i32>} : memref<8x1024xi32, #tpu.memory_space<vmem>>, vector<1x16xi32>,
        %parallel_loop3A_571 = arith.constant 4 : i32
        %parallel_loop3A_572 = arith.index_cast %parallel_loop3A_571 : i32 to index
        %parallel_loop3A_573 = arith.index_cast %parallel_loop3A_510 : i32 to index
        %parallel_loop3A_574 = tpu.vector_load %arg8[%parallel_loop3A_572, %parallel_loop3A_573] {strides = array<i32>} : memref<8x1024xf32, #tpu.memory_space<vmem>>, vector<1x16xf32>,
        %parallel_loop3A_575 = vector.shape_cast %parallel_loop3A_574 : vector<1x16xf32> to vector<16xf32>
        %parallel_loop3A_576 = arith.mulf %parallel_loop3A_575, %get3A_4 : vector<16xf32>
        %parallel_loop3A_577 = arith.addf %parallel_loop3A_576, %get3A_7 : vector<16xf32>
        %parallel_loop3A_578 = arith.fptosi %parallel_loop3A_577 : vector<16xf32> to vector<16xi32>
        %parallel_loop3A_579 = arith.minsi %parallel_loop3A_578, %broadcast_in_dim3A_8 : vector<16xi32>
        %parallel_loop3A_580 = arith.constant 4 : i32
        %parallel_loop3A_581 = arith.index_cast %parallel_loop3A_580 : i32 to index
        %parallel_loop3A_582 = arith.index_cast %parallel_loop3A_510 : i32 to index
        %parallel_loop3A_583 = tpu.vector_load %arg12[%parallel_loop3A_581, %parallel_loop3A_582] {strides = array<i32>} : memref<8x1024xi32, #tpu.memory_space<vmem>>, vector<1x16xi32>,
        %parallel_loop3A_584 = vector.shape_cast %parallel_loop3A_583 : vector<1x16xi32> to vector<16xi32>
        %parallel_loop3A_585 = vector.shape_cast %parallel_loop3A_579 : vector<16xi32> to vector<1x16xi32>
        tpu.vector_store %arg12[%parallel_loop3A_581, %parallel_loop3A_582], %parallel_loop3A_585 {strides = array<i32>} : memref<8x1024xi32, #tpu.memory_space<vmem>>, vector<1x16xi32>,
        %parallel_loop3A_586 = arith.constant 5 : i32
        %parallel_loop3A_587 = arith.index_cast %parallel_loop3A_586 : i32 to index
        %parallel_loop3A_588 = arith.index_cast %parallel_loop3A_510 : i32 to index
        %parallel_loop3A_589 = tpu.vector_load %arg8[%parallel_loop3A_587, %parallel_loop3A_588] {strides = array<i32>} : memref<8x1024xf32, #tpu.memory_space<vmem>>, vector<1x16xf32>,
        %parallel_loop3A_590 = vector.shape_cast %parallel_loop3A_589 : vector<1x16xf32> to vector<16xf32>
        %parallel_loop3A_591 = arith.mulf %parallel_loop3A_590, %get3A_4 : vector<16xf32>
        %parallel_loop3A_592 = arith.addf %parallel_loop3A_591, %get3A_7 : vector<16xf32>
        %parallel_loop3A_593 = arith.fptosi %parallel_loop3A_592 : vector<16xf32> to vector<16xi32>
        %parallel_loop3A_594 = arith.minsi %parallel_loop3A_593, %broadcast_in_dim3A_8 : vector<16xi32>
        %parallel_loop3A_595 = arith.constant 5 : i32
        %parallel_loop3A_596 = arith.index_cast %parallel_loop3A_595 : i32 to index
        %parallel_loop3A_597 = arith.index_cast %parallel_loop3A_510 : i32 to index
        %parallel_loop3A_598 = tpu.vector_load %arg12[%parallel_loop3A_596, %parallel_loop3A_597] {strides = array<i32>} : memref<8x1024xi32, #tpu.memory_space<vmem>>, vector<1x16xi32>,
        %parallel_loop3A_599 = vector.shape_cast %parallel_loop3A_598 : vector<1x16xi32> to vector<16xi32>
        %parallel_loop3A_600 = vector.shape_cast %parallel_loop3A_594 : vector<16xi32> to vector<1x16xi32>
        tpu.vector_store %arg12[%parallel_loop3A_596, %parallel_loop3A_597], %parallel_loop3A_600 {strides = array<i32>} : memref<8x1024xi32, #tpu.memory_space<vmem>>, vector<1x16xi32>,
        %parallel_loop3A_601 = arith.constant 6 : i32
        %parallel_loop3A_602 = arith.index_cast %parallel_loop3A_601 : i32 to index
        %parallel_loop3A_603 = arith.index_cast %parallel_loop3A_510 : i32 to index
        %parallel_loop3A_604 = tpu.vector_load %arg8[%parallel_loop3A_602, %parallel_loop3A_603] {strides = array<i32>} : memref<8x1024xf32, #tpu.memory_space<vmem>>, vector<1x16xf32>,
        %parallel_loop3A_605 = vector.shape_cast %parallel_loop3A_604 : vector<1x16xf32> to vector<16xf32>
        %parallel_loop3A_606 = arith.mulf %parallel_loop3A_605, %get3A_4 : vector<16xf32>
        %parallel_loop3A_607 = arith.addf %parallel_loop3A_606, %get3A_7 : vector<16xf32>
        %parallel_loop3A_608 = arith.fptosi %parallel_loop3A_607 : vector<16xf32> to vector<16xi32>
        %parallel_loop3A_609 = arith.minsi %parallel_loop3A_608, %broadcast_in_dim3A_8 : vector<16xi32>
        %parallel_loop3A_610 = arith.constant 6 : i32
        %parallel_loop3A_611 = arith.index_cast %parallel_loop3A_610 : i32 to index
        %parallel_loop3A_612 = arith.index_cast %parallel_loop3A_510 : i32 to index
        %parallel_loop3A_613 = tpu.vector_load %arg12[%parallel_loop3A_611, %parallel_loop3A_612] {strides = array<i32>} : memref<8x1024xi32, #tpu.memory_space<vmem>>, vector<1x16xi32>,
        %parallel_loop3A_614 = vector.shape_cast %parallel_loop3A_613 : vector<1x16xi32> to vector<16xi32>
        %parallel_loop3A_615 = vector.shape_cast %parallel_loop3A_609 : vector<16xi32> to vector<1x16xi32>
        tpu.vector_store %arg12[%parallel_loop3A_611, %parallel_loop3A_612], %parallel_loop3A_615 {strides = array<i32>} : memref<8x1024xi32, #tpu.memory_space<vmem>>, vector<1x16xi32>,
        %parallel_loop3A_616 = arith.constant 7 : i32
        %parallel_loop3A_617 = arith.index_cast %parallel_loop3A_616 : i32 to index
        %parallel_loop3A_618 = arith.index_cast %parallel_loop3A_510 : i32 to index
        %parallel_loop3A_619 = tpu.vector_load %arg8[%parallel_loop3A_617, %parallel_loop3A_618] {strides = array<i32>} : memref<8x1024xf32, #tpu.memory_space<vmem>>, vector<1x16xf32>,
        %parallel_loop3A_620 = vector.shape_cast %parallel_loop3A_619 : vector<1x16xf32> to vector<16xf32>
        %parallel_loop3A_621 = arith.mulf %parallel_loop3A_620, %get3A_4 : vector<16xf32>
        %parallel_loop3A_622 = arith.addf %parallel_loop3A_621, %get3A_7 : vector<16xf32>
        %parallel_loop3A_623 = arith.fptosi %parallel_loop3A_622 : vector<16xf32> to vector<16xi32>
        %parallel_loop3A_624 = arith.minsi %parallel_loop3A_623, %broadcast_in_dim3A_8 : vector<16xi32>
        %parallel_loop3A_625 = arith.constant 7 : i32
        %parallel_loop3A_626 = arith.index_cast %parallel_loop3A_625 : i32 to index
        %parallel_loop3A_627 = arith.index_cast %parallel_loop3A_510 : i32 to index
        %parallel_loop3A_628 = tpu.vector_load %arg12[%parallel_loop3A_626, %parallel_loop3A_627] {strides = array<i32>} : memref<8x1024xi32, #tpu.memory_space<vmem>>, vector<1x16xi32>,
        %parallel_loop3A_629 = vector.shape_cast %parallel_loop3A_628 : vector<1x16xi32> to vector<16xi32>
        %parallel_loop3A_630 = vector.shape_cast %parallel_loop3A_624 : vector<16xi32> to vector<1x16xi32>
        tpu.vector_store %arg12[%parallel_loop3A_626, %parallel_loop3A_627], %parallel_loop3A_630 {strides = array<i32>} : memref<8x1024xi32, #tpu.memory_space<vmem>>, vector<1x16xi32>,
      } {sc.loop_unroll_factor = 2 : i64, sc.parallel_access}
      %add3A_456 = arith.addi %mul3A_2, %add3A_441 : i32
      %jit3A_457 = arith.constant 4 : i32
      %div3A_458 = arith.divsi %add3A_456, %jit3A_457 : i32
      %sign3A_459 = arith.constant 0 : i32
      %sign3A_460 = arith.cmpi sgt, %add3A_456, %sign3A_459 : i32
      %sign3A_461 = arith.extui %sign3A_460 : i1 to i32
      %sign3A_462 = arith.constant 0 : i32
      %sign3A_463 = arith.cmpi slt, %add3A_456, %sign3A_462 : i32
      %sign3A_464 = arith.extui %sign3A_463 : i1 to i32
      %sign3A_465 = arith.subi %sign3A_461, %sign3A_464 : i32
      %sign3A_466 = arith.constant 0 : i32
      %sign3A_467 = arith.cmpi sgt, %jit3A_457, %sign3A_466 : i32
      %sign3A_468 = arith.extui %sign3A_467 : i1 to i32
      %sign3A_469 = arith.constant 0 : i32
      %sign3A_470 = arith.cmpi slt, %jit3A_457, %sign3A_469 : i32
      %sign3A_471 = arith.extui %sign3A_470 : i1 to i32
      %sign3A_472 = arith.subi %sign3A_468, %sign3A_471 : i32
      %ne3A_473 = arith.cmpi ne, %sign3A_465, %sign3A_472 : i32
      %rem3A_474 = arith.remsi %add3A_456, %jit3A_457 : i32
      %ne3A_475 = arith.constant 0 : i32
      %ne3A_476 = arith.cmpi ne, %rem3A_474, %ne3A_475 : i32
      %and3A_477 = arith.andi %ne3A_473, %ne3A_476 : i1
      %sub3A_478 = arith.constant 1 : i32
      %sub3A_479 = arith.subi %div3A_458, %sub3A_478 : i32
      %select_n3A_480 = arith.select %and3A_477, %sub3A_479, %div3A_458 : i32
      %mul3A_481 = arith.constant 8 : i32
      %mul3A_482 = arith.muli %select_n3A_480, %mul3A_481 : i32
      %multiple_of3A_483 = tpu.assume_multiple %mul3A_482, 8 : i32
      %jit3A_484 = arith.constant 4 : i32
      %eq3A_485 = arith.constant 0 : i32
      %eq3A_486 = arith.cmpi eq, %jit3A_484, %eq3A_485 : i32
      %jit3A_487 = arith.constant 1 : i32
      %select_n3A_488 = arith.select %eq3A_486, %jit3A_487, %jit3A_484 : i32
      %rem3A_489 = arith.remsi %add3A_456, %select_n3A_488 : i32
      %ne3A_490 = arith.constant 0 : i32
      %ne3A_491 = arith.cmpi ne, %rem3A_489, %ne3A_490 : i32
      %lt3A_492 = arith.constant 0 : i32
      %lt3A_493 = arith.cmpi slt, %rem3A_489, %lt3A_492 : i32
      %lt3A_494 = arith.constant 0 : i32
      %lt3A_495 = arith.cmpi slt, %select_n3A_488, %lt3A_494 : i32
      %ne3A_496 = arith.xori %lt3A_493, %lt3A_495 : i1
      %and3A_497 = arith.andi %ne3A_496, %ne3A_491 : i1
      %add3A_498 = arith.addi %rem3A_489, %select_n3A_488 : i32
      %select_n3A_499 = arith.select %and3A_497, %add3A_498, %rem3A_489 : i32
      %mul3A_500 = arith.constant 1024 : i32
      %mul3A_501 = arith.muli %select_n3A_499, %mul3A_500 : i32
      %multiple_of3A_502 = tpu.assume_multiple %mul3A_501, 128 : i32
      %dma_start3A_503 = tpu.memref_slice %arg4[%multiple_of3A_483, %multiple_of3A_502] : memref<4096x4096xi32, #tpu.memory_space<hbm>> -> memref<8x1024xi32, #tpu.memory_space<hbm>>
      %dma_start3A_504 = tpu.memref_slice %arg4[%multiple_of3A_483, %multiple_of3A_502] : memref<4096x4096xi32, #tpu.memory_space<hbm>> -> memref<8x1024xi32, #tpu.memory_space<hbm>>
      tpu.enqueue_dma source(%arg12 : memref<8x1024xi32, #tpu.memory_space<vmem>>) target(%dma_start3A_504 : memref<8x1024xi32, #tpu.memory_space<hbm>>) target_semaphore(%arg21 : memref<!tpu.dma_semaphore, #tpu.memory_space<semaphore_mem>>)
      %lt3A_505 = arith.constant 15 : i32
      %lt3A_506 = arith.cmpi slt, %scan3A_225, %lt3A_505 : i32
      %convert_element_type3A_507 = arith.extui %lt3A_506 : i1 to i32
      %cond3A_508 = arith.constant 0 : i32
      %cond3A_509 = arith.cmpi ne, %convert_element_type3A_507, %cond3A_508 : i32
      scf.if %cond3A_509 {
        %add3A_510 = arith.constant 4 : i32
        %add3A_511 = arith.addi %add3A_441, %add3A_510 : i32
        %add3A_512 = arith.addi %mul3A_2, %add3A_511 : i32
        %jit3A_513 = arith.constant 4 : i32
        %div3A_514 = arith.divsi %add3A_512, %jit3A_513 : i32
        %sign3A_515 = arith.constant 0 : i32
        %sign3A_516 = arith.cmpi sgt, %add3A_512, %sign3A_515 : i32
        %sign3A_517 = arith.extui %sign3A_516 : i1 to i32
        %sign3A_518 = arith.constant 0 : i32
        %sign3A_519 = arith.cmpi slt, %add3A_512, %sign3A_518 : i32
        %sign3A_520 = arith.extui %sign3A_519 : i1 to i32
        %sign3A_521 = arith.subi %sign3A_517, %sign3A_520 : i32
        %sign3A_522 = arith.constant 0 : i32
        %sign3A_523 = arith.cmpi sgt, %jit3A_513, %sign3A_522 : i32
        %sign3A_524 = arith.extui %sign3A_523 : i1 to i32
        %sign3A_525 = arith.constant 0 : i32
        %sign3A_526 = arith.cmpi slt, %jit3A_513, %sign3A_525 : i32
        %sign3A_527 = arith.extui %sign3A_526 : i1 to i32
        %sign3A_528 = arith.subi %sign3A_524, %sign3A_527 : i32
        %ne3A_529 = arith.cmpi ne, %sign3A_521, %sign3A_528 : i32
        %rem3A_530 = arith.remsi %add3A_512, %jit3A_513 : i32
        %ne3A_531 = arith.constant 0 : i32
        %ne3A_532 = arith.cmpi ne, %rem3A_530, %ne3A_531 : i32
        %and3A_533 = arith.andi %ne3A_529, %ne3A_532 : i1
        %sub3A_534 = arith.constant 1 : i32
        %sub3A_535 = arith.subi %div3A_514, %sub3A_534 : i32
        %select_n3A_536 = arith.select %and3A_533, %sub3A_535, %div3A_514 : i32
        %mul3A_537 = arith.constant 8 : i32
        %mul3A_538 = arith.muli %select_n3A_536, %mul3A_537 : i32
        %multiple_of3A_539 = tpu.assume_multiple %mul3A_538, 8 : i32
        %jit3A_540 = arith.constant 4 : i32
        %eq3A_541 = arith.constant 0 : i32
        %eq3A_542 = arith.cmpi eq, %jit3A_540, %eq3A_541 : i32
        %jit3A_543 = arith.constant 1 : i32
        %select_n3A_544 = arith.select %eq3A_542, %jit3A_543, %jit3A_540 : i32
        %rem3A_545 = arith.remsi %add3A_512, %select_n3A_544 : i32
        %ne3A_546 = arith.constant 0 : i32
        %ne3A_547 = arith.cmpi ne, %rem3A_545, %ne3A_546 : i32
        %lt3A_548 = arith.constant 0 : i32
        %lt3A_549 = arith.cmpi slt, %rem3A_545, %lt3A_548 : i32
        %lt3A_550 = arith.constant 0 : i32
        %lt3A_551 = arith.cmpi slt, %select_n3A_544, %lt3A_550 : i32
        %ne3A_552 = arith.xori %lt3A_549, %lt3A_551 : i1
        %and3A_553 = arith.andi %ne3A_552, %ne3A_547 : i1
        %add3A_554 = arith.addi %rem3A_545, %select_n3A_544 : i32
        %select_n3A_555 = arith.select %and3A_553, %add3A_554, %rem3A_545 : i32
        %mul3A_556 = arith.constant 1024 : i32
        %mul3A_557 = arith.muli %select_n3A_555, %mul3A_556 : i32
        %multiple_of3A_558 = tpu.assume_multiple %mul3A_557, 128 : i32
        %dma_start3A_559 = tpu.memref_slice %arg2[%multiple_of3A_539, %multiple_of3A_558] : memref<4096x4096xf32, #tpu.memory_space<hbm>> -> memref<8x1024xf32, #tpu.memory_space<hbm>>
        %dma_start3A_560 = tpu.memref_slice %arg2[%multiple_of3A_539, %multiple_of3A_558] : memref<4096x4096xf32, #tpu.memory_space<hbm>> -> memref<8x1024xf32, #tpu.memory_space<hbm>>
        tpu.enqueue_dma source(%dma_start3A_560 : memref<8x1024xf32, #tpu.memory_space<hbm>>) target(%arg8 : memref<8x1024xf32, #tpu.memory_space<vmem>>) target_semaphore(%arg17 : memref<!tpu.dma_semaphore, #tpu.memory_space<semaphore_mem>>)
      } else {
      }
    }
    %scan3A_201 = arith.constant 16 : i32
    %dma_wait3A = arith.constant 0 : i32
    %dma_wait3A_202 = arith.constant 0 : i32
    %dma_wait3A_203 = tpu.memref_slice %arg4[%dma_wait3A, %dma_wait3A_202] : memref<4096x4096xi32, #tpu.memory_space<hbm>> -> memref<8x1024xi32, #tpu.memory_space<hbm>>
    %dma_wait3A_204 = arith.constant 0 : i32
    %dma_wait3A_205 = arith.constant 0 : i32
    %dma_wait3A_206 = tpu.memref_slice %arg4[%dma_wait3A_204, %dma_wait3A_205] : memref<4096x4096xi32, #tpu.memory_space<hbm>> -> memref<8x1024xi32, #tpu.memory_space<hbm>>
    tpu.wait_dma2 semaphore(%arg18 : memref<!tpu.dma_semaphore, #tpu.memory_space<semaphore_mem>>) src(%arg9 : memref<8x1024xi32, #tpu.memory_space<vmem>>) dst(%dma_wait3A_206 : memref<8x1024xi32, #tpu.memory_space<hbm>>)
    %dma_wait3A_207 = arith.constant 0 : i32
    %dma_wait3A_208 = arith.constant 0 : i32
    %dma_wait3A_209 = tpu.memref_slice %arg4[%dma_wait3A_207, %dma_wait3A_208] : memref<4096x4096xi32, #tpu.memory_space<hbm>> -> memref<8x1024xi32, #tpu.memory_space<hbm>>
    %dma_wait3A_210 = arith.constant 0 : i32
    %dma_wait3A_211 = arith.constant 0 : i32
    %dma_wait3A_212 = tpu.memref_slice %arg4[%dma_wait3A_210, %dma_wait3A_211] : memref<4096x4096xi32, #tpu.memory_space<hbm>> -> memref<8x1024xi32, #tpu.memory_space<hbm>>
    tpu.wait_dma2 semaphore(%arg19 : memref<!tpu.dma_semaphore, #tpu.memory_space<semaphore_mem>>) src(%arg10 : memref<8x1024xi32, #tpu.memory_space<vmem>>) dst(%dma_wait3A_212 : memref<8x1024xi32, #tpu.memory_space<hbm>>)
    %dma_wait3A_213 = arith.constant 0 : i32
    %dma_wait3A_214 = arith.constant 0 : i32
    %dma_wait3A_215 = tpu.memref_slice %arg4[%dma_wait3A_213, %dma_wait3A_214] : memref<4096x4096xi32, #tpu.memory_space<hbm>> -> memref<8x1024xi32, #tpu.memory_space<hbm>>
    %dma_wait3A_216 = arith.constant 0 : i32
    %dma_wait3A_217 = arith.constant 0 : i32
    %dma_wait3A_218 = tpu.memref_slice %arg4[%dma_wait3A_216, %dma_wait3A_217] : memref<4096x4096xi32, #tpu.memory_space<hbm>> -> memref<8x1024xi32, #tpu.memory_space<hbm>>
    tpu.wait_dma2 semaphore(%arg20 : memref<!tpu.dma_semaphore, #tpu.memory_space<semaphore_mem>>) src(%arg11 : memref<8x1024xi32, #tpu.memory_space<vmem>>) dst(%dma_wait3A_218 : memref<8x1024xi32, #tpu.memory_space<hbm>>)
    %dma_wait3A_219 = arith.constant 0 : i32
    %dma_wait3A_220 = arith.constant 0 : i32
    %dma_wait3A_221 = tpu.memref_slice %arg4[%dma_wait3A_219, %dma_wait3A_220] : memref<4096x4096xi32, #tpu.memory_space<hbm>> -> memref<8x1024xi32, #tpu.memory_space<hbm>>
    %dma_wait3A_222 = arith.constant 0 : i32
    %dma_wait3A_223 = arith.constant 0 : i32
    %dma_wait3A_224 = tpu.memref_slice %arg4[%dma_wait3A_222, %dma_wait3A_223] : memref<4096x4096xi32, #tpu.memory_space<hbm>> -> memref<8x1024xi32, #tpu.memory_space<hbm>>
    tpu.wait_dma2 semaphore(%arg21 : memref<!tpu.dma_semaphore, #tpu.memory_space<semaphore_mem>>) src(%arg12 : memref<8x1024xi32, #tpu.memory_space<vmem>>) dst(%dma_wait3A_224 : memref<8x1024xi32, #tpu.memory_space<hbm>>)
    return
  }
}

</mosaic_0001>

<sc_bundles>
// kernel: kernel.3.cloned.1.call-start
scs
__scs_entry_jumppad:
0x0: {  	(pc) =	sbr.rel $0x88, $3  }
0x1: {  	(tag) =	ssettag $0x0;
	lr =	simm.s32 $0x1  }
0x2: {  	[smem:$0x3F9E] =	sst lr;
	_ =	strace $0xD0000000  }
0x3: {  	_ = 	snop  }
0x4: {  	_ = 	snop  }
0x5: {  	_ = 	snop  }
0x6: {  	_ = 	snop  }
0x7: {  	_ = 	snop  }
__scs_overlays_trampoline_lowered:
0x8: {  	[smem:$0x3FAD] =	sst s0  }
0x9: {  	[smem:$0x3FAE] =	sst s1  }
0xa: {  	[smem:$0x3FAF] =	sst s2  }
0xb: {  	[smem:$0x3FB0] =	sst s3  }
0xc: {  	[smem:$0x3FB1] =	sst s4  }
0xd: {  	[smem:$0x3FB2] =	sst s5  }
0xe: {  	[smem:$0x3FB3] =	sst s6  }
0xf: {  	[smem:$0x3FB4] =	sst s7  }
0x10: {  	[smem:$0x3FB5] =	sst s8  }
0x11: {  	[smem:$0x3FB6] =	sst s9;
	s0 =	simm.s32 @!p0 $0x0  }
0x12: {  	s1 =	sld [smem:$0x3F9C];
	s0 =	simm.s32 @p0 $0x1  }
0x13: {  	[smem:$0x3FB7] =	sst s0;
	s0 =	simm.s32 @!p1 $0x0  }
0x14: {  	s2 =	sld [smem:$0x3F9B];
	s0 =	simm.s32 @p1 $0x1  }
0x15: {  	[smem:$0x3FB8] =	sst s0;
	s0 =	simm.s32 @!p2 $0x0  }
0x16: {  	s3 =	sld [smem:$0x3FDB];
	s0 =	simm.s32 @p2 $0x1  }
0x17: {  	s4 =	simm.s32 $0x1BF5;
	[smem:$0x3FBA] =	sst s0  }
0x18: {  	s0 =	sld [smem:$0x3F9D];
	_ =	swait.ge [sflag:s4], $0x0  }
0x19: {  	s7 =	sld [smem:$0x3F9E]  }
0x1a: {  	s8 =	sadd.s32 $0xFFFFE003, lr  }
0x1b: {  	s9 =	sadd.s32 $0xFFFFFEF7, lr;
	s5 =	simm.s32 $0xFFFFFFFF;
	p2 =	slt.u32 s8, $0xFFFFF086  }
0x1c: {  	p1 =	slt.u32 s9, $0xF7A;
	s5 =	simm.s32 @!p2 $0x0  }
0x1d: {  	s5 =	simm.s32 @p1 $0x1;
	p0 =	seq.s32 s7, s2  }
0x1e: {  	s7 =	smul.u32 @!p0 $0xF7A, s2;
	p2 =	seq.s32 @!p0 s5, $0x0  }
0x1f: {  	s9 =	smul.u32 $0xF7A, s1;
	s8 =	simm.s32 @!p0 $0x1BF5;
	p2 =	por !p2, p0  }
0x20: {  	[sflag:s8] =	ssyncset.s32 @!p0 $0xFFFFF086;
	s6 =	sadd.s32 @!p0 s3, s7;
	s7 =	simm.s32 @!p0 $0x108  }
0x21: {  	s3 =	sadd.s32 s3, s9;
	s6 =	sadd.s32 @!p0 $0x88, s6;
	s7 =	simm.s32 @p2 $0x1082  }
0x22: {  	[simem:s7], [sflag:s8] =	dma.local @!p0 [hbm:s6], $0xF7A  }
0x23: {  	s9 =	sor.u32 $0xD0000000, s2;
	s6 =	simm.s32 $0x108;
	_ =	swait.ge @!p0 [sflag:s8], $0x0  }
0x24: {  	s3 =	sadd.s32 $0x88, s3;
	s6 =	simm.s32 @!p1 $0x1082;
	[sflag:s4] =	ssyncset.s32 $0xFFFFF086  }
0x25: {  	[simem:s6], [sflag:s4] =	dma.local [hbm:s3], $0xF7A  }
0x26: {  	[smem:$0x3F9E] =	sst s1;
	(tag) =	ssettag s2;
	_ =	strace s9  }
0x27: {  	s1 =	sld [smem:$0x3FAE]  }
0x28: {  	s2 =	sld [smem:$0x3FAF]  }
0x29: {  	s4 =	sld [smem:$0x3FB1]  }
0x2a: {  	p0 =	seq.s32 s5, $0x0;
	s5 =	sld [smem:$0x3FB2]  }
0x2b: {  	s6 =	sld [smem:$0x3FB3]  }
0x2c: {  	s7 =	sld [smem:$0x3FB4]  }
0x2d: {  	s3 =	simm.s32 $0x108;
	s8 =	sld [smem:$0x3FB5]  }
0x2e: {  	s3 =	simm.s32 @!p0 $0x1082;
	s9 =	sld [smem:$0x3FB6]  }
0x2f: {  	lr =	sadd.s32 s0, s3;
	s0 =	sld [smem:$0x3FAD]  }
0x30: {  	s3 =	sld [smem:$0x3FB0]  }
0x31: {  	[smem:$0x3FB9] =	sst s10  }
0x32: {  	s10 =	sld [smem:$0x3FB7];
	_ =	sdelay $0x3  }
0x33: {  	p0 =	seq.s32 s10, $0x1;
	s10 =	sld [smem:$0x3FB9];
	_ =	sdelay $0x3  }
0x34: {  	[smem:$0x3FB9] =	sst s10  }
0x35: {  	s10 =	sld [smem:$0x3FB8];
	_ =	sdelay $0x3  }
0x36: {  	p1 =	seq.s32 s10, $0x1;
	s10 =	sld [smem:$0x3FB9];
	_ =	sdelay $0x3  }
0x37: {  	[smem:$0x3FB9] =	sst s10  }
0x38: {  	s10 =	sld [smem:$0x3FBA]  }
0x39: {  	_ = 	snop;
	(pc) =	sbr.ind lr, $3  }
0x3a: {  	_ = 	snop  }
0x3b: {  	_ = 	snop  }
0x3c: {  	p2 =	seq.s32 s10, $0x1;
	s10 =	sld [smem:$0x3FB9]  }
0x3d: {  	_ =	shalt  }
0x3e: {  	_ =	shalt  }
0x3f: {  	_ =	shalt  }
0x40: {  	_ =	shalt  }
0x41: {  	_ =	shalt  }
0x42: {  	_ =	shalt  }
0x43: {  	_ =	shalt  }
0x44: {  	_ =	shalt  }
0x45: {  	_ =	shalt  }
0x46: {  	_ =	shalt  }
0x47: {  	_ =	shalt  }
0x48: {  	_ =	shalt  }
0x49: {  	_ =	shalt  }
0x4a: {  	_ =	shalt  }
0x4b: {  	_ =	shalt  }
0x4c: {  	_ =	shalt  }
0x4d: {  	_ =	shalt  }
0x4e: {  	_ =	shalt  }
0x4f: {  	_ =	shalt  }
0x50: {  	_ =	shalt  }
0x51: {  	_ =	shalt  }
0x52: {  	_ =	shalt  }
0x53: {  	_ =	shalt  }
0x54: {  	_ =	shalt  }
0x55: {  	_ =	shalt  }
0x56: {  	_ =	shalt  }
0x57: {  	_ =	shalt  }
0x58: {  	_ =	shalt  }
0x59: {  	_ =	shalt  }
0x5a: {  	_ =	shalt  }
0x5b: {  	_ =	shalt  }
0x5c: {  	_ =	shalt  }
0x5d: {  	_ =	shalt  }
0x5e: {  	_ =	shalt  }
0x5f: {  	_ =	shalt  }
0x60: {  	_ =	shalt  }
0x61: {  	_ =	shalt  }
0x62: {  	_ =	shalt  }
0x63: {  	_ =	shalt  }
0x64: {  	_ =	shalt  }
0x65: {  	_ =	shalt  }
0x66: {  	_ =	shalt  }
0x67: {  	_ =	shalt  }
0x68: {  	_ =	shalt  }
0x69: {  	_ =	shalt  }
0x6a: {  	_ =	shalt  }
0x6b: {  	_ =	shalt  }
0x6c: {  	_ =	shalt  }
0x6d: {  	_ =	shalt  }
0x6e: {  	_ =	shalt  }
0x6f: {  	_ =	shalt  }
0x70: {  	_ =	shalt  }
0x71: {  	_ =	shalt  }
0x72: {  	_ =	shalt  }
0x73: {  	_ =	shalt  }
0x74: {  	_ =	shalt  }
0x75: {  	_ =	shalt  }
0x76: {  	_ =	shalt  }
0x77: {  	_ =	shalt  }
0x78: {  	_ =	shalt  }
0x79: {  	_ =	shalt  }
0x7a: {  	_ =	shalt  }
0x7b: {  	_ =	shalt  }
0x7c: {  	_ =	shalt  }
0x7d: {  	_ =	shalt  }
0x7e: {  	_ =	shalt  }
0x7f: {  	_ =	shalt  }
0x80: {  	_ =	shalt  }
0x81: {  	_ =	shalt  }
0x82: {  	_ =	shalt  }
0x83: {  	_ =	shalt  }
0x84: {  	_ =	shalt  }
0x85: {  	_ =	shalt  }
0x86: {  	_ =	shalt  }
0x87: {  	_ =	shalt  }
.Lfunc_end0:
.L_simem_size_0:
called_computation_lowered:
.L_overlay_start_0:
0x88: {  	s2 =	sld [smem:$0x3FD9]  }
0x89: {  	s3 =	sld [smem:$0x3FFE];
	_ =	sdelay $0x1  }
0x8a: {  	s1 =	srdreg.scid  }
0x8b: {  	s0 =	sand.u32 $0x1, s1  }
0x8c: {  	s17 =	sshll.u32 s0, $0xA;
	s2 =	sadd.s32 s3, s2  }
0x8d: {  	s2 =	sadd.s32 s2, s17  }
0x8e: {  	[smem:$0x3FC5] =	sst s2  }
0x8f: {  	_ = 	snop  }
0x90: {  	s2 =	sld [smem:$0x3FC9]  }
0x91: {  	s18 =	sld [smem:$0x3FD0];
	(tm) =	ssettm $0x1  }
0x92: {  	s4 =	sld [smem:$0x3FFB];
	_ =	sdelay $0x3  }
0x93: {  	_ =	strace s4  }
0x94: {  	s4 =	sld [smem:$0x3FFC];
	_ =	sdelay $0x3  }
0x95: {  	_ =	strace s4  }
0x96: {  	s4 =	sld [smem:$0x3FFD];
	_ =	sdelay $0x3  }
0x97: {  	_ =	strace s4  }
0x98: {  	_ =	strace $0x8FFFFFFF  }
0x99: {  	s19 =	sld [smem:$0x3FDB];
	_ =	sdelay $0x1  }
0x9a: {  	s5 =	simm.s32 $_scs_section_size  }
0x9b: {  	s6 =	simm.s32 $_size__tile_overlayer_lowered;
	s7 =	simm.s32 $_tile_overlayer_lowered  }
0x9c: {  	s22 =	simm.s32 $0x1BFF;
	s21 =	sshll.u32 s7, $0x1;
	s4 =	sadd.s32 s5, s19  }
0x9d: {  	s8 =	simm.s32 $0x0;
	s20 =	sshll.u32 s6, $0x1;
	s6 =	sadd.s32 s21, s4  }
0x9e: {  	[timem:s8], [sflag:s22] =	dma.local [hbm:s6], s20  }
0x9f: {  	_ =	swait.ge [sflag:s22], s20  }
0xa0: {  	s5 =	ssub.s32 $0x0, s20;
	[sflag:s22] =	ssyncset.done $0x0  }
0xa1: {  	[sflag:s22] =	ssyncadd.s32 s5;
	_ =	sdelay $0x1  }
0xa2: {  	s23 =	simm.s32 $0x1B8B  }
0xa3: {  	_ =	swait.ge [sflag:s23], $0x1  }
0xa4: {  	[sflag:s23] =	ssyncset.done $0x0  }
0xa5: {  	s25 =	simm.s32 $0x1B8E;
	s24 =	sld [smem:$0x3FFE];
	[sflag:s23] =	ssyncadd.s32 $0xFFFFFFFF  }
0xa6: {  	s26 =	simm.s32 $execute0_lowered;
	[smem:$0x3FD2] =	sst s25  }
0xa7: {  	s6 =	sshll.u32 s26, $0x1;
	_ =	strace $0x80000046;
	[dreg:$0x1] =	wrdreg $0xFFFFFFFF  }
0xa8: {  	s28 =	simm.s32 $_size_execute0_lowered;
	s4 =	sadd.s32 s4, s6;
	[dreg:$0x0] =	wrdreg $0x0  }
0xa9: {  	s6 =	sshll.u32 s28, $0x1;
	[dreg:$0x2] =	wrdreg s4  }
0xaa: {  	[dreg:$0x3] =	wrdreg s6  }
0xab: {  	[dreg:$0x4] =	wrdreg $0xC0  }
0xac: {  	_ =	task [dreg:s8], $0x5FFFF  }
0xad: {  	[dreg:$0x1] =	wrdreg $0xFFFFFFFF  }
0xae: {  	[dreg:$0x0] =	wrdreg $0x60  }
0xaf: {  	[dreg:$0x2] =	wrdreg s2  }
0xb0: {  	[dreg:$0x3] =	wrdreg s24  }
0xb1: {  	[dreg:$0x4] =	wrdreg s18  }
0xb2: {  	[dreg:$0x5] =	wrdreg $0x9  }
0xb3: {  	_ =	task.clear_ibuf [dreg:s8], $0x6FFFF;
	_ =	strace $0x90000046  }
0xb4: {  	s29 =	simm.s32 $0x9;
	_ =	strace $0x80000048  }
0xb5: {  	_ =	swait.ge [sflag:s29], $0x1  }
0xb6: {  	[sflag:s29] =	ssyncadd.s32 $0xFFFFFFFF  }
0xb7: {  	_ =	strace $0x90000048  }
0xb8: {  	_ =	sfence  }
0xb9: {  	s30 =	sld [smem:$0x0];
	_ =	sdelay $0x2  }
0xba: {  	s31 =	sshll.u32 s1, $0xD;
	s1 =	sshrl.u32 s1, $0x2  }
0xbb: {  	s3 =	sand.u32 $0x4000, s31;
	s1 =	sadd.s32 s1, s30  }
0xbc: {  	s0 =	sor.u32 s3, s0;
	s1 =	sshll.u32 s1, $0x11  }
0xbd: {  	s0 =	sor.u32 s1, s0  }
0xbe: {  	s0 =	sadd.s32 $0x8F2B, s0  }
0xbf: {  	[sflag:s0] =	ssyncadd.remote.s32 $0x1  }
0xc0: {  	_ =	sfence.sel $0xFFFF  }
0xc1: {  	[dreg:$0x0] =	wrdreg $0xFFFFFFFF;
	(pc) =	sbr.abs _section_cstart, $3  }
0xc2: {  	[dreg:$0x1] =	wrdreg $0xFFFFFFFF  }
0xc3: {  	_ =	task.clear_ibuf [dreg:s8], $0x2FFFF;
	_ =	strace $0x9FFFFFFF  }
0xc4: {  	(tm) =	ssettm $0x7FFFFFFF  }
0xc5: {  	_ =	shalt  }
tec
execute0_lowered:
.L_overlay_start_1:
0x0: {  	(tag) =	ssettag $0x1  }
0x1: {  	s1 =	rddreg [dreg:$0x0]  }
0x2: {  	s0 =	rddreg [dreg:$0x1]  }
0x3: {  	s7 =	rddreg [dreg:$0x2]  }
0x4: {  	s2 =	srdreg.scid;
	s3 =	stileid.u32;
	s4 =	simm.s32 $0x0  }
0x5: {  	s28 =	simm.s32 $0x2;
	s29 =	simm.s32 $0x6;
	s2 =	sand.u32 $0x1, s2  }
0x6: {  	s3 =	sshll.u32 s3, $0x7;
	[smem:$0x7FF] =	sst s4;
	s0 =	sadd.s32 $0x400, s0  }
0x7: {  	s22 =	sadd.s32 $0x400, s7;
	_ =	strace $0x80000047;
	[dreg:$0x4] =	wrdreg s0  }
0x8: {  	s24 =	sadd.s32 $0x800, s7;
	s5 =	sshll.u32 s2, $0x6;
	[dreg:$0xb] =	wrdreg s22  }
0x9: {  	s26 =	sadd.s32 $0xC00, s7;
	[dreg:$0xd] =	wrdreg s24;
	s5 =	sor.u32 s5, s3  }
0xa: {  	s31 =	simm.s32 $0x3;
	[dreg:$0xf] =	wrdreg s26;
	s20 =	sor.u32 $0x4, s5  }
0xb: {  	s2 =	ssub.s32 $0x2, s2;
	s21 =	sshrl.u32 s5, $0x2;
	[dreg:$0x9] =	wrdreg s20  }
0xc: {  	s15 =	sshrl.u32 s2, $0x1;
	s23 =	sor.u32 $0x5, s5;
	[dreg:$0xa] =	wrdreg s21  }
0xd: {  	s3 =	simm.s32 $0x0;
	s25 =	sor.u32 $0x6, s5;
	[dreg:$0xc] =	wrdreg s23  }
0xe: {  	s6 =	sshll.u32 s5, $0xA;
	s30 =	sor.u32 $0x7, s5;
	[dreg:$0xe] =	wrdreg s25  }
0xf: {  	s16 =	ssub.s32 s2, s15;
	s17 =	sadd.s32 s1, s6;
	[dreg:$0x10] =	wrdreg s30  }
.Ltmp0:
0x10: {  	s0 =	smax.u32 s16, $0x1;
	[dreg:$0x5] =	wrdreg s17;
	(pc) =	sbr.rel .LBB2_1-.Ltmp0, $4  }
0x11: {  	s25 =	simm.s32 $0x1;
	s18 =	sadd.s32 $0x400, s17;
	[dreg:$0x11] =	wrdreg s0  }
0x12: {  	s20 =	simm.s32 $0x4;
	s19 =	sadd.s32 $0x800, s17;
	[dreg:$0x6] =	wrdreg s18  }
0x13: {  	s6 =	simm.s32 $0x8;
	s2 =	sadd.s32 $0xC00, s17;
	[dreg:$0x7] =	wrdreg s19  }
0x14: {  	s17 =	smov.u32 s5;
	s0 =	simm.s32 $0x7;
	[dreg:$0x8] =	wrdreg s2  }
.LBB2_24:
0x15: {  	s2 =	simm.s32 $0x5  }
0x16: {  	_ =	swait.ge [sflag:s2], $0x2000  }
0x17: {  	[sflag:s2] =	ssyncset.done $0x0  }
0x18: {  	[sflag:s2] =	ssyncadd.s32 $0xFFFFE000  }
0x19: {  	_ =	swait.ge [sflag:s29], $0x2000  }
0x1a: {  	[sflag:s29] =	ssyncset.done $0x0  }
0x1b: {  	[sflag:s29] =	ssyncadd.s32 $0xFFFFE000  }
0x1c: {  	_ =	swait.ge [sflag:s0], $0x2000  }
0x1d: {  	[sflag:s0] =	ssyncset.done $0x0  }
0x1e: {  	[sflag:s0] =	ssyncadd.s32 $0xFFFFE000  }
0x1f: {  	_ =	swait.ge [sflag:s6], $0x2000  }
0x20: {  	s3 =	rddreg [dreg:$0x12]  }
0x21: {  	s30 =	rddreg [dreg:$0x11];
	s3 =	sadd.s32 $0x1, s3  }
0x22: {  	p0 =	sne.s32 s3, s30  }
.Ltmp1:
0x23: {  	_ = 	snop;
	(pc) =	sbr.rel @!p0 .LBB2_25-.Ltmp1, $3  }
0x24: {  	_ =	sdelay $0x1  }
0x25: {  	[sflag:s6] =	ssyncset.done $0x0  }
0x26: {  	[sflag:s6] =	ssyncadd.s32 $0xFFFFE000  }
.LBB2_1:
0x27: {  	[dreg:$0x12] =	wrdreg s3  }
0x28: {  	s2 =	rddreg [dreg:$0x4];
	s16 =	simm.s32 $0x10000;
	s18 =	simm.s32 $0x9  }
0x29: {  	[tilespmem:s16], [sflag:$0x9] =	stream.linear.gather [hbm4b:s2+s4], $0x80, $0x38;
	[tilespmem:$0x10080] =	vst v63  }
0x2a: {  	_ =	swait.ge [sflag:s18], $0x80  }
0x2b: {  	[sflag:s18] =	ssyncset.done $0x0  }
0x2c: {  	[sflag:s18] =	ssyncadd.s32 $0xFFFFFF80  }
0x2d: {  	s19 =	rddreg [dreg:$0x5];
	v0 =	vld [tilespmem:$0x10000]  }
0x2e: {  	v1 =	vld [tilespmem:$0x10010];
	[tilespmem:s4], [sflag:$0x1] =	stream.linear.gather [hbm4b:s19+s4], $0x2000, $0x38  }
0x2f: {  	s22 =	simm.s32 $0x2000;
	s21 =	rddreg [dreg:$0x6]  }
0x30: {  	[tilespmem:s22], [sflag:$0x2] =	stream.linear.gather [hbm4b:s21+s4], $0x2000, $0x38;
	[tilespmem:$0x10080] =	vst v63  }
0x31: {  	s24 =	simm.s32 $0x4000;
	s23 =	rddreg [dreg:$0x7]  }
0x32: {  	[tilespmem:s24], [sflag:$0x3] =	stream.linear.gather [hbm4b:s23+s4], $0x2000, $0x38;
	[tilespmem:$0x10080] =	vst v63  }
0x33: {  	s30 =	simm.s32 $0x6000;
	s26 =	rddreg [dreg:$0x8];
	s19 =	simm.s32 $0x0  }
0x34: {  	[tilespmem:s30], [sflag:$0x4] =	stream.linear.gather [hbm4b:s26+s4], $0x2000, $0x38;
	[tilespmem:$0x10080] =	vst v63  }
.LBB2_2:
0x35: {  	_ =	swait.ge [sflag:s25], $0x2000  }
0x36: {  	p0 =	seq.s32 s19, $0x0;
	[sflag:s25] =	ssyncset.done $0x0  }
0x37: {  	s2 =	simm.s32 @!p0 $0x5;
	[sflag:s25] =	ssyncadd.s32 $0xFFFFE000  }
0x38: {  	s7 =	simm.s32 $0x0;
	s11 =	simm.s32 $0x0;
	_ =	swait.ge @!p0 [sflag:s2], $0x2000  }
0x39: {  	s3 =	sand.u32 $0x60, s11;
	s8 =	sand.u32 $0x1C00, s7;
	[sflag:s2] =	ssyncset.done @!p0 $0x0  }
0x3a: {  	s3 =	sor.u32 s3, s8;
	[sflag:s2] =	ssyncadd.s32 @!p0 $0xFFFFE000  }
0x3b: {  	v2 =	vld [tilespmem:s3+$0x110]  }
0x3c: {  	v3 =	vld [tilespmem:s3+$0x290]  }
0x3d: {  	v4 =	vld [tilespmem:s3+$0x210]  }
0x3e: {  	v5 =	vld [tilespmem:s3+$0x100]  }
0x3f: {  	v6 =	vld [tilespmem:s3+$0x200]  }
0x40: {  	v7 =	vld [tilespmem:s3+$0x80]  }
0x41: {  	v8 =	vld [tilespmem:s3+$0x90]  }
0x42: {  	v9 =	vld [tilespmem:s3+$0x180]  }
0x43: {  	v10 =	vld [tilespmem:s3+$0x190]  }
0x44: {  	s15 =	simm.s32 $0x20;
	s14 =	simm.s32 $0x100;
	v11 =	vld [tilespmem:s3+$0x0]  }
0x45: {  	s26 =	sand.u32 $0x60, s15;
	s9 =	sand.u32 $0x1C00, s14;
	v12 =	vld [tilespmem:s3+$0x10]  }
0x46: {  	s21 =	sor.u32 s26, s9;
	v13 =	vld [tilespmem:s3+$0x280]  }
0x47: {  	v14 =	vld [tilespmem:s21+$0x110]  }
0x48: {  	v15 =	vld [tilespmem:s21+$0x290];
	v2 =	vmul.f32 v2, v0  }
0x49: {  	v16 =	vld [tilespmem:s21+$0x210];
	v3 =	vmul.f32 v3, v0;
	v5 =	vmul.f32 v5, v0  }
0x4a: {  	v17 =	vld [tilespmem:s21+$0x100];
	v4 =	vmul.f32 v4, v0;
	v6 =	vmul.f32 v6, v0  }
0x4b: {  	s10 =	simm.s32 $0x40;
	s22 =	simm.s32 $0x200;
	v18 =	vld [tilespmem:s21+$0x200];
	v7 =	vmul.f32 v7, v0;
	v8 =	vmul.f32 v8, v0  }
0x4c: {  	s12 =	sand.u32 $0x1C00, s22;
	s9 =	sand.u32 $0x60, s10;
	v19 =	vld [tilespmem:s21+$0x80];
	v9 =	vmul.f32 v9, v0;
	v10 =	vmul.f32 v10, v0  }
0x4d: {  	s9 =	sor.u32 s9, s12;
	v22 =	vld [tilespmem:s21+$0x190];
	v11 =	vmul.f32 v11, v0;
	v12 =	vmul.f32 v12, v0  }
0x4e: {  	v23 =	vld [tilespmem:s9+$0x190];
	v13 =	vmul.f32 v13, v0;
	v15 =	vmul.f32 v15, v0  }
0x4f: {  	v16 =	vmul.f32 v16, v0;
	v14 =	vmul.f32 v14, v0  }
0x50: {  	v17 =	vmul.f32 v17, v0;
	v18 =	vmul.f32 v18, v0;
	v2 =	vadd.f32 v2, v1  }
0x51: {  	v19 =	vmul.f32 v19, v0;
	v5 =	vadd.f32 v5, v1;
	v3 =	vadd.f32 v3, v1  }
0x52: {  	v22 =	vmul.f32 v22, v0;
	v4 =	vadd.f32 v4, v1;
	v6 =	vadd.f32 v6, v1  }
0x53: {  	v23 =	vmul.f32 v23, v0;
	v10 =	vadd.f32 v10, v1;
	v9 =	vadd.f32 v9, v1  }
0x54: {  	v7 =	vadd.f32 v7, v1;
	v12 =	vadd.f32 v12, v1;
	v2 =	vtrunc.f32 v2  }
0x55: {  	v11 =	vadd.f32 v11, v1;
	v5 =	vtrunc.f32 v5;
	v6 =	vtrunc.f32 v6  }
0x56: {  	v8 =	vadd.f32 v8, v1;
	v10 =	vtrunc.f32 v10;
	v9 =	vtrunc.f32 v9  }
0x57: {  	v13 =	vadd.f32 v13, v1;
	v7 =	vtrunc.f32 v7;
	v12 =	vtrunc.f32 v12  }
0x58: {  	v14 =	vadd.f32 v14, v1;
	v3 =	vtrunc.f32 v3;
	v4 =	vtrunc.f32 v4  }
0x59: {  	v17 =	vadd.f32 v17, v1;
	v8 =	vtrunc.f32 v8;
	v11 =	vtrunc.f32 v11  }
0x5a: {  	v13 =	vtrunc.f32 v13;
	v14 =	vtrunc.f32 v14  }
0x5b: {  	v17 =	vtrunc.f32 v17;
	v2 =	vcvt.f32.s32 v2  }
0x5c: {  	v5 =	vcvt.f32.s32 v5;
	v6 =	vcvt.f32.s32 v6  }
0x5d: {  	v15 =	vadd.f32 v15, v1;
	v9 =	vcvt.f32.s32 v9;
	v7 =	vcvt.f32.s32 v7  }
0x5e: {  	v16 =	vadd.f32 v16, v1;
	v12 =	vcvt.f32.s32 v12;
	v3 =	vcvt.f32.s32 v3  }
0x5f: {  	v18 =	vadd.f32 v18, v1;
	v4 =	vcvt.f32.s32 v4;
	v8 =	vcvt.f32.s32 v8  }
0x60: {  	v19 =	vadd.f32 v19, v1;
	v10 =	vcvt.f32.s32 v10;
	v13 =	vcvt.f32.s32 v13  }
0x61: {  	v20 =	vld [tilespmem:s21+$0x90];
	v11 =	vcvt.f32.s32 v11;
	vm0 =	vlt.s32 v2, $0x100;
	vm13 =	vlt.s32 v5, $0x100  }
0x62: {  	v21 =	vld [tilespmem:s21+$0x180];
	vm14 =	vlt.s32 v9, $0x100;
	vm15 =	vlt.s32 v6, $0x100;
	vm1 =	vlt.s32 v3, $0x100  }
0x63: {  	v49 =	vld [tilespmem:s21+$0x10];
	vm2 =	vlt.s32 v12, $0x100;
	vm4 =	vlt.s32 v4, $0x100;
	vm5 =	vlt.s32 v8, $0x100  }
0x64: {  	v50 =	vld [tilespmem:s21+$0x280];
	vm6 =	vlt.s32 v10, $0x100;
	vm7 =	vlt.s32 v7, $0x100;
	v12 =	vnsel vm2, $0x100, v12  }
0x65: {  	v52 =	vld [tilespmem:s9+$0x210];
	vm8 =	vlt.s32 v13, $0x100;
	vm10 =	vlt.s32 v11, $0x100;
	v4 =	vnsel vm4, $0x100, v4;
	[tilespmem:s3+$0x8010] =	vst v12  }
0x66: {  	v55 =	vld [tilespmem:s9+$0x80];
	v2 =	vnsel vm0, $0x100, v2;
	v5 =	vnsel vm13, $0x100, v5;
	v9 =	vnsel vm14, $0x100, v9;
	[tilespmem:s3+$0x8210] =	vst v4  }
0x67: {  	v3 =	vnsel vm1, $0x100, v3;
	v8 =	vnsel vm5, $0x100, v8;
	v12 =	vmul.f32 v20, v0;
	[tilespmem:s3+$0x8110] =	vst v2  }
0x68: {  	v57 =	vld [tilespmem:s9+$0x180];
	v10 =	vnsel vm6, $0x100, v10;
	v4 =	vcvt.f32.s32 v14;
	v14 =	vmul.f32 v21, v0;
	[tilespmem:s3+$0x8090] =	vst v8  }
0x69: {  	v2 =	vnsel vm8, $0x100, v13;
	v13 =	vcvt.f32.s32 v17;
	[tilespmem:s3+$0x8190] =	vst v10;
	v10 =	vtrunc.f32 v18  }
0x6a: {  	v6 =	vnsel vm15, $0x100, v6;
	v17 =	vmul.f32 v49, v0;
	[tilespmem:s3+$0x8100] =	vst v5;
	v5 =	vmul.f32 v50, v0  }
0x6b: {  	v7 =	vnsel vm7, $0x100, v7;
	[tilespmem:s3+$0x8180] =	vst v9;
	v18 =	vmul.f32 v52, v0;
	v21 =	vmul.f32 v55, v0  }
0x6c: {  	v8 =	vadd.f32 v22, v1;
	v9 =	vcvt.f32.s32 v10;
	[tilespmem:s3+$0x8280] =	vst v2;
	v2 =	vtrunc.f32 v19  }
0x6d: {  	s5 =	sand.u32 $0x3, s7;
	v19 =	vmul.f32 v57, v0;
	v14 =	vadd.f32 v14, v1;
	vm9 =	vlt.s32 v4, $0x100  }
0x6e: {  	s8 =	sshll.u32 s5, $0x5;
	[tilespmem:s3+$0x8290] =	vst v3;
	v3 =	vld [tilespmem:s21+$0x0];
	v8 =	vtrunc.f32 v8;
	vm11 =	vlt.s32 v13, $0x100;
	v10 =	vadd.f32 v17, v1  }
0x6f: {  	s8 =	sadd.s32 $0x0, s8;
	v17 =	vcvt.f32.s32 v2;
	v2 =	vnsel vm10, $0x100, v11;
	v11 =	vtrunc.f32 v16  }
0x70: {  	s18 =	sadd.s32 $0x10, s8;
	v5 =	vadd.f32 v5, v1;
	v4 =	vnsel vm9, $0x100, v4;
	v11 =	vcvt.f32.s32 v11  }
0x71: {  	s16 =	sor.u32 $0x300, s18;
	v53 =	vld [tilespmem:s9+$0x100];
	[tilespmem:s3+$0x8080] =	vst v7;
	v13 =	vnsel vm11, $0x100, v13;
	v8 =	vcvt.f32.s32 v8;
	v14 =	vtrunc.f32 v14  }
0x72: {  	v51 =	vld [tilespmem:s16+$0x0];
	[tilespmem:s3+$0x8000] =	vst v2;
	v2 =	vadd.f32 v12, v1;
	v7 =	vtrunc.f32 v10;
	v10 =	vtrunc.f32 v15  }
0x73: {  	vm13 =	vlt.s32 v9, $0x100;
	v5 =	vtrunc.f32 v5;
	v3 =	vmul.f32 v3, v0  }
0x74: {  	[tilespmem:s3+$0x8200] =	vst v6;
	v9 =	vnsel vm13, $0x100, v9;
	v6 =	vcvt.f32.s32 v14;
	v10 =	vcvt.f32.s32 v10  }
0x75: {  	v16 =	vld [tilespmem:s9+$0x110];
	vm8 =	vlt.s32 v17, $0x100;
	v7 =	vcvt.f32.s32 v7;
	v2 =	vtrunc.f32 v2  }
0x76: {  	vm3 =	vlt.s32 v11, $0x100;
	vm7 =	vlt.s32 v8, $0x100;
	v24 =	vcvt.f32.s32 v5  }
0x77: {  	s8 =	sor.u32 $0x300, s8;
	v5 =	vmul.f32 v53, v0;
	v17 =	vnsel vm8, $0x100, v17;
	v14 =	vmul.f32 v51, v0  }
0x78: {  	v12 =	vld [tilespmem:s8+$0x0];
	v2 =	vcvt.f32.s32 v2;
	v11 =	vnsel vm3, $0x100, v11;
	v8 =	vnsel vm7, $0x100, v8  }
0x79: {  	v15 =	vld [tilespmem:s9+$0x290];
	v3 =	vadd.f32 v3, v1;
	vm12 =	vlt.s32 v6, $0x100;
	vm14 =	vlt.s32 v10, $0x100  }
0x7a: {  	vm15 =	vlt.s32 v7, $0x100;
	v16 =	vmul.f32 v16, v0;
	v25 =	vadd.f32 v5, v1  }
0x7b: {  	vm9 =	vlt.s32 v24, $0x100;
	v6 =	vnsel vm12, $0x100, v6;
	v14 =	vadd.f32 v14, v1  }
0x7c: {  	v56 =	vld [tilespmem:s9+$0x90];
	v10 =	vnsel vm14, $0x100, v10;
	v7 =	vnsel vm15, $0x100, v7;
	vm6 =	vlt.s32 v2, $0x100  }
0x7d: {  	v12 =	vmul.f32 v12, v0;
	v3 =	vtrunc.f32 v3;
	v54 =	vnsel vm6, $0x100, v2;
	v2 =	vld [tilespmem:s9+$0x200]  }
0x7e: {  	[tilespmem:s21+$0x8110] =	vst v4;
	v24 =	vnsel vm9, $0x100, v24;
	v15 =	vmul.f32 v15, v0;
	v4 =	vtrunc.f32 v25  }
0x7f: {  	v59 =	vld [tilespmem:s9+$0x10];
	v16 =	vadd.f32 v16, v1;
	v14 =	vtrunc.f32 v14;
	v60 =	vcvt.f32.s32 v3  }
0x80: {  	s13 =	simm.s32 $0x1;
	[tilespmem:s21+$0x8290] =	vst v10;
	v10 =	vld [tilespmem:s9+$0x0];
	v3 =	vcvt.f32.s32 v4;
	v12 =	vadd.f32 v12, v1;
	v14 =	vcvt.f32.s32 v14  }
0x81: {  	s3 =	sand.u32 $0x3, s13;
	v4 =	vadd.f32 v23, v1;
	v5 =	vtrunc.f32 v16;
	v16 =	vmul.f32 v56, v0  }
0x82: {  	s3 =	sshll.u32 s3, $0x5;
	[tilespmem:s21+$0x8210] =	vst v11;
	v15 =	vadd.f32 v15, v1;
	v12 =	vtrunc.f32 v12;
	v2 =	vmul.f32 v2, v0  }
0x83: {  	s12 =	sadd.s32 $0x100, s3;
	[tilespmem:s21+$0x8190] =	vst v8;
	v58 =	vcvt.f32.s32 v5;
	v5 =	vadd.f32 v18, v1;
	v12 =	vcvt.f32.s32 v12  }
0x84: {  	s23 =	sadd.s32 $0x10, s12;
	[tilespmem:s21+$0x8010] =	vst v7;
	v18 =	vmul.f32 v59, v0;
	v4 =	vtrunc.f32 v4;
	v7 =	vadd.f32 v2, v1  }
0x85: {  	v11 =	vld [tilespmem:s9+$0x280];
	s3 =	sor.u32 $0x300, s23;
	[tilespmem:s21+$0x8090] =	vst v54;
	v8 =	vmul.f32 v10, v0;
	v10 =	vadd.f32 v19, v1;
	vm11 =	vlt.s32 v12, $0x100  }
0x86: {  	s7 =	sor.u32 s7, s11;
	[tilespmem:s21+$0x8100] =	vst v13;
	vm12 =	vlt.s32 v60, $0x100;
	v61 =	vtrunc.f32 v7;
	v7 =	vnsel vm11, $0x100, v12;
	v12 =	vld [tilespmem:s3+$0x0]  }
0x87: {  	s11 =	sor.u32 $0x380, s7;
	vm14 =	vlt.s32 v3, $0x100;
	vm13 =	vlt.s32 v14, $0x100;
	v10 =	vtrunc.f32 v10;
	[tilespmem:s8+$0x8000] =	vst v7  }
0x88: {  	[tilespmem:s21+$0x8200] =	vst v9;
	v14 =	vnsel vm13, $0x100, v14;
	v9 =	vcvt.f32.s32 v10;
	v10 =	vadd.f32 v18, v1;
	v13 =	vld [tilespmem:s11+$0x0]  }
0x89: {  	v62 =	vnsel vm14, $0x100, v3;
	vm10 =	vlt.s32 v58, $0x100;
	[tilespmem:s16+$0x8000] =	vst v14;
	v14 =	vtrunc.f32 v15  }
0x8a: {  	s2 =	sor.u32 $0x380, s18;
	v15 =	vnsel vm12, $0x100, v60;
	v7 =	vmul.f32 v11, v0;
	v10 =	vtrunc.f32 v10  }
0x8b: {  	[tilespmem:s21+$0x8080] =	vst v17;
	v11 =	vadd.f32 v21, v1;
	s8 =	simm.s32 $0x2;
	v63 =	vmul.f32 v12, v0;
	v12 =	vcvt.f32.s32 v10;
	v10 =	vld [tilespmem:s2+$0x0]  }
0x8c: {  	[tilespmem:s21+$0x8180] =	vst v6;
	v2 =	vnsel vm10, $0x100, v58;
	v8 =	vadd.f32 v8, v1;
	v6 =	vcvt.f32.s32 v61;
	s24 =	sand.u32 $0x3, s8  }
0x8d: {  	[tilespmem:s21+$0x8280] =	vst v24;
	s16 =	sor.u32 s14, s15;
	vm15 =	vlt.s32 v9, $0x100;
	v11 =	vtrunc.f32 v11;
	s14 =	sshll.u32 s24, $0x5;
	v17 =	vmul.f32 v13, v0  }
0x8e: {  	s7 =	sshll.u32 s19, $0x2;
	s30 =	sor.u32 $0x300, s12;
	[tilespmem:s9+$0x8100] =	vst v62;
	v3 =	vcvt.f32.s32 v11;
	v11 =	vnsel vm15, $0x100, v9;
	s15 =	sadd.s32 $0x200, s14;
	v13 =	vadd.f32 v16, v1  }
0x8f: {  	v14 =	vcvt.f32.s32 v14;
	s24 =	sor.u32 s22, s10;
	s26 =	sor.u32 $0x300, s15;
	s14 =	sadd.s32 $0x10, s15;
	[tilespmem:s9+$0x8180] =	vst v11;
	v9 =	vadd.f32 v63, v1;
	v11 =	vadd.f32 v17, v1  }
.LBB2_3:
0x90: {  	s10 =	sadd.s32 $0x20, s10;
	vm0 =	vlt.s32 v6, $0x100;
	v5 =	vtrunc.f32 v5;
	s22 =	sadd.s32 $0x100, s22;
	[tilespmem:s21+$0x8000] =	vst v15;
	v10 =	vmul.f32 v10, v0;
	s21 =	smov.u32 s9  }
0x91: {  	s9 =	sand.u32 $0x60, s10;
	s12 =	sand.u32 $0x1C00, s22;
	p1 =	slt.u32 s10, $0x3E0;
	v5 =	vcvt.f32.s32 v5;
	vm1 =	vlt.s32 v14, $0x100;
	v15 =	vld [tilespmem:s30+$0x0];
	v11 =	vtrunc.f32 v11  }
0x92: {  	vm2 =	vlt.s32 v12, $0x100;
	v13 =	vtrunc.f32 v13;
	s18 =	sor.u32 s22, s10;
	s9 =	sor.u32 s9, s12;
	v14 =	vnsel vm1, $0x100, v14  }
0x93: {  	v12 =	vnsel vm2, $0x100, v12;
	v10 =	vadd.f32 v10, v1;
	v16 =	vld [tilespmem:s9+$0x110];
	vm1 =	vlt.s32 v5, $0x100;
	[tilespmem:s21+$0x8290] =	vst v14  }
0x94: {  	v11 =	vcvt.f32.s32 v11;
	v14 =	vld [tilespmem:s9+$0x290];
	[tilespmem:s21+$0x8010] =	vst v12;
	v12 =	vcvt.f32.s32 v13;
	v5 =	vnsel vm1, $0x100, v5  }
0x95: {  	v8 =	vtrunc.f32 v8;
	v7 =	vadd.f32 v7, v1;
	v10 =	vtrunc.f32 v10;
	v13 =	vld [tilespmem:s9+$0x210]  }
0x96: {  	v4 =	vcvt.f32.s32 v4;
	v17 =	vld [tilespmem:s9+$0x100];
	vm1 =	vlt.s32 v12, $0x100;
	[tilespmem:s21+$0x8210] =	vst v5;
	v5 =	vmul.f32 v15, v0  }
0x97: {  	v9 =	vtrunc.f32 v9;
	v10 =	vcvt.f32.s32 v10;
	v15 =	vld [tilespmem:s9+$0x200];
	v12 =	vnsel vm1, $0x100, v12  }
0x98: {  	vm2 =	vlt.s32 v11, $0x100;
	vm1 =	vlt.s32 v4, $0x100;
	v18 =	vld [tilespmem:s9+$0x80];
	v5 =	vadd.f32 v5, v1  }
0x99: {  	v6 =	vnsel vm0, $0x100, v6;
	v7 =	vtrunc.f32 v7;
	vm0 =	vlt.s32 v10, $0x100;
	v19 =	vld [tilespmem:s9+$0x90]  }
0x9a: {  	v4 =	vnsel vm1, $0x100, v4;
	v14 =	vmul.f32 v14, v0;
	v20 =	vld [tilespmem:s9+$0x190];
	[tilespmem:s21+$0x8200] =	vst v6;
	v5 =	vtrunc.f32 v5  }
0x9b: {  	v7 =	vcvt.f32.s32 v7;
	v11 =	vnsel vm2, $0x100, v11;
	v6 =	vmul.f32 v13, v0  }
0x9c: {  	v16 =	vmul.f32 v16, v0;
	v10 =	vnsel vm0, $0x100, v10;
	v14 =	vadd.f32 v14, v1;
	v13 =	vld [tilespmem:s9+$0x280];
	[tilespmem:s11+$0x8000] =	vst v11  }
0x9d: {  	vm0 =	vlt.s32 v3, $0x100;
	v21 =	vcvt.f32.s32 v5;
	v11 =	vmul.f32 v17, v0;
	v17 =	vld [tilespmem:s9+$0x180];
	[tilespmem:s2+$0x8000] =	vst v10  }
0x9e: {  	v9 =	vcvt.f32.s32 v9;
	v5 =	vadd.f32 v16, v1;
	v15 =	vmul.f32 v15, v0;
	v10 =	vld [tilespmem:s9+$0x0]  }
0x9f: {  	v16 =	vmul.f32 v18, v0;
	v11 =	vadd.f32 v11, v1;
	v18 =	vmul.f32 v19, v0  }
0xa0: {  	s8 =	sadd.s32 $0x1, s8;
	vm1 =	vlt.s32 v7, $0x100;
	v19 =	vtrunc.f32 v5;
	v5 =	vadd.f32 v6, v1  }
0xa1: {  	v7 =	vnsel vm1, $0x100, v7;
	s2 =	sand.u32 $0x3, s8;
	v6 =	vadd.f32 v15, v1;
	v19 =	vcvt.f32.s32 v19;
	v15 =	vld [tilespmem:s9+$0x10]  }
0xa2: {  	vm1 =	vlt.s32 v21, $0x100;
	s2 =	sshll.u32 s2, $0x5;
	v20 =	vmul.f32 v20, v0;
	v17 =	vmul.f32 v17, v0;
	[tilespmem:s21+$0x8280] =	vst v7  }
0xa3: {  	s2 =	sadd.s32 s2, s22;
	vm2 =	vlt.s32 v19, $0x100;
	v7 =	vtrunc.f32 v11;
	v11 =	vcvt.f32.s32 v8;
	[tilespmem:s21+$0x8110] =	vst v2  }
0xa4: {  	s12 =	sor.u32 $0x300, s2;
	s13 =	sadd.s32 $0x10, s2;
	v22 =	vcvt.f32.s32 v7;
	v2 =	vnsel vm2, $0x100, v19;
	v7 =	vadd.f32 v20, v1;
	[tilespmem:s21+$0x8090] =	vst v12  }
0xa5: {  	s15 =	sor.u32 $0x300, s14;
	v6 =	vtrunc.f32 v6;
	v8 =	vmul.f32 v10, v0;
	v10 =	vadd.f32 v17, v1;
	[tilespmem:s21+$0x8190] =	vst v4  }
0xa6: {  	v17 =	vnsel vm1, $0x100, v21;
	v4 =	vtrunc.f32 v7;
	v12 =	vmul.f32 v15, v0;
	v15 =	vld [tilespmem:s15+$0x0]  }
0xa7: {  	s11 =	sor.u32 $0x380, s16;
	s16 =	smov.u32 s24;
	s24 =	smov.u32 s18;
	vm1 =	vlt.s32 v11, $0x100;
	v7 =	vmul.f32 v13, v0;
	v10 =	vtrunc.f32 v10;
	[tilespmem:s30+$0x8000] =	vst v17  }
0xa8: {  	vm3 =	vlt.s32 v9, $0x100;
	v13 =	vadd.f32 v16, v1;
	vm2 =	vlt.s32 v22, $0x100;
	s30 =	smov.u32 s26;
	s26 =	smov.u32 s12;
	v16 =	vld [tilespmem:s11+$0x0]  }
0xa9: {  	v9 =	vnsel vm3, $0x100, v9;
	v3 =	vnsel vm0, $0x100, v3;
	v6 =	vcvt.f32.s32 v6  }
0xaa: {  	s2 =	sor.u32 $0x380, s23;
	s23 =	smov.u32 s14;
	s14 =	smov.u32 s13;
	v8 =	vadd.f32 v8, v1;
	v17 =	vcvt.f32.s32 v10;
	v12 =	vadd.f32 v12, v1;
	[tilespmem:s3+$0x8000] =	vst v9  }
.Ltmp2:
0xab: {  	v9 =	vtrunc.f32 v13;
	v13 =	vnsel vm2, $0x100, v22;
	s3 =	smov.u32 s15;
	[tilespmem:s21+$0x8080] =	vst v3;
	v15 =	vmul.f32 v15, v0;
	v10 =	vld [tilespmem:s2+$0x0];
	(pc) =	sbr.rel @p1 .LBB2_3-.Ltmp2, $4  }
0xac: {  	vm0 =	vlt.s32 v17, $0x100;
	v3 =	vcvt.f32.s32 v9;
	v9 =	vtrunc.f32 v12  }
0xad: {  	v17 =	vnsel vm0, $0x100, v17;
	v12 =	vcvt.f32.s32 v9;
	v16 =	vmul.f32 v16, v0  }
0xae: {  	v14 =	vtrunc.f32 v14;
	v9 =	vadd.f32 v15, v1;
	[tilespmem:s9+$0x8100] =	vst v13;
	v13 =	vadd.f32 v18, v1  }
0xaf: {  	v14 =	vcvt.f32.s32 v14;
	v15 =	vnsel vm1, $0x100, v11;
	[tilespmem:s9+$0x8180] =	vst v17;
	v11 =	vadd.f32 v16, v1  }
0xb0: {  	v5 =	vtrunc.f32 v5;
	v7 =	vadd.f32 v7, v1  }
0xb1: {  	[tilespmem:s21+$0x8000] =	vst v15;
	vm1 =	vlt.s32 v12, $0x100;
	vm12 =	vlt.s32 v6, $0x100;
	v13 =	vtrunc.f32 v13  }
0xb2: {  	v54 =	vtrunc.f32 v8;
	v4 =	vcvt.f32.s32 v4;
	[tilespmem:s9+$0x8110] =	vst v2;
	v12 =	vnsel vm1, $0x100, v12  }
0xb3: {  	vm15 =	vlt.s32 v3, $0x100;
	v5 =	vcvt.f32.s32 v5;
	v53 =	vnsel vm12, $0x100, v6;
	[tilespmem:s9+$0x8010] =	vst v12  }
0xb4: {  	vm0 =	vlt.s32 v14, $0x100;
	v56 =	vcvt.f32.s32 v54;
	v2 =	vnsel vm15, $0x100, v3;
	[tilespmem:s9+$0x8200] =	vst v53  }
0xb5: {  	v14 =	vnsel vm0, $0x100, v14;
	v7 =	vtrunc.f32 v7;
	vm5 =	vlt.s32 v4, $0x100;
	[tilespmem:s9+$0x8080] =	vst v2  }
0xb6: {  	vm11 =	vlt.s32 v5, $0x100;
	[tilespmem:s9+$0x8290] =	vst v14;
	v7 =	vcvt.f32.s32 v7;
	v4 =	vnsel vm5, $0x100, v4  }
0xb7: {  	v52 =	vcvt.f32.s32 v13;
	vm4 =	vlt.s32 v56, $0x100;
	v5 =	vnsel vm11, $0x100, v5;
	[tilespmem:s9+$0x8190] =	vst v4  }
0xb8: {  	v3 =	vld [tilespmem:s30+$0x0];
	v2 =	vnsel vm4, $0x100, v56;
	[tilespmem:s9+$0x8210] =	vst v5;
	vm13 =	vlt.s32 v7, $0x100  }
0xb9: {  	vm14 =	vlt.s32 v52, $0x100;
	[tilespmem:s9+$0x8000] =	vst v2;
	v55 =	vnsel vm13, $0x100, v7  }
0xba: {  	v57 =	vnsel vm14, $0x100, v52;
	[tilespmem:s9+$0x8280] =	vst v55  }
0xbb: {  	s8 =	sor.u32 $0x300, s14;
	[tilespmem:s9+$0x8090] =	vst v57;
	v2 =	vld [tilespmem:s26+$0x0]  }
0xbc: {  	v4 =	vld [tilespmem:s8+$0x0]  }
0xbd: {  	v3 =	vmul.f32 v3, v0;
	_ =	sdelay $0x1  }
0xbe: {  	v3 =	vadd.f32 v3, v1  }
0xbf: {  	v2 =	vmul.f32 v2, v0  }
0xc0: {  	v3 =	vtrunc.f32 v3;
	v4 =	vmul.f32 v4, v0  }
0xc1: {  	v3 =	vcvt.f32.s32 v3;
	v2 =	vadd.f32 v2, v1  }
0xc2: {  	v58 =	vtrunc.f32 v9;
	v4 =	vadd.f32 v4, v1  }
0xc3: {  	v5 =	vcvt.f32.s32 v58;
	vm6 =	vlt.s32 v3, $0x100;
	v2 =	vtrunc.f32 v2  }
0xc4: {  	v3 =	vnsel vm6, $0x100, v3;
	v4 =	vtrunc.f32 v4;
	v2 =	vcvt.f32.s32 v2  }
0xc5: {  	s21 =	sor.u32 $0x380, s16;
	vm7 =	vlt.s32 v5, $0x100;
	[tilespmem:s30+$0x8000] =	vst v3;
	v4 =	vcvt.f32.s32 v4  }
0xc6: {  	v3 =	vnsel vm7, $0x100, v5;
	v59 =	vld [tilespmem:s21+$0x0];
	vm8 =	vlt.s32 v2, $0x100  }
0xc7: {  	s22 =	sor.u32 $0x380, s23;
	[tilespmem:s3+$0x8000] =	vst v3;
	v3 =	vmul.f32 v10, v0;
	vm9 =	vlt.s32 v4, $0x100;
	v2 =	vnsel vm8, $0x100, v2  }
0xc8: {  	s10 =	sor.u32 $0x380, s24;
	v60 =	vld [tilespmem:s22+$0x0];
	[tilespmem:s26+$0x8000] =	vst v2;
	v2 =	vnsel vm9, $0x100, v4  }
0xc9: {  	s23 =	sor.u32 $0x380, s14;
	v3 =	vadd.f32 v3, v1;
	v61 =	vld [tilespmem:s10+$0x0];
	[tilespmem:s8+$0x8000] =	vst v2  }
0xca: {  	v62 =	vld [tilespmem:s23+$0x0]  }
0xcb: {  	v3 =	vtrunc.f32 v3;
	v5 =	vmul.f32 v59, v0  }
0xcc: {  	v3 =	vcvt.f32.s32 v3  }
0xcd: {  	v6 =	vmul.f32 v60, v0;
	v2 =	vtrunc.f32 v11;
	v5 =	vadd.f32 v5, v1  }
0xce: {  	vm11 =	vlt.s32 v3, $0x100;
	v2 =	vcvt.f32.s32 v2;
	v4 =	vmul.f32 v61, v0  }
0xcf: {  	v6 =	vadd.f32 v6, v1;
	v3 =	vnsel vm11, $0x100, v3;
	v7 =	vmul.f32 v62, v0  }
0xd0: {  	v5 =	vtrunc.f32 v5;
	vm10 =	vlt.s32 v2, $0x100;
	v4 =	vadd.f32 v4, v1  }
0xd1: {  	v5 =	vcvt.f32.s32 v5;
	v6 =	vtrunc.f32 v6;
	v7 =	vadd.f32 v7, v1  }
0xd2: {  	v2 =	vnsel vm10, $0x100, v2;
	v6 =	vcvt.f32.s32 v6;
	v4 =	vtrunc.f32 v4  }
0xd3: {  	[tilespmem:s11+$0x8000] =	vst v2;
	vm12 =	vlt.s32 v5, $0x100;
	v2 =	vcvt.f32.s32 v4;
	v63 =	vtrunc.f32 v7  }
0xd4: {  	p1 =	sne.s32 s19, $0xF;
	[tilespmem:s2+$0x8000] =	vst v3;
	vm13 =	vlt.s32 v6, $0x100;
	v3 =	vnsel vm12, $0x100, v5;
	v4 =	vcvt.f32.s32 v63  }
.Ltmp3:
0xd5: {  	[tilespmem:s21+$0x8000] =	vst v3;
	v3 =	vnsel vm13, $0x100, v6;
	vm14 =	vlt.s32 v2, $0x100;
	(pc) =	sbr.rel @p1 .LBB2_6-.Ltmp3, $4  }
0xd6: {  	s24 =	sadd.s32 s17, s7;
	[tilespmem:s22+$0x8000] =	vst v3;
	vm15 =	vlt.s32 v4, $0x100;
	v2 =	vnsel vm14, $0x100, v2  }
0xd7: {  	s26 =	rddreg [dreg:$0x2];
	s2 =	sshll.u32 s24, $0xA;
	[tilespmem:s10+$0x8000] =	vst v2;
	v2 =	vnsel vm15, $0x100, v4  }
0xd8: {  	s30 =	simm.s32 $0x8000;
	s2 =	sadd.s32 s26, s2;
	[tilespmem:s23+$0x8000] =	vst v2  }
0xd9: {  	[hbm4b:s2+s4] =	stream.linear.scatter [tilespmem:s30], [sflag:$0x5], $0x2000, $0x38;
	[tilespmem:$0x10080] =	vst v63  }
.Ltmp4:
0xda: {  	(pc) =	sbr.rel .LBB2_7-.Ltmp4, $4  }
0xdb: {  	_ = 	snop  }
0xdc: {  	_ =	swait.ge [sflag:s28], $0x2000  }
0xdd: {  	[sflag:s28] =	ssyncset.done $0x0  }
0xde: {  	[sflag:s28] =	ssyncadd.s32 $0xFFFFE000  }
.LBB2_6:
0xdf: {  	s2 =	rddreg [dreg:$0x9]  }
0xe0: {  	s2 =	sadd.s32 s7, s2  }
0xe1: {  	s2 =	sshll.u32 s2, $0xA  }
.Ltmp5:
0xe2: {  	s2 =	sadd.s32 s1, s2;
	(pc) =	sbr.rel @p0 .LBB2_8-.Ltmp5, $4  }
0xe3: {  	[tilespmem:s4], [sflag:$0x1] =	stream.linear.gather [hbm4b:s2+s4], $0x2000, $0x38;
	[tilespmem:$0x10080] =	vst v63  }
0xe4: {  	_ =	swait.ge [sflag:s28], $0x2000  }
0xe5: {  	[sflag:s28] =	ssyncset.done $0x0  }
0xe6: {  	[sflag:s28] =	ssyncadd.s32 $0xFFFFE000  }
.LBB2_7:
0xe7: {  	_ =	swait.ge [sflag:s29], $0x2000  }
0xe8: {  	[sflag:s29] =	ssyncset.done $0x0  }
0xe9: {  	[sflag:s29] =	ssyncadd.s32 $0xFFFFE000  }
.LBB2_8:
0xea: {  	s11 =	simm.s32 $0x0;
	s14 =	simm.s32 $0x0  }
0xeb: {  	s2 =	sand.u32 $0x60, s14;
	s3 =	sand.u32 $0x1C00, s11  }
0xec: {  	s3 =	sor.u32 s2, s3  }
0xed: {  	v2 =	vld [tilespmem:s3+$0x2110]  }
0xee: {  	v3 =	vld [tilespmem:s3+$0x2290]  }
0xef: {  	v4 =	vld [tilespmem:s3+$0x2210]  }
0xf0: {  	v5 =	vld [tilespmem:s3+$0x2100]  }
0xf1: {  	v6 =	vld [tilespmem:s3+$0x2200]  }
0xf2: {  	v7 =	vld [tilespmem:s3+$0x2080]  }
0xf3: {  	v8 =	vld [tilespmem:s3+$0x2090]  }
0xf4: {  	v9 =	vld [tilespmem:s3+$0x2180]  }
0xf5: {  	v10 =	vld [tilespmem:s3+$0x2190]  }
0xf6: {  	s26 =	simm.s32 $0x20;
	s16 =	simm.s32 $0x100;
	v11 =	vld [tilespmem:s3+$0x2000]  }
0xf7: {  	s8 =	sand.u32 $0x60, s26;
	s9 =	sand.u32 $0x1C00, s16;
	v12 =	vld [tilespmem:s3+$0x2010]  }
0xf8: {  	s21 =	sor.u32 s8, s9;
	v13 =	vld [tilespmem:s3+$0x2280]  }
0xf9: {  	v14 =	vld [tilespmem:s21+$0x2110]  }
0xfa: {  	v15 =	vld [tilespmem:s21+$0x2290];
	v2 =	vmul.f32 v2, v0  }
0xfb: {  	v16 =	vld [tilespmem:s21+$0x2210];
	v3 =	vmul.f32 v3, v0;
	v5 =	vmul.f32 v5, v0  }
0xfc: {  	v17 =	vld [tilespmem:s21+$0x2100];
	v4 =	vmul.f32 v4, v0;
	v6 =	vmul.f32 v6, v0  }
0xfd: {  	s10 =	simm.s32 $0x40;
	s22 =	simm.s32 $0x200;
	v18 =	vld [tilespmem:s21+$0x2200];
	v7 =	vmul.f32 v7, v0;
	v8 =	vmul.f32 v8, v0  }
0xfe: {  	s12 =	sand.u32 $0x1C00, s22;
	s9 =	sand.u32 $0x60, s10;
	v19 =	vld [tilespmem:s21+$0x2080];
	v9 =	vmul.f32 v9, v0;
	v10 =	vmul.f32 v10, v0  }
0xff: {  	v22 =	vld [tilespmem:s21+$0x2190];
	s9 =	sor.u32 s9, s12;
	v11 =	vmul.f32 v11, v0;
	v12 =	vmul.f32 v12, v0  }
0x100: {  	v23 =	vld [tilespmem:s9+$0x2190];
	v13 =	vmul.f32 v13, v0;
	v15 =	vmul.f32 v15, v0  }
0x101: {  	v16 =	vmul.f32 v16, v0;
	v14 =	vmul.f32 v14, v0  }
0x102: {  	v17 =	vmul.f32 v17, v0;
	v18 =	vmul.f32 v18, v0;
	v2 =	vadd.f32 v2, v1  }
0x103: {  	v19 =	vmul.f32 v19, v0;
	v5 =	vadd.f32 v5, v1;
	v3 =	vadd.f32 v3, v1  }
0x104: {  	v22 =	vmul.f32 v22, v0;
	v4 =	vadd.f32 v4, v1;
	v6 =	vadd.f32 v6, v1  }
0x105: {  	v23 =	vmul.f32 v23, v0;
	v10 =	vadd.f32 v10, v1;
	v9 =	vadd.f32 v9, v1  }
0x106: {  	v7 =	vadd.f32 v7, v1;
	v12 =	vadd.f32 v12, v1;
	v2 =	vtrunc.f32 v2  }
0x107: {  	v11 =	vadd.f32 v11, v1;
	v5 =	vtrunc.f32 v5;
	v6 =	vtrunc.f32 v6  }
0x108: {  	v8 =	vadd.f32 v8, v1;
	v10 =	vtrunc.f32 v10;
	v9 =	vtrunc.f32 v9  }
0x109: {  	v13 =	vadd.f32 v13, v1;
	v7 =	vtrunc.f32 v7;
	v12 =	vtrunc.f32 v12  }
0x10a: {  	v14 =	vadd.f32 v14, v1;
	v3 =	vtrunc.f32 v3;
	v4 =	vtrunc.f32 v4  }
0x10b: {  	v17 =	vadd.f32 v17, v1;
	v8 =	vtrunc.f32 v8;
	v11 =	vtrunc.f32 v11  }
0x10c: {  	v13 =	vtrunc.f32 v13;
	v14 =	vtrunc.f32 v14  }
0x10d: {  	v17 =	vtrunc.f32 v17;
	v2 =	vcvt.f32.s32 v2  }
0x10e: {  	v5 =	vcvt.f32.s32 v5;
	v6 =	vcvt.f32.s32 v6  }
0x10f: {  	v15 =	vadd.f32 v15, v1;
	v9 =	vcvt.f32.s32 v9;
	v7 =	vcvt.f32.s32 v7  }
0x110: {  	v16 =	vadd.f32 v16, v1;
	v12 =	vcvt.f32.s32 v12;
	v3 =	vcvt.f32.s32 v3  }
0x111: {  	v18 =	vadd.f32 v18, v1;
	v4 =	vcvt.f32.s32 v4;
	v8 =	vcvt.f32.s32 v8  }
0x112: {  	v19 =	vadd.f32 v19, v1;
	v10 =	vcvt.f32.s32 v10;
	v13 =	vcvt.f32.s32 v13  }
0x113: {  	v20 =	vld [tilespmem:s21+$0x2090];
	v11 =	vcvt.f32.s32 v11;
	vm0 =	vlt.s32 v2, $0x100;
	vm13 =	vlt.s32 v5, $0x100  }
0x114: {  	v21 =	vld [tilespmem:s21+$0x2180];
	vm14 =	vlt.s32 v9, $0x100;
	vm15 =	vlt.s32 v6, $0x100;
	vm1 =	vlt.s32 v3, $0x100  }
0x115: {  	v49 =	vld [tilespmem:s21+$0x2010];
	vm2 =	vlt.s32 v12, $0x100;
	vm4 =	vlt.s32 v4, $0x100;
	vm5 =	vlt.s32 v8, $0x100  }
0x116: {  	v50 =	vld [tilespmem:s21+$0x2280];
	vm6 =	vlt.s32 v10, $0x100;
	vm7 =	vlt.s32 v7, $0x100;
	v12 =	vnsel vm2, $0x100, v12  }
0x117: {  	v52 =	vld [tilespmem:s9+$0x2210];
	vm8 =	vlt.s32 v13, $0x100;
	vm10 =	vlt.s32 v11, $0x100;
	v4 =	vnsel vm4, $0x100, v4;
	[tilespmem:s3+$0xA010] =	vst v12  }
0x118: {  	v55 =	vld [tilespmem:s9+$0x2080];
	v2 =	vnsel vm0, $0x100, v2;
	v5 =	vnsel vm13, $0x100, v5;
	v9 =	vnsel vm14, $0x100, v9;
	[tilespmem:s3+$0xA210] =	vst v4  }
0x119: {  	v3 =	vnsel vm1, $0x100, v3;
	v8 =	vnsel vm5, $0x100, v8;
	v12 =	vmul.f32 v20, v0;
	[tilespmem:s3+$0xA110] =	vst v2  }
0x11a: {  	v57 =	vld [tilespmem:s9+$0x2180];
	v10 =	vnsel vm6, $0x100, v10;
	v4 =	vcvt.f32.s32 v14;
	v14 =	vmul.f32 v21, v0;
	[tilespmem:s3+$0xA090] =	vst v8  }
0x11b: {  	v2 =	vnsel vm8, $0x100, v13;
	v13 =	vcvt.f32.s32 v17;
	[tilespmem:s3+$0xA190] =	vst v10;
	v10 =	vtrunc.f32 v18  }
0x11c: {  	v6 =	vnsel vm15, $0x100, v6;
	v17 =	vmul.f32 v49, v0;
	[tilespmem:s3+$0xA100] =	vst v5;
	v5 =	vmul.f32 v50, v0  }
0x11d: {  	v7 =	vnsel vm7, $0x100, v7;
	[tilespmem:s3+$0xA180] =	vst v9;
	v18 =	vmul.f32 v52, v0;
	v21 =	vmul.f32 v55, v0  }
0x11e: {  	v8 =	vadd.f32 v22, v1;
	v9 =	vcvt.f32.s32 v10;
	[tilespmem:s3+$0xA280] =	vst v2;
	v2 =	vtrunc.f32 v19  }
0x11f: {  	s5 =	sand.u32 $0x3, s11;
	v19 =	vmul.f32 v57, v0;
	v14 =	vadd.f32 v14, v1;
	vm9 =	vlt.s32 v4, $0x100  }
0x120: {  	s8 =	sshll.u32 s5, $0x5;
	[tilespmem:s3+$0xA290] =	vst v3;
	v3 =	vld [tilespmem:s21+$0x2000];
	v8 =	vtrunc.f32 v8;
	vm11 =	vlt.s32 v13, $0x100;
	v10 =	vadd.f32 v17, v1  }
0x121: {  	s8 =	sadd.s32 $0x0, s8;
	v17 =	vcvt.f32.s32 v2;
	v2 =	vnsel vm10, $0x100, v11;
	v11 =	vtrunc.f32 v16  }
0x122: {  	s18 =	sadd.s32 $0x10, s8;
	v5 =	vadd.f32 v5, v1;
	v4 =	vnsel vm9, $0x100, v4;
	v11 =	vcvt.f32.s32 v11  }
0x123: {  	v53 =	vld [tilespmem:s9+$0x2100];
	s24 =	sor.u32 $0x300, s18;
	[tilespmem:s3+$0xA080] =	vst v7;
	v13 =	vnsel vm11, $0x100, v13;
	v8 =	vcvt.f32.s32 v8;
	v14 =	vtrunc.f32 v14  }
0x124: {  	v51 =	vld [tilespmem:s24+$0x2000];
	[tilespmem:s3+$0xA000] =	vst v2;
	v2 =	vadd.f32 v12, v1;
	v7 =	vtrunc.f32 v10;
	v10 =	vtrunc.f32 v15  }
0x125: {  	vm13 =	vlt.s32 v9, $0x100;
	v5 =	vtrunc.f32 v5;
	v3 =	vmul.f32 v3, v0  }
0x126: {  	[tilespmem:s3+$0xA200] =	vst v6;
	v9 =	vnsel vm13, $0x100, v9;
	v6 =	vcvt.f32.s32 v14;
	v10 =	vcvt.f32.s32 v10  }
0x127: {  	v16 =	vld [tilespmem:s9+$0x2110];
	vm8 =	vlt.s32 v17, $0x100;
	v7 =	vcvt.f32.s32 v7;
	v2 =	vtrunc.f32 v2  }
0x128: {  	vm3 =	vlt.s32 v11, $0x100;
	vm7 =	vlt.s32 v8, $0x100;
	v24 =	vcvt.f32.s32 v5  }
0x129: {  	s8 =	sor.u32 $0x300, s8;
	v5 =	vmul.f32 v53, v0;
	v17 =	vnsel vm8, $0x100, v17;
	v14 =	vmul.f32 v51, v0  }
0x12a: {  	v12 =	vld [tilespmem:s8+$0x2000];
	v2 =	vcvt.f32.s32 v2;
	v11 =	vnsel vm3, $0x100, v11;
	v8 =	vnsel vm7, $0x100, v8  }
0x12b: {  	v15 =	vld [tilespmem:s9+$0x2290];
	v3 =	vadd.f32 v3, v1;
	vm12 =	vlt.s32 v6, $0x100;
	vm14 =	vlt.s32 v10, $0x100  }
0x12c: {  	vm15 =	vlt.s32 v7, $0x100;
	v16 =	vmul.f32 v16, v0;
	v25 =	vadd.f32 v5, v1  }
0x12d: {  	vm9 =	vlt.s32 v24, $0x100;
	v6 =	vnsel vm12, $0x100, v6;
	v14 =	vadd.f32 v14, v1  }
0x12e: {  	v56 =	vld [tilespmem:s9+$0x2090];
	v10 =	vnsel vm14, $0x100, v10;
	v7 =	vnsel vm15, $0x100, v7;
	vm6 =	vlt.s32 v2, $0x100  }
0x12f: {  	v12 =	vmul.f32 v12, v0;
	v3 =	vtrunc.f32 v3;
	v54 =	vnsel vm6, $0x100, v2;
	v2 =	vld [tilespmem:s9+$0x2200]  }
0x130: {  	[tilespmem:s21+$0xA110] =	vst v4;
	v24 =	vnsel vm9, $0x100, v24;
	v15 =	vmul.f32 v15, v0;
	v4 =	vtrunc.f32 v25  }
0x131: {  	v59 =	vld [tilespmem:s9+$0x2010];
	v16 =	vadd.f32 v16, v1;
	v14 =	vtrunc.f32 v14;
	v60 =	vcvt.f32.s32 v3  }
0x132: {  	s13 =	simm.s32 $0x1;
	[tilespmem:s21+$0xA290] =	vst v10;
	v10 =	vld [tilespmem:s9+$0x2000];
	v3 =	vcvt.f32.s32 v4;
	v12 =	vadd.f32 v12, v1;
	v14 =	vcvt.f32.s32 v14  }
0x133: {  	s3 =	sand.u32 $0x3, s13;
	v4 =	vadd.f32 v23, v1;
	v5 =	vtrunc.f32 v16;
	v16 =	vmul.f32 v56, v0  }
0x134: {  	s3 =	sshll.u32 s3, $0x5;
	[tilespmem:s21+$0xA210] =	vst v11;
	v15 =	vadd.f32 v15, v1;
	v12 =	vtrunc.f32 v12;
	v2 =	vmul.f32 v2, v0  }
0x135: {  	s12 =	sadd.s32 $0x100, s3;
	[tilespmem:s21+$0xA190] =	vst v8;
	v58 =	vcvt.f32.s32 v5;
	v5 =	vadd.f32 v18, v1;
	v12 =	vcvt.f32.s32 v12  }
0x136: {  	s23 =	sadd.s32 $0x10, s12;
	[tilespmem:s21+$0xA010] =	vst v7;
	v18 =	vmul.f32 v59, v0;
	v4 =	vtrunc.f32 v4;
	v7 =	vadd.f32 v2, v1  }
0x137: {  	v11 =	vld [tilespmem:s9+$0x2280];
	s3 =	sor.u32 $0x300, s23;
	[tilespmem:s21+$0xA090] =	vst v54;
	v8 =	vmul.f32 v10, v0;
	v10 =	vadd.f32 v19, v1;
	vm11 =	vlt.s32 v12, $0x100  }
0x138: {  	s11 =	sor.u32 s11, s14;
	[tilespmem:s21+$0xA100] =	vst v13;
	vm12 =	vlt.s32 v60, $0x100;
	v61 =	vtrunc.f32 v7;
	v7 =	vnsel vm11, $0x100, v12;
	v12 =	vld [tilespmem:s3+$0x2000]  }
0x139: {  	s11 =	sor.u32 $0x380, s11;
	vm14 =	vlt.s32 v3, $0x100;
	vm13 =	vlt.s32 v14, $0x100;
	v10 =	vtrunc.f32 v10;
	[tilespmem:s8+$0xA000] =	vst v7  }
0x13a: {  	[tilespmem:s21+$0xA200] =	vst v9;
	v14 =	vnsel vm13, $0x100, v14;
	v9 =	vcvt.f32.s32 v10;
	v10 =	vadd.f32 v18, v1;
	v13 =	vld [tilespmem:s11+$0x2000]  }
0x13b: {  	v62 =	vnsel vm14, $0x100, v3;
	vm10 =	vlt.s32 v58, $0x100;
	[tilespmem:s24+$0xA000] =	vst v14;
	v14 =	vtrunc.f32 v15  }
0x13c: {  	s2 =	sor.u32 $0x380, s18;
	v15 =	vnsel vm12, $0x100, v60;
	v7 =	vmul.f32 v11, v0;
	v10 =	vtrunc.f32 v10  }
0x13d: {  	[tilespmem:s21+$0xA080] =	vst v17;
	v11 =	vadd.f32 v21, v1;
	s8 =	simm.s32 $0x2;
	v63 =	vmul.f32 v12, v0;
	v12 =	vcvt.f32.s32 v10;
	v10 =	vld [tilespmem:s2+$0x2000]  }
0x13e: {  	[tilespmem:s21+$0xA180] =	vst v6;
	v2 =	vnsel vm10, $0x100, v58;
	v8 =	vadd.f32 v8, v1;
	v6 =	vcvt.f32.s32 v61;
	s13 =	sand.u32 $0x3, s8  }
0x13f: {  	[tilespmem:s21+$0xA280] =	vst v24;
	vm15 =	vlt.s32 v9, $0x100;
	v11 =	vtrunc.f32 v11;
	s14 =	sshll.u32 s13, $0x5;
	v17 =	vmul.f32 v13, v0  }
0x140: {  	s16 =	sor.u32 s16, s26;
	s30 =	sor.u32 $0x300, s12;
	[tilespmem:s9+$0xA100] =	vst v62;
	v3 =	vcvt.f32.s32 v11;
	v11 =	vnsel vm15, $0x100, v9;
	s15 =	sadd.s32 $0x200, s14;
	v13 =	vadd.f32 v16, v1  }
0x141: {  	s24 =	sor.u32 s22, s10;
	v14 =	vcvt.f32.s32 v14;
	s26 =	sor.u32 $0x300, s15;
	s14 =	sadd.s32 $0x10, s15;
	[tilespmem:s9+$0xA180] =	vst v11;
	v9 =	vadd.f32 v63, v1;
	v11 =	vadd.f32 v17, v1  }
.LBB2_9:
0x142: {  	s10 =	sadd.s32 $0x20, s10;
	vm0 =	vlt.s32 v6, $0x100;
	v5 =	vtrunc.f32 v5;
	s22 =	sadd.s32 $0x100, s22;
	[tilespmem:s21+$0xA000] =	vst v15;
	v10 =	vmul.f32 v10, v0;
	s21 =	smov.u32 s9  }
0x143: {  	s9 =	sand.u32 $0x60, s10;
	s12 =	sand.u32 $0x1C00, s22;
	p2 =	slt.u32 s10, $0x3E0;
	v5 =	vcvt.f32.s32 v5;
	vm1 =	vlt.s32 v14, $0x100;
	v15 =	vld [tilespmem:s30+$0x2000];
	v11 =	vtrunc.f32 v11  }
0x144: {  	vm2 =	vlt.s32 v12, $0x100;
	v13 =	vtrunc.f32 v13;
	s18 =	sor.u32 s22, s10;
	s9 =	sor.u32 s9, s12;
	v14 =	vnsel vm1, $0x100, v14  }
0x145: {  	v12 =	vnsel vm2, $0x100, v12;
	v10 =	vadd.f32 v10, v1;
	v16 =	vld [tilespmem:s9+$0x2110];
	vm1 =	vlt.s32 v5, $0x100;
	[tilespmem:s21+$0xA290] =	vst v14  }
0x146: {  	v11 =	vcvt.f32.s32 v11;
	v14 =	vld [tilespmem:s9+$0x2290];
	[tilespmem:s21+$0xA010] =	vst v12;
	v12 =	vcvt.f32.s32 v13;
	v5 =	vnsel vm1, $0x100, v5  }
0x147: {  	v8 =	vtrunc.f32 v8;
	v7 =	vadd.f32 v7, v1;
	v10 =	vtrunc.f32 v10;
	v13 =	vld [tilespmem:s9+$0x2210]  }
0x148: {  	v4 =	vcvt.f32.s32 v4;
	v17 =	vld [tilespmem:s9+$0x2100];
	vm1 =	vlt.s32 v12, $0x100;
	[tilespmem:s21+$0xA210] =	vst v5;
	v5 =	vmul.f32 v15, v0  }
0x149: {  	v9 =	vtrunc.f32 v9;
	v10 =	vcvt.f32.s32 v10;
	v15 =	vld [tilespmem:s9+$0x2200];
	v12 =	vnsel vm1, $0x100, v12  }
0x14a: {  	vm2 =	vlt.s32 v11, $0x100;
	vm1 =	vlt.s32 v4, $0x100;
	v18 =	vld [tilespmem:s9+$0x2080];
	v5 =	vadd.f32 v5, v1  }
0x14b: {  	v6 =	vnsel vm0, $0x100, v6;
	v7 =	vtrunc.f32 v7;
	vm0 =	vlt.s32 v10, $0x100;
	v19 =	vld [tilespmem:s9+$0x2090]  }
0x14c: {  	v4 =	vnsel vm1, $0x100, v4;
	v14 =	vmul.f32 v14, v0;
	v20 =	vld [tilespmem:s9+$0x2190];
	[tilespmem:s21+$0xA200] =	vst v6;
	v5 =	vtrunc.f32 v5  }
0x14d: {  	v7 =	vcvt.f32.s32 v7;
	v11 =	vnsel vm2, $0x100, v11;
	v6 =	vmul.f32 v13, v0  }
0x14e: {  	v16 =	vmul.f32 v16, v0;
	v10 =	vnsel vm0, $0x100, v10;
	v14 =	vadd.f32 v14, v1;
	v13 =	vld [tilespmem:s9+$0x2280];
	[tilespmem:s11+$0xA000] =	vst v11  }
0x14f: {  	vm0 =	vlt.s32 v3, $0x100;
	v21 =	vcvt.f32.s32 v5;
	v11 =	vmul.f32 v17, v0;
	v17 =	vld [tilespmem:s9+$0x2180];
	[tilespmem:s2+$0xA000] =	vst v10  }
0x150: {  	v9 =	vcvt.f32.s32 v9;
	v5 =	vadd.f32 v16, v1;
	v15 =	vmul.f32 v15, v0;
	v10 =	vld [tilespmem:s9+$0x2000]  }
0x151: {  	v16 =	vmul.f32 v18, v0;
	v11 =	vadd.f32 v11, v1;
	v18 =	vmul.f32 v19, v0  }
0x152: {  	s8 =	sadd.s32 $0x1, s8;
	vm1 =	vlt.s32 v7, $0x100;
	v19 =	vtrunc.f32 v5;
	v5 =	vadd.f32 v6, v1  }
0x153: {  	v7 =	vnsel vm1, $0x100, v7;
	s2 =	sand.u32 $0x3, s8;
	v6 =	vadd.f32 v15, v1;
	v19 =	vcvt.f32.s32 v19;
	v15 =	vld [tilespmem:s9+$0x2010]  }
0x154: {  	vm1 =	vlt.s32 v21, $0x100;
	s2 =	sshll.u32 s2, $0x5;
	v20 =	vmul.f32 v20, v0;
	v17 =	vmul.f32 v17, v0;
	[tilespmem:s21+$0xA280] =	vst v7  }
0x155: {  	s2 =	sadd.s32 s2, s22;
	vm2 =	vlt.s32 v19, $0x100;
	v7 =	vtrunc.f32 v11;
	v11 =	vcvt.f32.s32 v8;
	[tilespmem:s21+$0xA110] =	vst v2  }
0x156: {  	s12 =	sor.u32 $0x300, s2;
	s13 =	sadd.s32 $0x10, s2;
	v22 =	vcvt.f32.s32 v7;
	v2 =	vnsel vm2, $0x100, v19;
	v7 =	vadd.f32 v20, v1;
	[tilespmem:s21+$0xA090] =	vst v12  }
0x157: {  	s15 =	sor.u32 $0x300, s14;
	v6 =	vtrunc.f32 v6;
	v8 =	vmul.f32 v10, v0;
	v10 =	vadd.f32 v17, v1;
	[tilespmem:s21+$0xA190] =	vst v4  }
0x158: {  	v17 =	vnsel vm1, $0x100, v21;
	v4 =	vtrunc.f32 v7;
	v12 =	vmul.f32 v15, v0;
	v15 =	vld [tilespmem:s15+$0x2000]  }
0x159: {  	s11 =	sor.u32 $0x380, s16;
	s16 =	smov.u32 s24;
	s24 =	smov.u32 s18;
	vm1 =	vlt.s32 v11, $0x100;
	v7 =	vmul.f32 v13, v0;
	v10 =	vtrunc.f32 v10;
	[tilespmem:s30+$0xA000] =	vst v17  }
0x15a: {  	vm3 =	vlt.s32 v9, $0x100;
	v13 =	vadd.f32 v16, v1;
	vm2 =	vlt.s32 v22, $0x100;
	s30 =	smov.u32 s26;
	s26 =	smov.u32 s12;
	v16 =	vld [tilespmem:s11+$0x2000]  }
0x15b: {  	v9 =	vnsel vm3, $0x100, v9;
	v3 =	vnsel vm0, $0x100, v3;
	v6 =	vcvt.f32.s32 v6  }
0x15c: {  	s2 =	sor.u32 $0x380, s23;
	s23 =	smov.u32 s14;
	s14 =	smov.u32 s13;
	v8 =	vadd.f32 v8, v1;
	v17 =	vcvt.f32.s32 v10;
	v12 =	vadd.f32 v12, v1;
	[tilespmem:s3+$0xA000] =	vst v9  }
.Ltmp6:
0x15d: {  	v9 =	vtrunc.f32 v13;
	v13 =	vnsel vm2, $0x100, v22;
	s3 =	smov.u32 s15;
	[tilespmem:s21+$0xA080] =	vst v3;
	v15 =	vmul.f32 v15, v0;
	v10 =	vld [tilespmem:s2+$0x2000];
	(pc) =	sbr.rel @p2 .LBB2_9-.Ltmp6, $4  }
0x15e: {  	vm0 =	vlt.s32 v17, $0x100;
	v3 =	vcvt.f32.s32 v9;
	v9 =	vtrunc.f32 v12  }
0x15f: {  	v17 =	vnsel vm0, $0x100, v17;
	v12 =	vcvt.f32.s32 v9;
	v16 =	vmul.f32 v16, v0  }
0x160: {  	v14 =	vtrunc.f32 v14;
	v9 =	vadd.f32 v15, v1;
	[tilespmem:s9+$0xA100] =	vst v13;
	v13 =	vadd.f32 v18, v1  }
0x161: {  	v14 =	vcvt.f32.s32 v14;
	v15 =	vnsel vm1, $0x100, v11;
	[tilespmem:s9+$0xA180] =	vst v17;
	v11 =	vadd.f32 v16, v1  }
0x162: {  	v5 =	vtrunc.f32 v5;
	v7 =	vadd.f32 v7, v1  }
0x163: {  	[tilespmem:s21+$0xA000] =	vst v15;
	vm1 =	vlt.s32 v12, $0x100;
	vm12 =	vlt.s32 v6, $0x100;
	v13 =	vtrunc.f32 v13  }
0x164: {  	v54 =	vtrunc.f32 v8;
	v4 =	vcvt.f32.s32 v4;
	[tilespmem:s9+$0xA110] =	vst v2;
	v12 =	vnsel vm1, $0x100, v12  }
0x165: {  	vm15 =	vlt.s32 v3, $0x100;
	v5 =	vcvt.f32.s32 v5;
	v53 =	vnsel vm12, $0x100, v6;
	[tilespmem:s9+$0xA010] =	vst v12  }
0x166: {  	vm0 =	vlt.s32 v14, $0x100;
	v56 =	vcvt.f32.s32 v54;
	v2 =	vnsel vm15, $0x100, v3;
	[tilespmem:s9+$0xA200] =	vst v53  }
0x167: {  	v14 =	vnsel vm0, $0x100, v14;
	v7 =	vtrunc.f32 v7;
	vm5 =	vlt.s32 v4, $0x100;
	[tilespmem:s9+$0xA080] =	vst v2  }
0x168: {  	vm11 =	vlt.s32 v5, $0x100;
	[tilespmem:s9+$0xA290] =	vst v14;
	v7 =	vcvt.f32.s32 v7;
	v4 =	vnsel vm5, $0x100, v4  }
0x169: {  	v52 =	vcvt.f32.s32 v13;
	vm4 =	vlt.s32 v56, $0x100;
	v5 =	vnsel vm11, $0x100, v5;
	[tilespmem:s9+$0xA190] =	vst v4  }
0x16a: {  	v3 =	vld [tilespmem:s30+$0x2000];
	v2 =	vnsel vm4, $0x100, v56;
	[tilespmem:s9+$0xA210] =	vst v5;
	vm13 =	vlt.s32 v7, $0x100  }
0x16b: {  	vm14 =	vlt.s32 v52, $0x100;
	[tilespmem:s9+$0xA000] =	vst v2;
	v55 =	vnsel vm13, $0x100, v7  }
0x16c: {  	v57 =	vnsel vm14, $0x100, v52;
	[tilespmem:s9+$0xA280] =	vst v55  }
0x16d: {  	s8 =	sor.u32 $0x300, s14;
	[tilespmem:s9+$0xA090] =	vst v57;
	v2 =	vld [tilespmem:s26+$0x2000]  }
0x16e: {  	v4 =	vld [tilespmem:s8+$0x2000]  }
0x16f: {  	v3 =	vmul.f32 v3, v0;
	_ =	sdelay $0x1  }
0x170: {  	v3 =	vadd.f32 v3, v1  }
0x171: {  	v2 =	vmul.f32 v2, v0  }
0x172: {  	v3 =	vtrunc.f32 v3;
	v4 =	vmul.f32 v4, v0  }
0x173: {  	v3 =	vcvt.f32.s32 v3;
	v2 =	vadd.f32 v2, v1  }
0x174: {  	v58 =	vtrunc.f32 v9;
	v4 =	vadd.f32 v4, v1  }
0x175: {  	v5 =	vcvt.f32.s32 v58;
	vm6 =	vlt.s32 v3, $0x100;
	v2 =	vtrunc.f32 v2  }
0x176: {  	v3 =	vnsel vm6, $0x100, v3;
	v4 =	vtrunc.f32 v4;
	v2 =	vcvt.f32.s32 v2  }
0x177: {  	s22 =	sor.u32 $0x380, s16;
	vm7 =	vlt.s32 v5, $0x100;
	[tilespmem:s30+$0xA000] =	vst v3;
	v4 =	vcvt.f32.s32 v4  }
0x178: {  	v3 =	vnsel vm7, $0x100, v5;
	v59 =	vld [tilespmem:s22+$0x2000];
	vm8 =	vlt.s32 v2, $0x100  }
0x179: {  	s23 =	sor.u32 $0x380, s23;
	[tilespmem:s3+$0xA000] =	vst v3;
	v3 =	vmul.f32 v10, v0;
	vm9 =	vlt.s32 v4, $0x100;
	v2 =	vnsel vm8, $0x100, v2  }
0x17a: {  	s10 =	sor.u32 $0x380, s24;
	v60 =	vld [tilespmem:s23+$0x2000];
	[tilespmem:s26+$0xA000] =	vst v2;
	v2 =	vnsel vm9, $0x100, v4  }
0x17b: {  	s24 =	sor.u32 $0x380, s14;
	v3 =	vadd.f32 v3, v1;
	v61 =	vld [tilespmem:s10+$0x2000];
	[tilespmem:s8+$0xA000] =	vst v2  }
0x17c: {  	v62 =	vld [tilespmem:s24+$0x2000]  }
0x17d: {  	v3 =	vtrunc.f32 v3;
	v5 =	vmul.f32 v59, v0  }
0x17e: {  	v3 =	vcvt.f32.s32 v3  }
0x17f: {  	v6 =	vmul.f32 v60, v0;
	v2 =	vtrunc.f32 v11;
	v5 =	vadd.f32 v5, v1  }
0x180: {  	vm11 =	vlt.s32 v3, $0x100;
	v2 =	vcvt.f32.s32 v2;
	v4 =	vmul.f32 v61, v0  }
0x181: {  	v6 =	vadd.f32 v6, v1;
	v3 =	vnsel vm11, $0x100, v3;
	v7 =	vmul.f32 v62, v0  }
0x182: {  	v5 =	vtrunc.f32 v5;
	vm10 =	vlt.s32 v2, $0x100;
	v4 =	vadd.f32 v4, v1  }
0x183: {  	v5 =	vcvt.f32.s32 v5;
	v6 =	vtrunc.f32 v6;
	v7 =	vadd.f32 v7, v1  }
0x184: {  	v2 =	vnsel vm10, $0x100, v2;
	v6 =	vcvt.f32.s32 v6;
	v4 =	vtrunc.f32 v4  }
0x185: {  	[tilespmem:s11+$0xA000] =	vst v2;
	vm12 =	vlt.s32 v5, $0x100;
	v2 =	vcvt.f32.s32 v4;
	v63 =	vtrunc.f32 v7  }
0x186: {  	[tilespmem:s2+$0xA000] =	vst v3;
	vm13 =	vlt.s32 v6, $0x100;
	v3 =	vnsel vm12, $0x100, v5;
	v4 =	vcvt.f32.s32 v63  }
0x187: {  	[tilespmem:s22+$0xA000] =	vst v3;
	v3 =	vnsel vm13, $0x100, v6;
	vm14 =	vlt.s32 v2, $0x100  }
0x188: {  	[tilespmem:s23+$0xA000] =	vst v3;
	vm15 =	vlt.s32 v4, $0x100;
	v2 =	vnsel vm14, $0x100, v2  }
.Ltmp7:
0x189: {  	s2 =	rddreg [dreg:$0xa];
	[tilespmem:s10+$0xA000] =	vst v2;
	v2 =	vnsel vm15, $0x100, v4;
	(pc) =	sbr.rel @p1 .LBB2_12-.Ltmp7, $4  }
0x18a: {  	s2 =	sadd.s32 s2, s19;
	[tilespmem:s24+$0xA000] =	vst v2  }
0x18b: {  	s21 =	sshll.u32 s2, $0xC;
	s26 =	rddreg [dreg:$0xb]  }
0x18c: {  	s30 =	simm.s32 $0xA000;
	s2 =	sadd.s32 s21, s26  }
0x18d: {  	[hbm4b:s2+s4] =	stream.linear.scatter [tilespmem:s30], [sflag:$0x6], $0x2000, $0x38;
	[tilespmem:$0x10080] =	vst v63  }
.Ltmp8:
0x18e: {  	(pc) =	sbr.rel .LBB2_13-.Ltmp8, $4  }
0x18f: {  	_ = 	snop  }
0x190: {  	_ =	swait.ge [sflag:s31], $0x2000  }
0x191: {  	[sflag:s31] =	ssyncset.done $0x0  }
0x192: {  	[sflag:s31] =	ssyncadd.s32 $0xFFFFE000  }
.LBB2_12:
0x193: {  	s2 =	rddreg [dreg:$0xc]  }
0x194: {  	s2 =	sadd.s32 s7, s2  }
0x195: {  	s2 =	sshll.u32 s2, $0xA  }
.Ltmp9:
0x196: {  	s3 =	simm.s32 $0x2000;
	s2 =	sadd.s32 s1, s2;
	(pc) =	sbr.rel @p0 .LBB2_14-.Ltmp9, $4  }
0x197: {  	[tilespmem:s3], [sflag:$0x2] =	stream.linear.gather [hbm4b:s2+s4], $0x2000, $0x38;
	[tilespmem:$0x10080] =	vst v63  }
0x198: {  	_ =	swait.ge [sflag:s31], $0x2000  }
0x199: {  	[sflag:s31] =	ssyncset.done $0x0  }
0x19a: {  	[sflag:s31] =	ssyncadd.s32 $0xFFFFE000  }
.LBB2_13:
0x19b: {  	_ =	swait.ge [sflag:s0], $0x2000  }
0x19c: {  	[sflag:s0] =	ssyncset.done $0x0  }
0x19d: {  	[sflag:s0] =	ssyncadd.s32 $0xFFFFE000  }
.LBB2_14:
0x19e: {  	s14 =	simm.s32 $0x0;
	s16 =	simm.s32 $0x0  }
0x19f: {  	s2 =	sand.u32 $0x60, s16;
	s3 =	sand.u32 $0x1C00, s14  }
0x1a0: {  	s3 =	sor.u32 s2, s3  }
0x1a1: {  	v2 =	vld [tilespmem:s3+$0x4110]  }
0x1a2: {  	v3 =	vld [tilespmem:s3+$0x4290]  }
0x1a3: {  	v4 =	vld [tilespmem:s3+$0x4210]  }
0x1a4: {  	v5 =	vld [tilespmem:s3+$0x4100]  }
0x1a5: {  	v6 =	vld [tilespmem:s3+$0x4200]  }
0x1a6: {  	v7 =	vld [tilespmem:s3+$0x4080]  }
0x1a7: {  	v8 =	vld [tilespmem:s3+$0x4090]  }
0x1a8: {  	v9 =	vld [tilespmem:s3+$0x4180]  }
0x1a9: {  	v10 =	vld [tilespmem:s3+$0x4190]  }
0x1aa: {  	s5 =	simm.s32 $0x20;
	s24 =	simm.s32 $0x100;
	v11 =	vld [tilespmem:s3+$0x4000]  }
0x1ab: {  	s8 =	sand.u32 $0x60, s5;
	s9 =	sand.u32 $0x1C00, s24;
	v12 =	vld [tilespmem:s3+$0x4010]  }
0x1ac: {  	s9 =	sor.u32 s8, s9;
	v13 =	vld [tilespmem:s3+$0x4280]  }
0x1ad: {  	v14 =	vld [tilespmem:s9+$0x4110];
	v2 =	vmul.f32 v2, v0  }
0x1ae: {  	v15 =	vld [tilespmem:s9+$0x4290];
	v3 =	vmul.f32 v3, v0;
	v5 =	vmul.f32 v5, v0  }
0x1af: {  	v16 =	vld [tilespmem:s9+$0x4210];
	v4 =	vmul.f32 v4, v0;
	v6 =	vmul.f32 v6, v0  }
0x1b0: {  	s10 =	sand.u32 $0x3, s14;
	v17 =	vld [tilespmem:s9+$0x4100];
	v7 =	vmul.f32 v7, v0;
	v8 =	vmul.f32 v8, v0  }
0x1b1: {  	s22 =	simm.s32 $0x40;
	s23 =	simm.s32 $0x200;
	s8 =	sshll.u32 s10, $0x5;
	v18 =	vld [tilespmem:s9+$0x4200];
	v9 =	vmul.f32 v9, v0;
	v10 =	vmul.f32 v10, v0  }
0x1b2: {  	s11 =	sand.u32 $0x60, s22;
	s13 =	sand.u32 $0x1C00, s23;
	v19 =	vld [tilespmem:s9+$0x4080];
	s10 =	sadd.s32 $0x0, s8;
	v11 =	vmul.f32 v11, v0;
	v12 =	vmul.f32 v12, v0  }
0x1b3: {  	v22 =	vld [tilespmem:s9+$0x4190];
	s8 =	sadd.s32 $0x10, s10;
	s12 =	sor.u32 $0x300, s10;
	s10 =	sor.u32 s11, s13;
	v13 =	vmul.f32 v13, v0;
	v15 =	vmul.f32 v15, v0  }
0x1b4: {  	v23 =	vld [tilespmem:s10+$0x4190];
	v16 =	vmul.f32 v16, v0;
	v14 =	vmul.f32 v14, v0  }
0x1b5: {  	v17 =	vmul.f32 v17, v0;
	v2 =	vadd.f32 v2, v1;
	v5 =	vadd.f32 v5, v1  }
0x1b6: {  	v18 =	vmul.f32 v18, v0;
	v3 =	vadd.f32 v3, v1;
	v4 =	vadd.f32 v4, v1  }
0x1b7: {  	v19 =	vmul.f32 v19, v0;
	v6 =	vadd.f32 v6, v1;
	v10 =	vadd.f32 v10, v1  }
0x1b8: {  	v22 =	vmul.f32 v22, v0;
	v9 =	vadd.f32 v9, v1;
	v7 =	vadd.f32 v7, v1  }
0x1b9: {  	v12 =	vadd.f32 v12, v1;
	v23 =	vmul.f32 v23, v0;
	v2 =	vtrunc.f32 v2  }
0x1ba: {  	v11 =	vadd.f32 v11, v1;
	v5 =	vtrunc.f32 v5;
	v6 =	vtrunc.f32 v6  }
0x1bb: {  	v8 =	vadd.f32 v8, v1;
	v10 =	vtrunc.f32 v10;
	v9 =	vtrunc.f32 v9  }
0x1bc: {  	v13 =	vadd.f32 v13, v1;
	v7 =	vtrunc.f32 v7;
	v12 =	vtrunc.f32 v12  }
0x1bd: {  	v14 =	vadd.f32 v14, v1;
	v3 =	vtrunc.f32 v3;
	v4 =	vtrunc.f32 v4  }
0x1be: {  	v17 =	vadd.f32 v17, v1;
	v8 =	vtrunc.f32 v8;
	v11 =	vtrunc.f32 v11  }
0x1bf: {  	v13 =	vtrunc.f32 v13;
	v14 =	vtrunc.f32 v14  }
0x1c0: {  	v17 =	vtrunc.f32 v17;
	v2 =	vcvt.f32.s32 v2  }
0x1c1: {  	v5 =	vcvt.f32.s32 v5;
	v6 =	vcvt.f32.s32 v6  }
0x1c2: {  	v15 =	vadd.f32 v15, v1;
	v9 =	vcvt.f32.s32 v9;
	v7 =	vcvt.f32.s32 v7  }
0x1c3: {  	v16 =	vadd.f32 v16, v1;
	v12 =	vcvt.f32.s32 v12;
	v3 =	vcvt.f32.s32 v3  }
0x1c4: {  	v18 =	vadd.f32 v18, v1;
	v4 =	vcvt.f32.s32 v4;
	v8 =	vcvt.f32.s32 v8  }
0x1c5: {  	v19 =	vadd.f32 v19, v1;
	v10 =	vcvt.f32.s32 v10;
	v13 =	vcvt.f32.s32 v13  }
0x1c6: {  	v20 =	vld [tilespmem:s9+$0x4090];
	v11 =	vcvt.f32.s32 v11;
	vm0 =	vlt.s32 v2, $0x100;
	vm13 =	vlt.s32 v5, $0x100  }
0x1c7: {  	v21 =	vld [tilespmem:s9+$0x4180];
	vm14 =	vlt.s32 v9, $0x100;
	vm15 =	vlt.s32 v6, $0x100;
	vm1 =	vlt.s32 v3, $0x100  }
0x1c8: {  	v49 =	vld [tilespmem:s9+$0x4010];
	vm2 =	vlt.s32 v12, $0x100;
	vm4 =	vlt.s32 v4, $0x100;
	vm5 =	vlt.s32 v8, $0x100  }
0x1c9: {  	v50 =	vld [tilespmem:s9+$0x4280];
	vm6 =	vlt.s32 v10, $0x100;
	vm7 =	vlt.s32 v7, $0x100;
	v12 =	vnsel vm2, $0x100, v12  }
0x1ca: {  	v52 =	vld [tilespmem:s10+$0x4210];
	vm8 =	vlt.s32 v13, $0x100;
	vm10 =	vlt.s32 v11, $0x100;
	v4 =	vnsel vm4, $0x100, v4;
	[tilespmem:s3+$0xC010] =	vst v12  }
0x1cb: {  	v55 =	vld [tilespmem:s10+$0x4080];
	v2 =	vnsel vm0, $0x100, v2;
	v5 =	vnsel vm13, $0x100, v5;
	v9 =	vnsel vm14, $0x100, v9;
	[tilespmem:s3+$0xC210] =	vst v4  }
0x1cc: {  	v3 =	vnsel vm1, $0x100, v3;
	v8 =	vnsel vm5, $0x100, v8;
	v12 =	vmul.f32 v20, v0;
	[tilespmem:s3+$0xC110] =	vst v2  }
0x1cd: {  	v57 =	vld [tilespmem:s10+$0x4180];
	v10 =	vnsel vm6, $0x100, v10;
	v4 =	vcvt.f32.s32 v14;
	v14 =	vmul.f32 v21, v0;
	[tilespmem:s3+$0xC090] =	vst v8  }
0x1ce: {  	v2 =	vnsel vm8, $0x100, v13;
	v13 =	vcvt.f32.s32 v17;
	[tilespmem:s3+$0xC190] =	vst v10;
	v10 =	vtrunc.f32 v18  }
0x1cf: {  	v6 =	vnsel vm15, $0x100, v6;
	v17 =	vmul.f32 v49, v0;
	[tilespmem:s3+$0xC100] =	vst v5;
	v5 =	vmul.f32 v50, v0  }
0x1d0: {  	v7 =	vnsel vm7, $0x100, v7;
	[tilespmem:s3+$0xC180] =	vst v9;
	v18 =	vmul.f32 v52, v0;
	v21 =	vmul.f32 v55, v0  }
0x1d1: {  	v8 =	vadd.f32 v22, v1;
	v9 =	vcvt.f32.s32 v10;
	[tilespmem:s3+$0xC280] =	vst v2;
	v2 =	vtrunc.f32 v19  }
0x1d2: {  	v19 =	vmul.f32 v57, v0;
	v14 =	vadd.f32 v14, v1;
	vm9 =	vlt.s32 v4, $0x100  }
0x1d3: {  	[tilespmem:s3+$0xC290] =	vst v3;
	v3 =	vld [tilespmem:s9+$0x4000];
	v8 =	vtrunc.f32 v8;
	vm11 =	vlt.s32 v13, $0x100;
	v10 =	vadd.f32 v17, v1  }
0x1d4: {  	v17 =	vcvt.f32.s32 v2;
	v2 =	vnsel vm10, $0x100, v11;
	v11 =	vtrunc.f32 v16  }
0x1d5: {  	v5 =	vadd.f32 v5, v1;
	v4 =	vnsel vm9, $0x100, v4;
	v11 =	vcvt.f32.s32 v11  }
0x1d6: {  	s26 =	sor.u32 $0x300, s8;
	v53 =	vld [tilespmem:s10+$0x4100];
	[tilespmem:s3+$0xC080] =	vst v7;
	v13 =	vnsel vm11, $0x100, v13;
	v8 =	vcvt.f32.s32 v8;
	v14 =	vtrunc.f32 v14  }
0x1d7: {  	v51 =	vld [tilespmem:s26+$0x4000];
	[tilespmem:s3+$0xC000] =	vst v2;
	v2 =	vadd.f32 v12, v1;
	v7 =	vtrunc.f32 v10;
	v10 =	vtrunc.f32 v15  }
0x1d8: {  	vm13 =	vlt.s32 v9, $0x100;
	v5 =	vtrunc.f32 v5;
	v3 =	vmul.f32 v3, v0  }
0x1d9: {  	[tilespmem:s3+$0xC200] =	vst v6;
	v9 =	vnsel vm13, $0x100, v9;
	v6 =	vcvt.f32.s32 v14;
	v10 =	vcvt.f32.s32 v10  }
0x1da: {  	v16 =	vld [tilespmem:s10+$0x4110];
	vm8 =	vlt.s32 v17, $0x100;
	v7 =	vcvt.f32.s32 v7;
	v2 =	vtrunc.f32 v2  }
0x1db: {  	vm3 =	vlt.s32 v11, $0x100;
	vm7 =	vlt.s32 v8, $0x100;
	v24 =	vcvt.f32.s32 v5  }
0x1dc: {  	v5 =	vmul.f32 v53, v0;
	v17 =	vnsel vm8, $0x100, v17;
	v14 =	vmul.f32 v51, v0  }
0x1dd: {  	v12 =	vld [tilespmem:s12+$0x4000];
	v2 =	vcvt.f32.s32 v2;
	v11 =	vnsel vm3, $0x100, v11;
	v8 =	vnsel vm7, $0x100, v8  }
0x1de: {  	v15 =	vld [tilespmem:s10+$0x4290];
	v3 =	vadd.f32 v3, v1;
	vm12 =	vlt.s32 v6, $0x100;
	vm14 =	vlt.s32 v10, $0x100  }
0x1df: {  	vm15 =	vlt.s32 v7, $0x100;
	v16 =	vmul.f32 v16, v0;
	v25 =	vadd.f32 v5, v1  }
0x1e0: {  	vm9 =	vlt.s32 v24, $0x100;
	v6 =	vnsel vm12, $0x100, v6;
	v14 =	vadd.f32 v14, v1  }
0x1e1: {  	v56 =	vld [tilespmem:s10+$0x4090];
	v10 =	vnsel vm14, $0x100, v10;
	v7 =	vnsel vm15, $0x100, v7;
	vm6 =	vlt.s32 v2, $0x100  }
0x1e2: {  	v12 =	vmul.f32 v12, v0;
	v3 =	vtrunc.f32 v3;
	v54 =	vnsel vm6, $0x100, v2;
	v2 =	vld [tilespmem:s10+$0x4200]  }
0x1e3: {  	[tilespmem:s9+$0xC110] =	vst v4;
	v24 =	vnsel vm9, $0x100, v24;
	v15 =	vmul.f32 v15, v0;
	v4 =	vtrunc.f32 v25  }
0x1e4: {  	v59 =	vld [tilespmem:s10+$0x4010];
	v16 =	vadd.f32 v16, v1;
	v14 =	vtrunc.f32 v14;
	v60 =	vcvt.f32.s32 v3  }
0x1e5: {  	s15 =	simm.s32 $0x1;
	[tilespmem:s9+$0xC290] =	vst v10;
	v10 =	vld [tilespmem:s10+$0x4000];
	v3 =	vcvt.f32.s32 v4;
	v12 =	vadd.f32 v12, v1;
	v14 =	vcvt.f32.s32 v14  }
0x1e6: {  	s3 =	sand.u32 $0x3, s15;
	v4 =	vadd.f32 v23, v1;
	v5 =	vtrunc.f32 v16;
	v16 =	vmul.f32 v56, v0  }
0x1e7: {  	s3 =	sshll.u32 s3, $0x5;
	[tilespmem:s9+$0xC210] =	vst v11;
	v15 =	vadd.f32 v15, v1;
	v12 =	vtrunc.f32 v12;
	v2 =	vmul.f32 v2, v0  }
0x1e8: {  	s13 =	sadd.s32 $0x100, s3;
	[tilespmem:s9+$0xC190] =	vst v8;
	v58 =	vcvt.f32.s32 v5;
	v5 =	vadd.f32 v18, v1;
	v12 =	vcvt.f32.s32 v12  }
0x1e9: {  	s3 =	sadd.s32 $0x10, s13;
	[tilespmem:s9+$0xC010] =	vst v7;
	v18 =	vmul.f32 v59, v0;
	v4 =	vtrunc.f32 v4;
	v7 =	vadd.f32 v2, v1  }
0x1ea: {  	v11 =	vld [tilespmem:s10+$0x4280];
	s11 =	sor.u32 $0x300, s3;
	[tilespmem:s9+$0xC090] =	vst v54;
	v8 =	vmul.f32 v10, v0;
	v10 =	vadd.f32 v19, v1;
	vm11 =	vlt.s32 v12, $0x100  }
0x1eb: {  	s14 =	sor.u32 s14, s16;
	[tilespmem:s9+$0xC100] =	vst v13;
	vm12 =	vlt.s32 v60, $0x100;
	v61 =	vtrunc.f32 v7;
	v7 =	vnsel vm11, $0x100, v12;
	v12 =	vld [tilespmem:s11+$0x4000]  }
0x1ec: {  	s14 =	sor.u32 $0x380, s14;
	vm14 =	vlt.s32 v3, $0x100;
	vm13 =	vlt.s32 v14, $0x100;
	v10 =	vtrunc.f32 v10;
	[tilespmem:s12+$0xC000] =	vst v7  }
0x1ed: {  	[tilespmem:s9+$0xC200] =	vst v9;
	v14 =	vnsel vm13, $0x100, v14;
	v9 =	vcvt.f32.s32 v10;
	v10 =	vadd.f32 v18, v1;
	v13 =	vld [tilespmem:s14+$0x4000]  }
0x1ee: {  	v62 =	vnsel vm14, $0x100, v3;
	vm10 =	vlt.s32 v58, $0x100;
	[tilespmem:s26+$0xC000] =	vst v14;
	v14 =	vtrunc.f32 v15  }
0x1ef: {  	s8 =	sor.u32 $0x380, s8;
	v15 =	vnsel vm12, $0x100, v60;
	v7 =	vmul.f32 v11, v0;
	v10 =	vtrunc.f32 v10  }
0x1f0: {  	s18 =	simm.s32 $0x2;
	[tilespmem:s9+$0xC080] =	vst v17;
	v11 =	vadd.f32 v21, v1;
	v63 =	vmul.f32 v12, v0;
	v12 =	vcvt.f32.s32 v10;
	v10 =	vld [tilespmem:s8+$0x4000]  }
0x1f1: {  	s16 =	sand.u32 $0x3, s18;
	[tilespmem:s9+$0xC180] =	vst v6;
	v2 =	vnsel vm10, $0x100, v58;
	v8 =	vadd.f32 v8, v1;
	v6 =	vcvt.f32.s32 v61  }
0x1f2: {  	[tilespmem:s9+$0xC280] =	vst v24;
	vm15 =	vlt.s32 v9, $0x100;
	s12 =	sshll.u32 s16, $0x5;
	v11 =	vtrunc.f32 v11;
	v17 =	vmul.f32 v13, v0  }
0x1f3: {  	s24 =	sor.u32 s24, s5;
	s2 =	sor.u32 $0x300, s13;
	[tilespmem:s10+$0xC100] =	vst v62;
	s12 =	sadd.s32 $0x200, s12;
	v3 =	vcvt.f32.s32 v11;
	v11 =	vnsel vm15, $0x100, v9;
	v13 =	vadd.f32 v16, v1  }
0x1f4: {  	s26 =	sor.u32 s23, s22;
	v14 =	vcvt.f32.s32 v14;
	s30 =	sor.u32 $0x300, s12;
	s16 =	sadd.s32 $0x10, s12;
	[tilespmem:s10+$0xC180] =	vst v11;
	v9 =	vadd.f32 v63, v1;
	v11 =	vadd.f32 v17, v1  }
.LBB2_15:
0x1f5: {  	s22 =	sadd.s32 $0x20, s22;
	vm0 =	vlt.s32 v6, $0x100;
	v5 =	vtrunc.f32 v5;
	s23 =	sadd.s32 $0x100, s23;
	[tilespmem:s9+$0xC000] =	vst v15;
	v10 =	vmul.f32 v10, v0;
	s9 =	smov.u32 s10  }
0x1f6: {  	s10 =	sand.u32 $0x60, s22;
	s12 =	sand.u32 $0x1C00, s23;
	p2 =	slt.u32 s22, $0x3E0;
	v5 =	vcvt.f32.s32 v5;
	vm1 =	vlt.s32 v14, $0x100;
	v15 =	vld [tilespmem:s2+$0x4000];
	v11 =	vtrunc.f32 v11  }
0x1f7: {  	vm2 =	vlt.s32 v12, $0x100;
	v13 =	vtrunc.f32 v13;
	s10 =	sor.u32 s10, s12;
	s12 =	sor.u32 s23, s22;
	v14 =	vnsel vm1, $0x100, v14  }
0x1f8: {  	v12 =	vnsel vm2, $0x100, v12;
	v10 =	vadd.f32 v10, v1;
	v16 =	vld [tilespmem:s10+$0x4110];
	vm1 =	vlt.s32 v5, $0x100;
	[tilespmem:s9+$0xC290] =	vst v14  }
0x1f9: {  	v11 =	vcvt.f32.s32 v11;
	v14 =	vld [tilespmem:s10+$0x4290];
	[tilespmem:s9+$0xC010] =	vst v12;
	v12 =	vcvt.f32.s32 v13;
	v5 =	vnsel vm1, $0x100, v5  }
0x1fa: {  	v8 =	vtrunc.f32 v8;
	v7 =	vadd.f32 v7, v1;
	v10 =	vtrunc.f32 v10;
	v13 =	vld [tilespmem:s10+$0x4210]  }
0x1fb: {  	v4 =	vcvt.f32.s32 v4;
	v17 =	vld [tilespmem:s10+$0x4100];
	vm1 =	vlt.s32 v12, $0x100;
	[tilespmem:s9+$0xC210] =	vst v5;
	v5 =	vmul.f32 v15, v0  }
0x1fc: {  	v9 =	vtrunc.f32 v9;
	v10 =	vcvt.f32.s32 v10;
	v15 =	vld [tilespmem:s10+$0x4200];
	v12 =	vnsel vm1, $0x100, v12  }
0x1fd: {  	vm2 =	vlt.s32 v11, $0x100;
	vm1 =	vlt.s32 v4, $0x100;
	v18 =	vld [tilespmem:s10+$0x4080];
	v5 =	vadd.f32 v5, v1  }
0x1fe: {  	v6 =	vnsel vm0, $0x100, v6;
	v7 =	vtrunc.f32 v7;
	vm0 =	vlt.s32 v10, $0x100;
	v19 =	vld [tilespmem:s10+$0x4090]  }
0x1ff: {  	v4 =	vnsel vm1, $0x100, v4;
	v14 =	vmul.f32 v14, v0;
	v20 =	vld [tilespmem:s10+$0x4190];
	[tilespmem:s9+$0xC200] =	vst v6;
	v5 =	vtrunc.f32 v5  }
0x200: {  	v7 =	vcvt.f32.s32 v7;
	v11 =	vnsel vm2, $0x100, v11;
	v6 =	vmul.f32 v13, v0  }
0x201: {  	v16 =	vmul.f32 v16, v0;
	v10 =	vnsel vm0, $0x100, v10;
	v14 =	vadd.f32 v14, v1;
	v13 =	vld [tilespmem:s10+$0x4280];
	[tilespmem:s14+$0xC000] =	vst v11  }
0x202: {  	vm0 =	vlt.s32 v3, $0x100;
	v21 =	vcvt.f32.s32 v5;
	v11 =	vmul.f32 v17, v0;
	v17 =	vld [tilespmem:s10+$0x4180];
	[tilespmem:s8+$0xC000] =	vst v10  }
0x203: {  	v9 =	vcvt.f32.s32 v9;
	v5 =	vadd.f32 v16, v1;
	v15 =	vmul.f32 v15, v0;
	v10 =	vld [tilespmem:s10+$0x4000]  }
0x204: {  	v16 =	vmul.f32 v18, v0;
	v11 =	vadd.f32 v11, v1;
	v18 =	vmul.f32 v19, v0  }
0x205: {  	s18 =	sadd.s32 $0x1, s18;
	vm1 =	vlt.s32 v7, $0x100;
	v19 =	vtrunc.f32 v5;
	v5 =	vadd.f32 v6, v1  }
0x206: {  	v7 =	vnsel vm1, $0x100, v7;
	s8 =	sand.u32 $0x3, s18;
	v6 =	vadd.f32 v15, v1;
	v19 =	vcvt.f32.s32 v19;
	v15 =	vld [tilespmem:s10+$0x4010]  }
0x207: {  	vm1 =	vlt.s32 v21, $0x100;
	s8 =	sshll.u32 s8, $0x5;
	v20 =	vmul.f32 v20, v0;
	v17 =	vmul.f32 v17, v0;
	[tilespmem:s9+$0xC280] =	vst v7  }
0x208: {  	s8 =	sadd.s32 s8, s23;
	vm2 =	vlt.s32 v19, $0x100;
	v7 =	vtrunc.f32 v11;
	v11 =	vcvt.f32.s32 v8;
	[tilespmem:s9+$0xC110] =	vst v2  }
0x209: {  	s13 =	sor.u32 $0x300, s8;
	s15 =	sadd.s32 $0x10, s8;
	v22 =	vcvt.f32.s32 v7;
	v2 =	vnsel vm2, $0x100, v19;
	v7 =	vadd.f32 v20, v1;
	[tilespmem:s9+$0xC090] =	vst v12  }
0x20a: {  	s5 =	sor.u32 $0x300, s16;
	v6 =	vtrunc.f32 v6;
	v8 =	vmul.f32 v10, v0;
	v10 =	vadd.f32 v17, v1;
	[tilespmem:s9+$0xC190] =	vst v4  }
0x20b: {  	v17 =	vnsel vm1, $0x100, v21;
	v4 =	vtrunc.f32 v7;
	v12 =	vmul.f32 v15, v0;
	v15 =	vld [tilespmem:s5+$0x4000]  }
0x20c: {  	s14 =	sor.u32 $0x380, s24;
	s24 =	smov.u32 s26;
	s26 =	smov.u32 s12;
	vm1 =	vlt.s32 v11, $0x100;
	v7 =	vmul.f32 v13, v0;
	v10 =	vtrunc.f32 v10;
	[tilespmem:s2+$0xC000] =	vst v17  }
0x20d: {  	vm3 =	vlt.s32 v9, $0x100;
	v13 =	vadd.f32 v16, v1;
	vm2 =	vlt.s32 v22, $0x100;
	s2 =	smov.u32 s30;
	s30 =	smov.u32 s13;
	v16 =	vld [tilespmem:s14+$0x4000]  }
0x20e: {  	v9 =	vnsel vm3, $0x100, v9;
	v3 =	vnsel vm0, $0x100, v3;
	v6 =	vcvt.f32.s32 v6  }
0x20f: {  	s8 =	sor.u32 $0x380, s3;
	s3 =	smov.u32 s16;
	s16 =	smov.u32 s15;
	v8 =	vadd.f32 v8, v1;
	v17 =	vcvt.f32.s32 v10;
	v12 =	vadd.f32 v12, v1;
	[tilespmem:s11+$0xC000] =	vst v9  }
.Ltmp10:
0x210: {  	v9 =	vtrunc.f32 v13;
	v13 =	vnsel vm2, $0x100, v22;
	s11 =	smov.u32 s5;
	[tilespmem:s9+$0xC080] =	vst v3;
	v15 =	vmul.f32 v15, v0;
	v10 =	vld [tilespmem:s8+$0x4000];
	(pc) =	sbr.rel @p2 .LBB2_15-.Ltmp10, $4  }
0x211: {  	vm0 =	vlt.s32 v17, $0x100;
	v3 =	vcvt.f32.s32 v9;
	v9 =	vtrunc.f32 v12  }
0x212: {  	v17 =	vnsel vm0, $0x100, v17;
	v12 =	vcvt.f32.s32 v9;
	v16 =	vmul.f32 v16, v0  }
0x213: {  	v14 =	vtrunc.f32 v14;
	v9 =	vadd.f32 v15, v1;
	[tilespmem:s10+$0xC100] =	vst v13;
	v13 =	vadd.f32 v18, v1  }
0x214: {  	v14 =	vcvt.f32.s32 v14;
	v15 =	vnsel vm1, $0x100, v11;
	[tilespmem:s10+$0xC180] =	vst v17;
	v11 =	vadd.f32 v16, v1  }
0x215: {  	v5 =	vtrunc.f32 v5;
	v7 =	vadd.f32 v7, v1  }
0x216: {  	[tilespmem:s9+$0xC000] =	vst v15;
	vm1 =	vlt.s32 v12, $0x100;
	vm12 =	vlt.s32 v6, $0x100;
	v13 =	vtrunc.f32 v13  }
0x217: {  	v54 =	vtrunc.f32 v8;
	v4 =	vcvt.f32.s32 v4;
	[tilespmem:s10+$0xC110] =	vst v2;
	v12 =	vnsel vm1, $0x100, v12  }
0x218: {  	vm15 =	vlt.s32 v3, $0x100;
	v5 =	vcvt.f32.s32 v5;
	v53 =	vnsel vm12, $0x100, v6;
	[tilespmem:s10+$0xC010] =	vst v12  }
0x219: {  	vm0 =	vlt.s32 v14, $0x100;
	v56 =	vcvt.f32.s32 v54;
	v2 =	vnsel vm15, $0x100, v3;
	[tilespmem:s10+$0xC200] =	vst v53  }
0x21a: {  	v14 =	vnsel vm0, $0x100, v14;
	v7 =	vtrunc.f32 v7;
	vm5 =	vlt.s32 v4, $0x100;
	[tilespmem:s10+$0xC080] =	vst v2  }
0x21b: {  	vm11 =	vlt.s32 v5, $0x100;
	[tilespmem:s10+$0xC290] =	vst v14;
	v7 =	vcvt.f32.s32 v7;
	v4 =	vnsel vm5, $0x100, v4  }
0x21c: {  	v52 =	vcvt.f32.s32 v13;
	vm4 =	vlt.s32 v56, $0x100;
	v5 =	vnsel vm11, $0x100, v5;
	[tilespmem:s10+$0xC190] =	vst v4  }
0x21d: {  	v3 =	vld [tilespmem:s2+$0x4000];
	v2 =	vnsel vm4, $0x100, v56;
	[tilespmem:s10+$0xC210] =	vst v5;
	vm13 =	vlt.s32 v7, $0x100  }
0x21e: {  	vm14 =	vlt.s32 v52, $0x100;
	[tilespmem:s10+$0xC000] =	vst v2;
	v55 =	vnsel vm13, $0x100, v7  }
0x21f: {  	v57 =	vnsel vm14, $0x100, v52;
	[tilespmem:s10+$0xC280] =	vst v55  }
0x220: {  	s5 =	sor.u32 $0x300, s16;
	[tilespmem:s10+$0xC090] =	vst v57;
	v2 =	vld [tilespmem:s30+$0x4000]  }
0x221: {  	v4 =	vld [tilespmem:s5+$0x4000]  }
0x222: {  	v3 =	vmul.f32 v3, v0;
	_ =	sdelay $0x1  }
0x223: {  	v3 =	vadd.f32 v3, v1  }
0x224: {  	v2 =	vmul.f32 v2, v0  }
0x225: {  	v3 =	vtrunc.f32 v3;
	v4 =	vmul.f32 v4, v0  }
0x226: {  	v3 =	vcvt.f32.s32 v3;
	v2 =	vadd.f32 v2, v1  }
0x227: {  	v58 =	vtrunc.f32 v9;
	v4 =	vadd.f32 v4, v1  }
0x228: {  	v5 =	vcvt.f32.s32 v58;
	vm6 =	vlt.s32 v3, $0x100;
	v2 =	vtrunc.f32 v2  }
0x229: {  	v3 =	vnsel vm6, $0x100, v3;
	v4 =	vtrunc.f32 v4;
	v2 =	vcvt.f32.s32 v2  }
0x22a: {  	s23 =	sor.u32 $0x380, s24;
	vm7 =	vlt.s32 v5, $0x100;
	[tilespmem:s2+$0xC000] =	vst v3;
	v4 =	vcvt.f32.s32 v4  }
0x22b: {  	v3 =	vnsel vm7, $0x100, v5;
	v59 =	vld [tilespmem:s23+$0x4000];
	vm8 =	vlt.s32 v2, $0x100  }
0x22c: {  	s3 =	sor.u32 $0x380, s3;
	[tilespmem:s11+$0xC000] =	vst v3;
	v3 =	vmul.f32 v10, v0;
	vm9 =	vlt.s32 v4, $0x100;
	v2 =	vnsel vm8, $0x100, v2  }
0x22d: {  	s24 =	sor.u32 $0x380, s26;
	v60 =	vld [tilespmem:s3+$0x4000];
	[tilespmem:s30+$0xC000] =	vst v2;
	v2 =	vnsel vm9, $0x100, v4  }
0x22e: {  	s26 =	sor.u32 $0x380, s16;
	v3 =	vadd.f32 v3, v1;
	v61 =	vld [tilespmem:s24+$0x4000];
	[tilespmem:s5+$0xC000] =	vst v2  }
0x22f: {  	v62 =	vld [tilespmem:s26+$0x4000]  }
0x230: {  	v3 =	vtrunc.f32 v3;
	v5 =	vmul.f32 v59, v0  }
0x231: {  	v3 =	vcvt.f32.s32 v3  }
0x232: {  	v6 =	vmul.f32 v60, v0;
	v2 =	vtrunc.f32 v11;
	v5 =	vadd.f32 v5, v1  }
0x233: {  	vm11 =	vlt.s32 v3, $0x100;
	v2 =	vcvt.f32.s32 v2;
	v4 =	vmul.f32 v61, v0  }
0x234: {  	v6 =	vadd.f32 v6, v1;
	v3 =	vnsel vm11, $0x100, v3;
	v7 =	vmul.f32 v62, v0  }
0x235: {  	v5 =	vtrunc.f32 v5;
	vm10 =	vlt.s32 v2, $0x100;
	v4 =	vadd.f32 v4, v1  }
0x236: {  	v5 =	vcvt.f32.s32 v5;
	v6 =	vtrunc.f32 v6;
	v7 =	vadd.f32 v7, v1  }
0x237: {  	v2 =	vnsel vm10, $0x100, v2;
	v6 =	vcvt.f32.s32 v6;
	v4 =	vtrunc.f32 v4  }
0x238: {  	[tilespmem:s14+$0xC000] =	vst v2;
	vm12 =	vlt.s32 v5, $0x100;
	v2 =	vcvt.f32.s32 v4;
	v63 =	vtrunc.f32 v7  }
0x239: {  	[tilespmem:s8+$0xC000] =	vst v3;
	vm13 =	vlt.s32 v6, $0x100;
	v3 =	vnsel vm12, $0x100, v5;
	v4 =	vcvt.f32.s32 v63  }
0x23a: {  	[tilespmem:s23+$0xC000] =	vst v3;
	v3 =	vnsel vm13, $0x100, v6;
	vm14 =	vlt.s32 v2, $0x100  }
0x23b: {  	[tilespmem:s3+$0xC000] =	vst v3;
	vm15 =	vlt.s32 v4, $0x100;
	v2 =	vnsel vm14, $0x100, v2  }
.Ltmp11:
0x23c: {  	[tilespmem:s24+$0xC000] =	vst v2;
	v2 =	vnsel vm15, $0x100, v4;
	(pc) =	sbr.rel @p1 .LBB2_18-.Ltmp11, $4  }
0x23d: {  	[tilespmem:s26+$0xC000] =	vst v2  }
0x23e: {  	s2 =	rddreg [dreg:$0xd]  }
0x23f: {  	s30 =	simm.s32 $0xC000;
	s2 =	sadd.s32 s21, s2  }
0x240: {  	[hbm4b:s2+s4] =	stream.linear.scatter [tilespmem:s30], [sflag:$0x7], $0x2000, $0x38;
	[tilespmem:$0x10080] =	vst v63  }
.Ltmp12:
0x241: {  	(pc) =	sbr.rel .LBB2_19-.Ltmp12, $4  }
0x242: {  	_ = 	snop  }
0x243: {  	_ =	swait.ge [sflag:s20], $0x2000  }
0x244: {  	[sflag:s20] =	ssyncset.done $0x0  }
0x245: {  	[sflag:s20] =	ssyncadd.s32 $0xFFFFE000  }
.LBB2_18:
0x246: {  	s2 =	rddreg [dreg:$0xe]  }
0x247: {  	s2 =	sadd.s32 s7, s2  }
0x248: {  	s2 =	sshll.u32 s2, $0xA  }
.Ltmp13:
0x249: {  	s3 =	simm.s32 $0x4000;
	s2 =	sadd.s32 s1, s2;
	(pc) =	sbr.rel @p0 .LBB2_20-.Ltmp13, $4  }
0x24a: {  	[tilespmem:s3], [sflag:$0x3] =	stream.linear.gather [hbm4b:s2+s4], $0x2000, $0x38;
	[tilespmem:$0x10080] =	vst v63  }
0x24b: {  	_ =	swait.ge [sflag:s20], $0x2000  }
0x24c: {  	[sflag:s20] =	ssyncset.done $0x0  }
0x24d: {  	[sflag:s20] =	ssyncadd.s32 $0xFFFFE000  }
.LBB2_19:
0x24e: {  	_ =	swait.ge [sflag:s6], $0x2000  }
0x24f: {  	[sflag:s6] =	ssyncset.done $0x0  }
0x250: {  	[sflag:s6] =	ssyncadd.s32 $0xFFFFE000  }
.LBB2_20:
0x251: {  	s14 =	simm.s32 $0x0;
	s16 =	simm.s32 $0x0  }
0x252: {  	s2 =	sand.u32 $0x60, s16;
	s3 =	sand.u32 $0x1C00, s14  }
0x253: {  	s3 =	sor.u32 s2, s3  }
0x254: {  	v2 =	vld [tilespmem:s3+$0x6110]  }
0x255: {  	v3 =	vld [tilespmem:s3+$0x6290]  }
0x256: {  	v4 =	vld [tilespmem:s3+$0x6210]  }
0x257: {  	v5 =	vld [tilespmem:s3+$0x6100]  }
0x258: {  	v6 =	vld [tilespmem:s3+$0x6200]  }
0x259: {  	v7 =	vld [tilespmem:s3+$0x6080]  }
0x25a: {  	v8 =	vld [tilespmem:s3+$0x6090]  }
0x25b: {  	v9 =	vld [tilespmem:s3+$0x6180]  }
0x25c: {  	v10 =	vld [tilespmem:s3+$0x6190]  }
0x25d: {  	s24 =	simm.s32 $0x100;
	s22 =	simm.s32 $0x40;
	s23 =	simm.s32 $0x200;
	v11 =	vld [tilespmem:s3+$0x6000]  }
0x25e: {  	s10 =	sand.u32 $0x60, s22;
	s11 =	sand.u32 $0x1C00, s23;
	s2 =	simm.s32 $0x20;
	v12 =	vld [tilespmem:s3+$0x6010]  }
0x25f: {  	s8 =	sand.u32 $0x1C00, s24;
	s10 =	sor.u32 s10, s11;
	v13 =	vld [tilespmem:s3+$0x6280];
	s5 =	sand.u32 $0x60, s2  }
0x260: {  	v23 =	vld [tilespmem:s10+$0x6190];
	s9 =	sor.u32 s5, s8  }
0x261: {  	v14 =	vld [tilespmem:s9+$0x6110];
	v2 =	vmul.f32 v2, v0  }
0x262: {  	v15 =	vld [tilespmem:s9+$0x6290];
	v3 =	vmul.f32 v3, v0;
	v5 =	vmul.f32 v5, v0  }
0x263: {  	v16 =	vld [tilespmem:s9+$0x6210];
	v4 =	vmul.f32 v4, v0;
	v6 =	vmul.f32 v6, v0  }
0x264: {  	v17 =	vld [tilespmem:s9+$0x6100];
	v7 =	vmul.f32 v7, v0;
	v8 =	vmul.f32 v8, v0  }
0x265: {  	v18 =	vld [tilespmem:s9+$0x6200];
	v9 =	vmul.f32 v9, v0;
	v10 =	vmul.f32 v10, v0  }
0x266: {  	v19 =	vld [tilespmem:s9+$0x6080];
	v11 =	vmul.f32 v11, v0;
	v12 =	vmul.f32 v12, v0  }
0x267: {  	v22 =	vld [tilespmem:s9+$0x6190];
	v13 =	vmul.f32 v13, v0;
	v2 =	vadd.f32 v2, v1;
	v5 =	vadd.f32 v5, v1  }
0x268: {  	v23 =	vmul.f32 v23, v0;
	v3 =	vadd.f32 v3, v1;
	v4 =	vadd.f32 v4, v1  }
0x269: {  	v6 =	vadd.f32 v6, v1;
	v15 =	vmul.f32 v15, v0;
	v16 =	vmul.f32 v16, v0  }
0x26a: {  	v10 =	vadd.f32 v10, v1;
	v14 =	vmul.f32 v14, v0;
	v17 =	vmul.f32 v17, v0  }
0x26b: {  	v9 =	vadd.f32 v9, v1;
	v18 =	vmul.f32 v18, v0;
	v19 =	vmul.f32 v19, v0  }
0x26c: {  	v7 =	vadd.f32 v7, v1;
	v22 =	vmul.f32 v22, v0;
	v2 =	vtrunc.f32 v2  }
0x26d: {  	v12 =	vadd.f32 v12, v1;
	v5 =	vtrunc.f32 v5;
	v6 =	vtrunc.f32 v6  }
0x26e: {  	v11 =	vadd.f32 v11, v1;
	v10 =	vtrunc.f32 v10;
	v9 =	vtrunc.f32 v9  }
0x26f: {  	v8 =	vadd.f32 v8, v1;
	v7 =	vtrunc.f32 v7;
	v12 =	vtrunc.f32 v12  }
0x270: {  	v13 =	vadd.f32 v13, v1;
	v3 =	vtrunc.f32 v3;
	v4 =	vtrunc.f32 v4  }
0x271: {  	v8 =	vtrunc.f32 v8;
	v11 =	vtrunc.f32 v11  }
0x272: {  	v13 =	vtrunc.f32 v13;
	v2 =	vcvt.f32.s32 v2  }
0x273: {  	v15 =	vadd.f32 v15, v1;
	v5 =	vcvt.f32.s32 v5;
	v6 =	vcvt.f32.s32 v6  }
0x274: {  	v14 =	vadd.f32 v14, v1;
	v9 =	vcvt.f32.s32 v9;
	v7 =	vcvt.f32.s32 v7  }
0x275: {  	v17 =	vadd.f32 v17, v1;
	v12 =	vcvt.f32.s32 v12;
	v3 =	vcvt.f32.s32 v3  }
0x276: {  	v16 =	vadd.f32 v16, v1;
	v4 =	vcvt.f32.s32 v4;
	v8 =	vcvt.f32.s32 v8  }
0x277: {  	v18 =	vadd.f32 v18, v1;
	v10 =	vcvt.f32.s32 v10;
	v13 =	vcvt.f32.s32 v13  }
0x278: {  	v19 =	vadd.f32 v19, v1;
	v11 =	vcvt.f32.s32 v11;
	v14 =	vtrunc.f32 v14  }
0x279: {  	v52 =	vld [tilespmem:s10+$0x6210];
	v17 =	vtrunc.f32 v17;
	vm0 =	vlt.s32 v2, $0x100;
	vm13 =	vlt.s32 v5, $0x100  }
0x27a: {  	v20 =	vld [tilespmem:s9+$0x6090];
	vm14 =	vlt.s32 v9, $0x100;
	vm15 =	vlt.s32 v6, $0x100;
	vm1 =	vlt.s32 v3, $0x100  }
0x27b: {  	v21 =	vld [tilespmem:s9+$0x6180];
	vm2 =	vlt.s32 v12, $0x100;
	vm4 =	vlt.s32 v4, $0x100;
	vm5 =	vlt.s32 v8, $0x100  }
0x27c: {  	v49 =	vld [tilespmem:s9+$0x6010];
	vm6 =	vlt.s32 v10, $0x100;
	vm7 =	vlt.s32 v7, $0x100;
	v12 =	vnsel vm2, $0x100, v12  }
0x27d: {  	v50 =	vld [tilespmem:s9+$0x6280];
	vm8 =	vlt.s32 v13, $0x100;
	vm10 =	vlt.s32 v11, $0x100;
	v4 =	vnsel vm4, $0x100, v4;
	[tilespmem:s3+$0xE010] =	vst v12  }
0x27e: {  	v55 =	vld [tilespmem:s10+$0x6080];
	v2 =	vnsel vm0, $0x100, v2;
	v5 =	vnsel vm13, $0x100, v5;
	v9 =	vnsel vm14, $0x100, v9;
	[tilespmem:s3+$0xE210] =	vst v4  }
0x27f: {  	v3 =	vnsel vm1, $0x100, v3;
	v8 =	vnsel vm5, $0x100, v8;
	v12 =	vmul.f32 v20, v0;
	[tilespmem:s3+$0xE110] =	vst v2  }
0x280: {  	v57 =	vld [tilespmem:s10+$0x6180];
	v10 =	vnsel vm6, $0x100, v10;
	v4 =	vcvt.f32.s32 v14;
	v14 =	vmul.f32 v21, v0;
	[tilespmem:s3+$0xE090] =	vst v8  }
0x281: {  	v2 =	vnsel vm8, $0x100, v13;
	v13 =	vcvt.f32.s32 v17;
	[tilespmem:s3+$0xE190] =	vst v10;
	v10 =	vtrunc.f32 v18  }
0x282: {  	v6 =	vnsel vm15, $0x100, v6;
	v17 =	vmul.f32 v49, v0;
	[tilespmem:s3+$0xE100] =	vst v5;
	v5 =	vmul.f32 v50, v0  }
0x283: {  	v7 =	vnsel vm7, $0x100, v7;
	[tilespmem:s3+$0xE180] =	vst v9;
	v18 =	vmul.f32 v52, v0;
	v21 =	vmul.f32 v55, v0  }
0x284: {  	v8 =	vadd.f32 v22, v1;
	v9 =	vcvt.f32.s32 v10;
	[tilespmem:s3+$0xE280] =	vst v2;
	v2 =	vtrunc.f32 v19  }
0x285: {  	s8 =	sand.u32 $0x3, s14;
	v19 =	vmul.f32 v57, v0;
	v14 =	vadd.f32 v14, v1;
	vm9 =	vlt.s32 v4, $0x100  }
0x286: {  	s5 =	sshll.u32 s8, $0x5;
	[tilespmem:s3+$0xE290] =	vst v3;
	v3 =	vld [tilespmem:s9+$0x6000];
	v8 =	vtrunc.f32 v8;
	vm11 =	vlt.s32 v13, $0x100;
	v10 =	vadd.f32 v17, v1  }
0x287: {  	s5 =	sadd.s32 $0x0, s5;
	v17 =	vcvt.f32.s32 v2;
	v2 =	vnsel vm10, $0x100, v11;
	v11 =	vtrunc.f32 v16  }
0x288: {  	s8 =	sadd.s32 $0x10, s5;
	v5 =	vadd.f32 v5, v1;
	v4 =	vnsel vm9, $0x100, v4;
	v11 =	vcvt.f32.s32 v11  }
0x289: {  	v53 =	vld [tilespmem:s10+$0x6100];
	s26 =	sor.u32 $0x300, s8;
	[tilespmem:s3+$0xE080] =	vst v7;
	v13 =	vnsel vm11, $0x100, v13;
	v8 =	vcvt.f32.s32 v8;
	v14 =	vtrunc.f32 v14  }
0x28a: {  	v51 =	vld [tilespmem:s26+$0x6000];
	[tilespmem:s3+$0xE000] =	vst v2;
	v2 =	vadd.f32 v12, v1;
	v7 =	vtrunc.f32 v10;
	v10 =	vtrunc.f32 v15  }
0x28b: {  	vm13 =	vlt.s32 v9, $0x100;
	v5 =	vtrunc.f32 v5;
	v3 =	vmul.f32 v3, v0  }
0x28c: {  	[tilespmem:s3+$0xE200] =	vst v6;
	v9 =	vnsel vm13, $0x100, v9;
	v6 =	vcvt.f32.s32 v14;
	v10 =	vcvt.f32.s32 v10  }
0x28d: {  	v16 =	vld [tilespmem:s10+$0x6110];
	vm8 =	vlt.s32 v17, $0x100;
	v7 =	vcvt.f32.s32 v7;
	v2 =	vtrunc.f32 v2  }
0x28e: {  	vm3 =	vlt.s32 v11, $0x100;
	vm7 =	vlt.s32 v8, $0x100;
	v24 =	vcvt.f32.s32 v5  }
0x28f: {  	s12 =	sor.u32 $0x300, s5;
	v5 =	vmul.f32 v53, v0;
	v17 =	vnsel vm8, $0x100, v17;
	v14 =	vmul.f32 v51, v0  }
0x290: {  	v12 =	vld [tilespmem:s12+$0x6000];
	v2 =	vcvt.f32.s32 v2;
	v11 =	vnsel vm3, $0x100, v11;
	v8 =	vnsel vm7, $0x100, v8  }
0x291: {  	v15 =	vld [tilespmem:s10+$0x6290];
	v3 =	vadd.f32 v3, v1;
	vm12 =	vlt.s32 v6, $0x100;
	vm14 =	vlt.s32 v10, $0x100  }
0x292: {  	vm15 =	vlt.s32 v7, $0x100;
	v16 =	vmul.f32 v16, v0;
	v25 =	vadd.f32 v5, v1  }
0x293: {  	vm9 =	vlt.s32 v24, $0x100;
	v6 =	vnsel vm12, $0x100, v6;
	v14 =	vadd.f32 v14, v1  }
0x294: {  	v56 =	vld [tilespmem:s10+$0x6090];
	v10 =	vnsel vm14, $0x100, v10;
	v7 =	vnsel vm15, $0x100, v7;
	vm6 =	vlt.s32 v2, $0x100  }
0x295: {  	v12 =	vmul.f32 v12, v0;
	v3 =	vtrunc.f32 v3;
	v54 =	vnsel vm6, $0x100, v2;
	v2 =	vld [tilespmem:s10+$0x6200]  }
0x296: {  	[tilespmem:s9+$0xE110] =	vst v4;
	v24 =	vnsel vm9, $0x100, v24;
	v15 =	vmul.f32 v15, v0;
	v4 =	vtrunc.f32 v25  }
0x297: {  	v59 =	vld [tilespmem:s10+$0x6010];
	v16 =	vadd.f32 v16, v1;
	v14 =	vtrunc.f32 v14;
	v60 =	vcvt.f32.s32 v3  }
0x298: {  	s13 =	simm.s32 $0x1;
	[tilespmem:s9+$0xE290] =	vst v10;
	v10 =	vld [tilespmem:s10+$0x6000];
	v3 =	vcvt.f32.s32 v4;
	v12 =	vadd.f32 v12, v1;
	v14 =	vcvt.f32.s32 v14  }
0x299: {  	s3 =	sand.u32 $0x3, s13;
	v4 =	vadd.f32 v23, v1;
	v5 =	vtrunc.f32 v16;
	v16 =	vmul.f32 v56, v0  }
0x29a: {  	s3 =	sshll.u32 s3, $0x5;
	[tilespmem:s9+$0xE210] =	vst v11;
	v15 =	vadd.f32 v15, v1;
	v12 =	vtrunc.f32 v12;
	v2 =	vmul.f32 v2, v0  }
0x29b: {  	s5 =	sadd.s32 $0x100, s3;
	[tilespmem:s9+$0xE190] =	vst v8;
	v58 =	vcvt.f32.s32 v5;
	v5 =	vadd.f32 v18, v1;
	v12 =	vcvt.f32.s32 v12  }
0x29c: {  	s3 =	sadd.s32 $0x10, s5;
	[tilespmem:s9+$0xE010] =	vst v7;
	v18 =	vmul.f32 v59, v0;
	v4 =	vtrunc.f32 v4;
	v7 =	vadd.f32 v2, v1  }
0x29d: {  	v11 =	vld [tilespmem:s10+$0x6280];
	s11 =	sor.u32 $0x300, s3;
	[tilespmem:s9+$0xE090] =	vst v54;
	v8 =	vmul.f32 v10, v0;
	v10 =	vadd.f32 v19, v1;
	vm11 =	vlt.s32 v12, $0x100  }
0x29e: {  	s13 =	sor.u32 s14, s16;
	[tilespmem:s9+$0xE100] =	vst v13;
	vm12 =	vlt.s32 v60, $0x100;
	v61 =	vtrunc.f32 v7;
	v7 =	vnsel vm11, $0x100, v12;
	v12 =	vld [tilespmem:s11+$0x6000]  }
0x29f: {  	s14 =	sor.u32 $0x380, s13;
	vm14 =	vlt.s32 v3, $0x100;
	vm13 =	vlt.s32 v14, $0x100;
	v10 =	vtrunc.f32 v10;
	[tilespmem:s12+$0xE000] =	vst v7  }
0x2a0: {  	[tilespmem:s9+$0xE200] =	vst v9;
	v14 =	vnsel vm13, $0x100, v14;
	v9 =	vcvt.f32.s32 v10;
	v10 =	vadd.f32 v18, v1;
	v13 =	vld [tilespmem:s14+$0x6000]  }
0x2a1: {  	v62 =	vnsel vm14, $0x100, v3;
	vm10 =	vlt.s32 v58, $0x100;
	[tilespmem:s26+$0xE000] =	vst v14;
	v14 =	vtrunc.f32 v15  }
0x2a2: {  	s8 =	sor.u32 $0x380, s8;
	v15 =	vnsel vm12, $0x100, v60;
	v7 =	vmul.f32 v11, v0;
	v10 =	vtrunc.f32 v10  }
0x2a3: {  	s18 =	simm.s32 $0x2;
	[tilespmem:s9+$0xE080] =	vst v17;
	v11 =	vadd.f32 v21, v1;
	v63 =	vmul.f32 v12, v0;
	v12 =	vcvt.f32.s32 v10;
	v10 =	vld [tilespmem:s8+$0x6000]  }
0x2a4: {  	s15 =	sand.u32 $0x3, s18;
	[tilespmem:s9+$0xE180] =	vst v6;
	v2 =	vnsel vm10, $0x100, v58;
	v8 =	vadd.f32 v8, v1;
	v6 =	vcvt.f32.s32 v61  }
0x2a5: {  	[tilespmem:s9+$0xE280] =	vst v24;
	vm15 =	vlt.s32 v9, $0x100;
	s12 =	sshll.u32 s15, $0x5;
	v11 =	vtrunc.f32 v11;
	v17 =	vmul.f32 v13, v0  }
0x2a6: {  	s24 =	sor.u32 s24, s2;
	s2 =	sor.u32 $0x300, s5;
	[tilespmem:s10+$0xE100] =	vst v62;
	s16 =	sadd.s32 $0x200, s12;
	v3 =	vcvt.f32.s32 v11;
	v11 =	vnsel vm15, $0x100, v9;
	v13 =	vadd.f32 v16, v1  }
0x2a7: {  	s26 =	sor.u32 s23, s22;
	v14 =	vcvt.f32.s32 v14;
	s30 =	sor.u32 $0x300, s16;
	s16 =	sadd.s32 $0x10, s16;
	[tilespmem:s10+$0xE180] =	vst v11;
	v9 =	vadd.f32 v63, v1;
	v11 =	vadd.f32 v17, v1  }
.LBB2_21:
0x2a8: {  	s22 =	sadd.s32 $0x20, s22;
	vm0 =	vlt.s32 v6, $0x100;
	v5 =	vtrunc.f32 v5;
	s23 =	sadd.s32 $0x100, s23;
	[tilespmem:s9+$0xE000] =	vst v15;
	v10 =	vmul.f32 v10, v0;
	s9 =	smov.u32 s10  }
0x2a9: {  	s5 =	sand.u32 $0x60, s22;
	s10 =	sand.u32 $0x1C00, s23;
	p0 =	slt.u32 s22, $0x3E0;
	v5 =	vcvt.f32.s32 v5;
	vm1 =	vlt.s32 v14, $0x100;
	v15 =	vld [tilespmem:s2+$0x6000];
	v11 =	vtrunc.f32 v11  }
0x2aa: {  	vm2 =	vlt.s32 v12, $0x100;
	v13 =	vtrunc.f32 v13;
	s12 =	sor.u32 s23, s22;
	s10 =	sor.u32 s5, s10;
	v14 =	vnsel vm1, $0x100, v14  }
0x2ab: {  	v12 =	vnsel vm2, $0x100, v12;
	v10 =	vadd.f32 v10, v1;
	v16 =	vld [tilespmem:s10+$0x6110];
	vm1 =	vlt.s32 v5, $0x100;
	[tilespmem:s9+$0xE290] =	vst v14  }
0x2ac: {  	v11 =	vcvt.f32.s32 v11;
	v14 =	vld [tilespmem:s10+$0x6290];
	[tilespmem:s9+$0xE010] =	vst v12;
	v12 =	vcvt.f32.s32 v13;
	v5 =	vnsel vm1, $0x100, v5  }
0x2ad: {  	v8 =	vtrunc.f32 v8;
	v7 =	vadd.f32 v7, v1;
	v10 =	vtrunc.f32 v10;
	v13 =	vld [tilespmem:s10+$0x6210]  }
0x2ae: {  	v4 =	vcvt.f32.s32 v4;
	v17 =	vld [tilespmem:s10+$0x6100];
	vm1 =	vlt.s32 v12, $0x100;
	[tilespmem:s9+$0xE210] =	vst v5;
	v5 =	vmul.f32 v15, v0  }
0x2af: {  	v9 =	vtrunc.f32 v9;
	v10 =	vcvt.f32.s32 v10;
	v15 =	vld [tilespmem:s10+$0x6200];
	v12 =	vnsel vm1, $0x100, v12  }
0x2b0: {  	vm2 =	vlt.s32 v11, $0x100;
	vm1 =	vlt.s32 v4, $0x100;
	v18 =	vld [tilespmem:s10+$0x6080];
	v5 =	vadd.f32 v5, v1  }
0x2b1: {  	v6 =	vnsel vm0, $0x100, v6;
	v7 =	vtrunc.f32 v7;
	vm0 =	vlt.s32 v10, $0x100;
	v19 =	vld [tilespmem:s10+$0x6090]  }
0x2b2: {  	v4 =	vnsel vm1, $0x100, v4;
	v14 =	vmul.f32 v14, v0;
	v20 =	vld [tilespmem:s10+$0x6190];
	[tilespmem:s9+$0xE200] =	vst v6;
	v5 =	vtrunc.f32 v5  }
0x2b3: {  	v7 =	vcvt.f32.s32 v7;
	v11 =	vnsel vm2, $0x100, v11;
	v6 =	vmul.f32 v13, v0  }
0x2b4: {  	v16 =	vmul.f32 v16, v0;
	v10 =	vnsel vm0, $0x100, v10;
	v14 =	vadd.f32 v14, v1;
	v13 =	vld [tilespmem:s10+$0x6280];
	[tilespmem:s14+$0xE000] =	vst v11  }
0x2b5: {  	vm0 =	vlt.s32 v3, $0x100;
	v21 =	vcvt.f32.s32 v5;
	v11 =	vmul.f32 v17, v0;
	v17 =	vld [tilespmem:s10+$0x6180];
	[tilespmem:s8+$0xE000] =	vst v10  }
0x2b6: {  	v9 =	vcvt.f32.s32 v9;
	v5 =	vadd.f32 v16, v1;
	v15 =	vmul.f32 v15, v0;
	v10 =	vld [tilespmem:s10+$0x6000]  }
0x2b7: {  	v16 =	vmul.f32 v18, v0;
	v11 =	vadd.f32 v11, v1;
	v18 =	vmul.f32 v19, v0  }
0x2b8: {  	s18 =	sadd.s32 $0x1, s18;
	vm1 =	vlt.s32 v7, $0x100;
	v19 =	vtrunc.f32 v5;
	v5 =	vadd.f32 v6, v1  }
0x2b9: {  	s5 =	sand.u32 $0x3, s18;
	v7 =	vnsel vm1, $0x100, v7;
	v6 =	vadd.f32 v15, v1;
	v19 =	vcvt.f32.s32 v19;
	v15 =	vld [tilespmem:s10+$0x6010]  }
0x2ba: {  	s5 =	sshll.u32 s5, $0x5;
	vm1 =	vlt.s32 v21, $0x100;
	v20 =	vmul.f32 v20, v0;
	v17 =	vmul.f32 v17, v0;
	[tilespmem:s9+$0xE280] =	vst v7  }
0x2bb: {  	s5 =	sadd.s32 s5, s23;
	vm2 =	vlt.s32 v19, $0x100;
	v7 =	vtrunc.f32 v11;
	v11 =	vcvt.f32.s32 v8;
	[tilespmem:s9+$0xE110] =	vst v2  }
0x2bc: {  	s8 =	sor.u32 $0x300, s5;
	s5 =	sadd.s32 $0x10, s5;
	v22 =	vcvt.f32.s32 v7;
	v2 =	vnsel vm2, $0x100, v19;
	v7 =	vadd.f32 v20, v1;
	[tilespmem:s9+$0xE090] =	vst v12  }
0x2bd: {  	s13 =	sor.u32 $0x300, s16;
	v6 =	vtrunc.f32 v6;
	v8 =	vmul.f32 v10, v0;
	v10 =	vadd.f32 v17, v1;
	[tilespmem:s9+$0xE190] =	vst v4  }
0x2be: {  	v17 =	vnsel vm1, $0x100, v21;
	v4 =	vtrunc.f32 v7;
	v12 =	vmul.f32 v15, v0;
	v15 =	vld [tilespmem:s13+$0x6000]  }
0x2bf: {  	s14 =	sor.u32 $0x380, s24;
	s24 =	smov.u32 s26;
	s26 =	smov.u32 s12;
	vm1 =	vlt.s32 v11, $0x100;
	v7 =	vmul.f32 v13, v0;
	v10 =	vtrunc.f32 v10;
	[tilespmem:s2+$0xE000] =	vst v17  }
0x2c0: {  	vm3 =	vlt.s32 v9, $0x100;
	v13 =	vadd.f32 v16, v1;
	vm2 =	vlt.s32 v22, $0x100;
	s2 =	smov.u32 s30;
	s30 =	smov.u32 s8;
	v16 =	vld [tilespmem:s14+$0x6000]  }
0x2c1: {  	v9 =	vnsel vm3, $0x100, v9;
	v3 =	vnsel vm0, $0x100, v3;
	v6 =	vcvt.f32.s32 v6  }
0x2c2: {  	v8 =	vadd.f32 v8, v1;
	v17 =	vcvt.f32.s32 v10;
	s8 =	sor.u32 $0x380, s3;
	s3 =	smov.u32 s16;
	s16 =	smov.u32 s5;
	v12 =	vadd.f32 v12, v1;
	[tilespmem:s11+$0xE000] =	vst v9  }
.Ltmp14:
0x2c3: {  	v9 =	vtrunc.f32 v13;
	v13 =	vnsel vm2, $0x100, v22;
	s11 =	smov.u32 s13;
	[tilespmem:s9+$0xE080] =	vst v3;
	v15 =	vmul.f32 v15, v0;
	v10 =	vld [tilespmem:s8+$0x6000];
	(pc) =	sbr.rel @p0 .LBB2_21-.Ltmp14, $4  }
0x2c4: {  	vm0 =	vlt.s32 v17, $0x100;
	v3 =	vcvt.f32.s32 v9;
	v9 =	vtrunc.f32 v12  }
0x2c5: {  	v17 =	vnsel vm0, $0x100, v17;
	v12 =	vcvt.f32.s32 v9;
	v16 =	vmul.f32 v16, v0  }
0x2c6: {  	v14 =	vtrunc.f32 v14;
	v9 =	vadd.f32 v15, v1;
	[tilespmem:s10+$0xE100] =	vst v13;
	v13 =	vadd.f32 v18, v1  }
0x2c7: {  	v14 =	vcvt.f32.s32 v14;
	v15 =	vnsel vm1, $0x100, v11;
	[tilespmem:s10+$0xE180] =	vst v17;
	v11 =	vadd.f32 v16, v1  }
0x2c8: {  	v5 =	vtrunc.f32 v5;
	v7 =	vadd.f32 v7, v1  }
0x2c9: {  	[tilespmem:s9+$0xE000] =	vst v15;
	vm1 =	vlt.s32 v12, $0x100;
	vm12 =	vlt.s32 v6, $0x100;
	v13 =	vtrunc.f32 v13  }
0x2ca: {  	v54 =	vtrunc.f32 v8;
	v4 =	vcvt.f32.s32 v4;
	[tilespmem:s10+$0xE110] =	vst v2;
	v12 =	vnsel vm1, $0x100, v12  }
0x2cb: {  	vm15 =	vlt.s32 v3, $0x100;
	v5 =	vcvt.f32.s32 v5;
	v53 =	vnsel vm12, $0x100, v6;
	[tilespmem:s10+$0xE010] =	vst v12  }
0x2cc: {  	vm0 =	vlt.s32 v14, $0x100;
	v56 =	vcvt.f32.s32 v54;
	v2 =	vnsel vm15, $0x100, v3;
	[tilespmem:s10+$0xE200] =	vst v53  }
0x2cd: {  	v14 =	vnsel vm0, $0x100, v14;
	v7 =	vtrunc.f32 v7;
	vm5 =	vlt.s32 v4, $0x100;
	[tilespmem:s10+$0xE080] =	vst v2  }
0x2ce: {  	vm11 =	vlt.s32 v5, $0x100;
	[tilespmem:s10+$0xE290] =	vst v14;
	v7 =	vcvt.f32.s32 v7;
	v4 =	vnsel vm5, $0x100, v4  }
0x2cf: {  	v52 =	vcvt.f32.s32 v13;
	vm4 =	vlt.s32 v56, $0x100;
	v5 =	vnsel vm11, $0x100, v5;
	[tilespmem:s10+$0xE190] =	vst v4  }
0x2d0: {  	v3 =	vld [tilespmem:s2+$0x6000];
	v2 =	vnsel vm4, $0x100, v56;
	[tilespmem:s10+$0xE210] =	vst v5;
	vm13 =	vlt.s32 v7, $0x100  }
0x2d1: {  	vm14 =	vlt.s32 v52, $0x100;
	[tilespmem:s10+$0xE000] =	vst v2;
	v55 =	vnsel vm13, $0x100, v7  }
0x2d2: {  	v57 =	vnsel vm14, $0x100, v52;
	[tilespmem:s10+$0xE280] =	vst v55  }
0x2d3: {  	s5 =	sor.u32 $0x300, s16;
	[tilespmem:s10+$0xE090] =	vst v57;
	v2 =	vld [tilespmem:s30+$0x6000]  }
0x2d4: {  	v4 =	vld [tilespmem:s5+$0x6000]  }
0x2d5: {  	v3 =	vmul.f32 v3, v0;
	_ =	sdelay $0x1  }
0x2d6: {  	v3 =	vadd.f32 v3, v1  }
0x2d7: {  	v2 =	vmul.f32 v2, v0  }
0x2d8: {  	v3 =	vtrunc.f32 v3;
	v4 =	vmul.f32 v4, v0  }
0x2d9: {  	v3 =	vcvt.f32.s32 v3;
	v2 =	vadd.f32 v2, v1  }
0x2da: {  	v58 =	vtrunc.f32 v9;
	v4 =	vadd.f32 v4, v1  }
0x2db: {  	v5 =	vcvt.f32.s32 v58;
	vm6 =	vlt.s32 v3, $0x100;
	v2 =	vtrunc.f32 v2  }
0x2dc: {  	v3 =	vnsel vm6, $0x100, v3;
	v4 =	vtrunc.f32 v4;
	v2 =	vcvt.f32.s32 v2  }
0x2dd: {  	s23 =	sor.u32 $0x380, s24;
	vm7 =	vlt.s32 v5, $0x100;
	[tilespmem:s2+$0xE000] =	vst v3;
	v4 =	vcvt.f32.s32 v4  }
0x2de: {  	v3 =	vnsel vm7, $0x100, v5;
	v59 =	vld [tilespmem:s23+$0x6000];
	vm8 =	vlt.s32 v2, $0x100  }
0x2df: {  	s3 =	sor.u32 $0x380, s3;
	[tilespmem:s11+$0xE000] =	vst v3;
	v3 =	vmul.f32 v10, v0;
	vm9 =	vlt.s32 v4, $0x100;
	v2 =	vnsel vm8, $0x100, v2  }
0x2e0: {  	s24 =	sor.u32 $0x380, s26;
	v60 =	vld [tilespmem:s3+$0x6000];
	[tilespmem:s30+$0xE000] =	vst v2;
	v2 =	vnsel vm9, $0x100, v4  }
0x2e1: {  	s26 =	sor.u32 $0x380, s16;
	v3 =	vadd.f32 v3, v1;
	v61 =	vld [tilespmem:s24+$0x6000];
	[tilespmem:s5+$0xE000] =	vst v2  }
0x2e2: {  	v62 =	vld [tilespmem:s26+$0x6000]  }
0x2e3: {  	v3 =	vtrunc.f32 v3;
	v5 =	vmul.f32 v59, v0  }
0x2e4: {  	v3 =	vcvt.f32.s32 v3  }
0x2e5: {  	v6 =	vmul.f32 v60, v0;
	v2 =	vtrunc.f32 v11;
	v5 =	vadd.f32 v5, v1  }
0x2e6: {  	vm11 =	vlt.s32 v3, $0x100;
	v2 =	vcvt.f32.s32 v2;
	v4 =	vmul.f32 v61, v0  }
0x2e7: {  	v6 =	vadd.f32 v6, v1;
	v3 =	vnsel vm11, $0x100, v3;
	v7 =	vmul.f32 v62, v0  }
0x2e8: {  	v5 =	vtrunc.f32 v5;
	vm10 =	vlt.s32 v2, $0x100;
	v4 =	vadd.f32 v4, v1  }
0x2e9: {  	v5 =	vcvt.f32.s32 v5;
	v6 =	vtrunc.f32 v6;
	v7 =	vadd.f32 v7, v1  }
0x2ea: {  	v2 =	vnsel vm10, $0x100, v2;
	v6 =	vcvt.f32.s32 v6;
	v4 =	vtrunc.f32 v4  }
0x2eb: {  	[tilespmem:s14+$0xE000] =	vst v2;
	vm12 =	vlt.s32 v5, $0x100;
	v2 =	vcvt.f32.s32 v4;
	v63 =	vtrunc.f32 v7  }
0x2ec: {  	[tilespmem:s8+$0xE000] =	vst v3;
	vm13 =	vlt.s32 v6, $0x100;
	v3 =	vnsel vm12, $0x100, v5;
	v4 =	vcvt.f32.s32 v63  }
0x2ed: {  	[tilespmem:s23+$0xE000] =	vst v3;
	v3 =	vnsel vm13, $0x100, v6;
	vm14 =	vlt.s32 v2, $0x100  }
0x2ee: {  	p0 =	seq.s32 s19, $0xF;
	[tilespmem:s3+$0xE000] =	vst v3;
	vm15 =	vlt.s32 v4, $0x100;
	v2 =	vnsel vm14, $0x100, v2  }
.Ltmp15:
0x2ef: {  	[tilespmem:s24+$0xE000] =	vst v2;
	v2 =	vnsel vm15, $0x100, v4;
	(pc) =	sbr.rel @p0 .LBB2_24-.Ltmp15, $4  }
0x2f0: {  	[tilespmem:s26+$0xE000] =	vst v2  }
0x2f1: {  	s2 =	rddreg [dreg:$0xf]  }
0x2f2: {  	s30 =	simm.s32 $0xE000;
	s2 =	sadd.s32 s21, s2  }
0x2f3: {  	[hbm4b:s2+s4] =	stream.linear.scatter [tilespmem:s30], [sflag:$0x8], $0x2000, $0x38;
	[tilespmem:$0x10080] =	vst v63  }
.Ltmp16:
0x2f4: {  	s2 =	rddreg [dreg:$0x10];
	(pc) =	sbr.rel .LBB2_2-.Ltmp16, $4  }
0x2f5: {  	s2 =	sadd.s32 s7, s2  }
0x2f6: {  	s2 =	sshll.u32 s2, $0xA  }
0x2f7: {  	s3 =	simm.s32 $0x6000;
	s19 =	sadd.s32 $0x1, s19;
	s2 =	sadd.s32 s1, s2  }
0x2f8: {  	[tilespmem:s3], [sflag:$0x4] =	stream.linear.gather [hbm4b:s2+s4], $0x2000, $0x38;
	[tilespmem:$0x10080] =	vst v63  }
.LBB2_25:
0x2f9: {  	_ =	sfence.sel $0x180000  }
0x2fa: {  	[bflag:$0x0] =	sbarrier.arrive $0xFFFF  }
0x2fb: {  	_ =	strace $0x90000047  }
0x2fc: {  	s0 =	stileid.u32;
	[bflag:$0x2] =	sbarrier.arrive $0xFFFF  }
0x2fd: {  	p0 =	sne.s32 s0, $0x0;
	s0 =	rddreg [dreg:$0x3]  }
0x2fe: {  	s0 =	sadd.s32 @!p0 $0x100000, s0  }
0x2ff: {  	[sflag:s0] =	ssyncadd.tile.s32 @!p0 $0x1;
	_ =	shalt  }
.Lfunc_end2:
_tile_overlayer_lowered:
.L_overlay_start_2:
0x300: {  	(tag) =	ssettag $0x2  }
0x301: {  	s0 =	rddreg [dreg:$0x0];
	s2 =	stileid.u32  }
0x302: {  	s1 =	rddreg [dreg:$0x1];
	p0 =	sne.s32 s2, $0x0  }
0x303: {  	s3 =	rddreg [dreg:$0x2];
	[bflag:$0x3] =	sbarrier.arrive $0xFFFF;
	s2 =	simm.s32 @!p0 $0x1C09  }
0x304: {  	[timem:s3], [sflag:s2] =	dma.local @!p0 [hbm:s0], s1  }
0x305: {  	s0 =	simm.s32 @!p0 $0x9  }
0x306: {  	_ =	swait.ge @!p0 [sflag:s0], s1  }
0x307: {  	s1 =	ssub.s32 @!p0 $0x0, s1;
	[sflag:s0] =	ssyncset.done @!p0 $0x0  }
0x308: {  	[sflag:s0] =	ssyncadd.s32 @!p0 s1  }
0x309: {  	[bflag:$0x3] =	sbarrier.arrive $0xFFFF  }
0x30a: {  	_ =	shalt  }

</sc_bundles>
